<compile_context>
chip_gen: v7x
topology: tpu7x:2x2x1
jax: 0.10.2.dev20260603
libtpu: 0.0.44.dev20260713+nightly
codegen_flags: <defaults>
</compile_context>

<pallas_src>
import jax
import jax.numpy as jnp
from jax import lax
from jax.experimental import pallas as pl
from jax.experimental.pallas import tpu as pltpu
from jax.experimental.pallas import tpu_sc as plsc

B, T, K, D = 4, 512, 1024, 256
N = B * T
NC, NS = 2, 16
NT = 8
TPW = N // NT
KH = K // 2
CH = D // 2
CW = 16
TBLK = 512


def _assign_body(x_ref, p_ref, pc_ref, ids_ref, cnt_ref, pn_s, cntT_s):
    x = x_ref[...]
    p = p_ref[...]
    dn = (((1,), (1,)), ((), ()))

    @pl.when(pl.program_id(0) == 0)
    def _():
        ones = jnp.ones((1, D), jnp.float32)
        pn_s[...] = lax.dot_general(ones, p * p, dn,
                                    preferred_element_type=jnp.float32)
        cntT_s[...] = jnp.zeros((1, K), jnp.float32)

    cross = lax.dot_general(x, p, dn, preferred_element_type=jnp.float32)
    bn = jnp.sum(x * x, axis=1, keepdims=True)
    d = (bn + pn_s[...]) - 2.0 * cross
    d = jnp.maximum(d, 0.0)
    m = jnp.min(d, axis=1, keepdims=True)
    ii = lax.broadcasted_iota(jnp.int32, d.shape, 1)
    idx = jnp.min(jnp.where(d == m, ii, K), axis=1, keepdims=True)
    ids_ref[...] = idx
    onehot = jnp.where(ii == idx, 1.0, 0.0)
    ones_row = jnp.ones((1, TBLK), jnp.float32)
    cntT_s[...] += lax.dot_general(ones_row, onehot, (((1,), (0,)), ((), ())),
                                   preferred_element_type=jnp.float32)

    @pl.when(pl.program_id(0) == pl.num_programs(0) - 1)
    def _():
        one1 = jnp.ones((1, 1), jnp.float32)
        cnt_ref[...] = pc_ref[...] + lax.dot_general(
            cntT_s[...], one1, (((0,), (0,)), ((), ())),
            preferred_element_type=jnp.float32)


def _sc_body(flat_hbm, ids_hbm, osum_hbm, toks_v, acc_v, ids_v, sem):
    c = lax.axis_index("c")
    s = lax.axis_index("s")
    kh = s & 1
    t = s >> 1
    copy = pltpu.async_copy(
        flat_hbm.at[pl.ds(t * TPW, TPW), pl.ds(c * CH, CH)], toks_v, sem)
    pltpu.sync_copy(ids_hbm.at[pl.ds(t * TPW, TPW)], ids_v)

    zero16 = jnp.zeros((CW,), jnp.float32)

    def zrow(r, carry):
        for j in range(CH // CW):
            acc_v[r, pl.ds(j * CW, CW)] = zero16
        return carry

    lax.fori_loop(0, KH, zrow, 0)
    copy.wait()

    base = kh * KH

    @plsc.parallel_loop(0, TPW // CW)
    def tok(g):
        gb = g * CW
        raw = ids_v[pl.ds(gb, CW)] - base
        oob = jnp.logical_or(raw < 0, raw >= KH)
        id16 = jnp.where(oob, KH, raw)
        idrs = [id16[j16] for j16 in range(CW)]
        for j16 in range(CW):
            for j in range(CH // CW):
                plsc.addupdate(acc_v.at[idrs[j16], pl.ds(j * CW, CW)],
                               toks_v[gb + j16, pl.ds(j * CW, CW)])

    pltpu.sync_copy(acc_v.at[pl.ds(0, KH)],
                    osum_hbm.at[t, pl.ds(kh * KH, KH), pl.ds(c * CH, CH)])


def _combine_body(ps_ref, sums_ref, cnt_ref, protos_ref, nsum_ref):
    acc = ps_ref[0] + ps_ref[1]
    for i in range(2, NT):
        acc = acc + ps_ref[i]
    sums = sums_ref[...] + acc
    protos_ref[...] = sums / jnp.maximum(cnt_ref[...], 1.0)
    nsum_ref[...] = sums


def kernel(batch, protos, protoSums, protoCounts, epoch):
    del epoch
    flat = batch.reshape(N, D)

    ids, ncnt = pl.pallas_call(
        _assign_body,
        grid=(N // TBLK,),
        in_specs=[
            pl.BlockSpec((TBLK, D), lambda i: (i, 0)),
            pl.BlockSpec((K, D), lambda i: (0, 0)),
            pl.BlockSpec((K, 1), lambda i: (0, 0)),
        ],
        out_specs=[
            pl.BlockSpec((TBLK, 1), lambda i: (i, 0)),
            pl.BlockSpec((K, 1), lambda i: (0, 0)),
        ],
        out_shape=(
            jax.ShapeDtypeStruct((N, 1), jnp.int32),
            jax.ShapeDtypeStruct((K, 1), jnp.float32),
        ),
        scratch_shapes=[
            pltpu.VMEM((1, K), jnp.float32),
            pltpu.VMEM((1, K), jnp.float32),
        ],
    )(flat, protos, protoCounts.reshape(K, 1))

    scatter = pl.kernel(
        _sc_body,
        out_type=jax.ShapeDtypeStruct((NT, K, D), jnp.float32),
        mesh=plsc.VectorSubcoreMesh(core_axis_name="c", subcore_axis_name="s"),
        scratch_types=(
            pltpu.VMEM((TPW, CH), jnp.float32),
            pltpu.VMEM((KH + 8, CH), jnp.float32),
            pltpu.VMEM((TPW,), jnp.int32),
            pltpu.SemaphoreType.DMA,
        ),
    )
    psums = scatter(flat, ids.reshape(N))

    newProtos, newSums = pl.pallas_call(
        _combine_body,
        out_shape=(
            jax.ShapeDtypeStruct((K, D), jnp.float32),
            jax.ShapeDtypeStruct((K, D), jnp.float32),
        ),
    )(psums, protoSums, ncnt)

    return (newProtos, newSums, ncnt.reshape(K))

# --- scband reference (transcript-rebuilt; emitter-appended) ---
"""Pipeline reference for scband-centroid-module-36112085025109 (READ-ONLY COPY).

The authoritative reference and input builder live on the scoring server;
editing this copy changes nothing except your own understanding.
"""

import jax, jax.numpy as jnp
import numpy as np

B, T, K, D = 4, 512, 1024, 256


def setup_inputs(seed: int = 0) -> dict:
    key = jax.random.key(seed)
    k1, k2 = jax.random.split(key)
    batch = jax.random.normal(k1, (B, T, D), dtype=jnp.float32)
    # protos initialized like the reprInit branch (randn / (5*sqrt(D))) so the
    # argmin assignment is non-degenerate (onlineKmeans zeros would be trivial).
    protos = jax.random.normal(k2, (K, D), dtype=jnp.float32) / (5.0 * np.sqrt(D))
    protoSums = jnp.zeros((K, D), dtype=jnp.float32)
    protoCounts = jnp.zeros((K,), dtype=jnp.float32)
    return {
        'batch': batch,
        'protos': protos,
        'protoSums': protoSums,
        'protoCounts': protoCounts,
        'epoch': 1,
    }


def _se_distances_to_centroids(batch, protos):
    # squared euclidean distances: ||b||^2 + ||p||^2 - 2 b.p  -> [B, T, K]
    bn = jnp.sum(batch * batch, axis=-1, keepdims=True)          # [B, T, 1]
    pn = jnp.sum(protos * protos, axis=-1)                        # [K]
    cross = jnp.einsum('btd,kd->btk', batch, protos)              # [B, T, K]
    return bn + pn[None, None, :] - 2.0 * cross


def reference(batch, protos, protoSums, protoCounts, epoch):
    # Faithful translation of encodingsBatchUpdate's onlineKmeans branch
    # (epoch > initAfterEpoch) including getBatchSums, implemented with
    # segment_sum/bincount instead of materializing the [B,T,K,D] scatter tensor
    # (identical math).
    distsSq = _se_distances_to_centroids(batch, protos)
    distsSq = jnp.clip(distsSq, 0.0, None)                        # torch.clamp(min=0)
    closest = jnp.argmin(distsSq, axis=-1)                        # [B, T]
    flat = batch.reshape(-1, batch.shape[-1])                     # [B*T, D]
    seg = closest.reshape(-1)                                     # [B*T]
    batchSums = jax.ops.segment_sum(flat, seg, num_segments=protos.shape[0])
    closestCounts = jnp.bincount(seg, length=protos.shape[0]).astype(jnp.float32)
    newProtoSums = protoSums + batchSums
    newProtoCounts = protoCounts + closestCounts
    newProtos = newProtoSums / jnp.clip(newProtoCounts[:, None], 1.0, None)
    return (newProtos, newProtoSums, newProtoCounts)

if __name__ == "__main__":
    import jax
    _d = setup_inputs()
    print(jax.jit(kernel)(*tuple(_d.values())))

</pallas_src>

<mosaic_0001>
#map = affine_map<(d0, d1) -> (0, 0)>
#map1 = affine_map<(d0, d1) -> (0)>
#map2 = affine_map<(d0, d1) -> (0, 0, 0)>
module attributes {stable_mosaic.version = 14 : i64} {
  func.func @_sc_body(%arg0: i32, %arg1: i32, %arg2: memref<2048x256xf32, #tpu.memory_space<hbm>>, %arg3: memref<2048xi32, #tpu.memory_space<hbm>>, %arg4: memref<8x1024x256xf32, #tpu.memory_space<hbm>>, %arg5: memref<256x128xf32, #tpu.memory_space<vmem>>, %arg6: memref<520x128xf32, #tpu.memory_space<vmem>>, %arg7: memref<256xi32, #tpu.memory_space<vmem>>, %arg8: memref<!tpu.dma_semaphore, #tpu.memory_space<semaphore_mem>>) attributes {dimension_semantics = [#tpu.dimension_semantics<core_parallel>, #tpu.dimension_semantics<subcore_parallel>], iteration_bounds = array<i64: 2, 16>, scalar_prefetch = 0 : i64, scratch_operands = 4 : i64, tpu.core_type = #tpu.core_type<sc_vector_subcore>, window_params = [{transform_indices = #map}, {transform_indices = #map1}, {transform_indices = #map2}]} {
    %and3A = arith.constant 1 : i32
    %and3A_0 = arith.andi %arg1, %and3A : i32
    %shift_right_arithmetic3A = arith.constant 1 : i32
    %shift_right_arithmetic3A_1 = arith.shrsi %arg1, %shift_right_arithmetic3A : i32
    %mul3A = arith.constant 256 : i32
    %mul3A_2 = arith.muli %shift_right_arithmetic3A_1, %mul3A : i32
    %mul3A_3 = arith.constant 128 : i32
    %mul3A_4 = arith.muli %arg0, %mul3A_3 : i32
    %dma_start3A = tpu.memref_slice %arg2[%mul3A_2, %mul3A_4] : memref<2048x256xf32, #tpu.memory_space<hbm>> -> memref<256x128xf32, #tpu.memory_space<hbm>>
    %dma_start3A_5 = tpu.memref_slice %arg2[%mul3A_2, %mul3A_4] : memref<2048x256xf32, #tpu.memory_space<hbm>> -> memref<256x128xf32, #tpu.memory_space<hbm>>
    tpu.enqueue_dma source(%dma_start3A_5 : memref<256x128xf32, #tpu.memory_space<hbm>>) target(%arg5 : memref<256x128xf32, #tpu.memory_space<vmem>>) target_semaphore(%arg8 : memref<!tpu.dma_semaphore, #tpu.memory_space<semaphore_mem>>)
    %mul3A_6 = arith.constant 256 : i32
    %mul3A_7 = arith.muli %shift_right_arithmetic3A_1, %mul3A_6 : i32
    "tpu.region"() ({
      %run_scoped3A = tpu.sem_alloc : memref<!tpu.dma_semaphore, #tpu.memory_space<semaphore_mem>>
      %dma_start3A_23 = tpu.memref_slice %arg3[%mul3A_7] : memref<2048xi32, #tpu.memory_space<hbm>> -> memref<256xi32, #tpu.memory_space<hbm>>
      %dma_start3A_24 = tpu.memref_slice %arg3[%mul3A_7] : memref<2048xi32, #tpu.memory_space<hbm>> -> memref<256xi32, #tpu.memory_space<hbm>>
      tpu.enqueue_dma source(%dma_start3A_24 : memref<256xi32, #tpu.memory_space<hbm>>) target(%arg7 : memref<256xi32, #tpu.memory_space<vmem>>) target_semaphore(%run_scoped3A : memref<!tpu.dma_semaphore, #tpu.memory_space<semaphore_mem>>)
      %dma_wait3A_25 = tpu.memref_slice %arg3[%mul3A_7] : memref<2048xi32, #tpu.memory_space<hbm>> -> memref<256xi32, #tpu.memory_space<hbm>>
      %dma_wait3A_26 = tpu.memref_slice %arg3[%mul3A_7] : memref<2048xi32, #tpu.memory_space<hbm>> -> memref<256xi32, #tpu.memory_space<hbm>>
      tpu.wait_dma2 semaphore(%run_scoped3A : memref<!tpu.dma_semaphore, #tpu.memory_space<semaphore_mem>>) src(%dma_wait3A_26 : memref<256xi32, #tpu.memory_space<hbm>>) dst(%arg7 : memref<256xi32, #tpu.memory_space<vmem>>)
      tpu.yield
    }) : () -> ()
    %broadcast_in_dim3A = arith.constant 0.000000e+00 : f32
    %broadcast_in_dim3A_8 = vector.broadcast %broadcast_in_dim3A : f32 to vector<16xf32>
    %scan3A = arith.constant 0 : i32
    %scan3A_9 = arith.constant 0 : i32
    %scan3A_10 = arith.constant 512 : i32
    %scan3A_11 = arith.addi %scan3A_9, %scan3A_10 : i32
    %scan3A_12 = arith.constant 1 : i32
    scf.for %scan3A_23 = %scan3A_9 to %scan3A_11 step %scan3A_12  : i32 {
      %swap3A = arith.index_cast %scan3A_23 : i32 to index
      %swap3A_24 = arith.constant 0 : index
      %swap3A_25 = tpu.vector_load %arg6[%swap3A, %swap3A_24] {strides = array<i32>} : memref<520x128xf32, #tpu.memory_space<vmem>>, vector<1x16xf32>,
      %swap3A_26 = vector.shape_cast %swap3A_25 : vector<1x16xf32> to vector<16xf32>
      %swap3A_27 = vector.shape_cast %broadcast_in_dim3A_8 : vector<16xf32> to vector<1x16xf32>
      tpu.vector_store %arg6[%swap3A, %swap3A_24], %swap3A_27 {strides = array<i32>} : memref<520x128xf32, #tpu.memory_space<vmem>>, vector<1x16xf32>,
      %swap3A_28 = arith.index_cast %scan3A_23 : i32 to index
      %swap3A_29 = arith.constant 16 : index
      %swap3A_30 = tpu.vector_load %arg6[%swap3A_28, %swap3A_29] {strides = array<i32>} : memref<520x128xf32, #tpu.memory_space<vmem>>, vector<1x16xf32>,
      %swap3A_31 = vector.shape_cast %swap3A_30 : vector<1x16xf32> to vector<16xf32>
      %swap3A_32 = vector.shape_cast %broadcast_in_dim3A_8 : vector<16xf32> to vector<1x16xf32>
      tpu.vector_store %arg6[%swap3A_28, %swap3A_29], %swap3A_32 {strides = array<i32>} : memref<520x128xf32, #tpu.memory_space<vmem>>, vector<1x16xf32>,
      %swap3A_33 = arith.index_cast %scan3A_23 : i32 to index
      %swap3A_34 = arith.constant 32 : index
      %swap3A_35 = tpu.vector_load %arg6[%swap3A_33, %swap3A_34] {strides = array<i32>} : memref<520x128xf32, #tpu.memory_space<vmem>>, vector<1x16xf32>,
      %swap3A_36 = vector.shape_cast %swap3A_35 : vector<1x16xf32> to vector<16xf32>
      %swap3A_37 = vector.shape_cast %broadcast_in_dim3A_8 : vector<16xf32> to vector<1x16xf32>
      tpu.vector_store %arg6[%swap3A_33, %swap3A_34], %swap3A_37 {strides = array<i32>} : memref<520x128xf32, #tpu.memory_space<vmem>>, vector<1x16xf32>,
      %swap3A_38 = arith.index_cast %scan3A_23 : i32 to index
      %swap3A_39 = arith.constant 48 : index
      %swap3A_40 = tpu.vector_load %arg6[%swap3A_38, %swap3A_39] {strides = array<i32>} : memref<520x128xf32, #tpu.memory_space<vmem>>, vector<1x16xf32>,
      %swap3A_41 = vector.shape_cast %swap3A_40 : vector<1x16xf32> to vector<16xf32>
      %swap3A_42 = vector.shape_cast %broadcast_in_dim3A_8 : vector<16xf32> to vector<1x16xf32>
      tpu.vector_store %arg6[%swap3A_38, %swap3A_39], %swap3A_42 {strides = array<i32>} : memref<520x128xf32, #tpu.memory_space<vmem>>, vector<1x16xf32>,
      %swap3A_43 = arith.index_cast %scan3A_23 : i32 to index
      %swap3A_44 = arith.constant 64 : index
      %swap3A_45 = tpu.vector_load %arg6[%swap3A_43, %swap3A_44] {strides = array<i32>} : memref<520x128xf32, #tpu.memory_space<vmem>>, vector<1x16xf32>,
      %swap3A_46 = vector.shape_cast %swap3A_45 : vector<1x16xf32> to vector<16xf32>
      %swap3A_47 = vector.shape_cast %broadcast_in_dim3A_8 : vector<16xf32> to vector<1x16xf32>
      tpu.vector_store %arg6[%swap3A_43, %swap3A_44], %swap3A_47 {strides = array<i32>} : memref<520x128xf32, #tpu.memory_space<vmem>>, vector<1x16xf32>,
      %swap3A_48 = arith.index_cast %scan3A_23 : i32 to index
      %swap3A_49 = arith.constant 80 : index
      %swap3A_50 = tpu.vector_load %arg6[%swap3A_48, %swap3A_49] {strides = array<i32>} : memref<520x128xf32, #tpu.memory_space<vmem>>, vector<1x16xf32>,
      %swap3A_51 = vector.shape_cast %swap3A_50 : vector<1x16xf32> to vector<16xf32>
      %swap3A_52 = vector.shape_cast %broadcast_in_dim3A_8 : vector<16xf32> to vector<1x16xf32>
      tpu.vector_store %arg6[%swap3A_48, %swap3A_49], %swap3A_52 {strides = array<i32>} : memref<520x128xf32, #tpu.memory_space<vmem>>, vector<1x16xf32>,
      %swap3A_53 = arith.index_cast %scan3A_23 : i32 to index
      %swap3A_54 = arith.constant 96 : index
      %swap3A_55 = tpu.vector_load %arg6[%swap3A_53, %swap3A_54] {strides = array<i32>} : memref<520x128xf32, #tpu.memory_space<vmem>>, vector<1x16xf32>,
      %swap3A_56 = vector.shape_cast %swap3A_55 : vector<1x16xf32> to vector<16xf32>
      %swap3A_57 = vector.shape_cast %broadcast_in_dim3A_8 : vector<16xf32> to vector<1x16xf32>
      tpu.vector_store %arg6[%swap3A_53, %swap3A_54], %swap3A_57 {strides = array<i32>} : memref<520x128xf32, #tpu.memory_space<vmem>>, vector<1x16xf32>,
      %swap3A_58 = arith.index_cast %scan3A_23 : i32 to index
      %swap3A_59 = arith.constant 112 : index
      %swap3A_60 = tpu.vector_load %arg6[%swap3A_58, %swap3A_59] {strides = array<i32>} : memref<520x128xf32, #tpu.memory_space<vmem>>, vector<1x16xf32>,
      %swap3A_61 = vector.shape_cast %swap3A_60 : vector<1x16xf32> to vector<16xf32>
      %swap3A_62 = vector.shape_cast %broadcast_in_dim3A_8 : vector<16xf32> to vector<1x16xf32>
      tpu.vector_store %arg6[%swap3A_58, %swap3A_59], %swap3A_62 {strides = array<i32>} : memref<520x128xf32, #tpu.memory_space<vmem>>, vector<1x16xf32>,
    }
    %scan3A_13 = arith.constant 512 : i32
    %dma_wait3A = tpu.memref_slice %arg2[%mul3A_2, %mul3A_4] : memref<2048x256xf32, #tpu.memory_space<hbm>> -> memref<256x128xf32, #tpu.memory_space<hbm>>
    %dma_wait3A_14 = tpu.memref_slice %arg2[%mul3A_2, %mul3A_4] : memref<2048x256xf32, #tpu.memory_space<hbm>> -> memref<256x128xf32, #tpu.memory_space<hbm>>
    tpu.wait_dma2 semaphore(%arg8 : memref<!tpu.dma_semaphore, #tpu.memory_space<semaphore_mem>>) src(%dma_wait3A_14 : memref<256x128xf32, #tpu.memory_space<hbm>>) dst(%arg5 : memref<256x128xf32, #tpu.memory_space<vmem>>)
    %mul3A_15 = arith.constant 512 : i32
    %mul3A_16 = arith.muli %and3A_0, %mul3A_15 : i32
    %parallel_loop3A = arith.constant 0 : i32
    %parallel_loop3A_17 = arith.constant 16 : i32
    %parallel_loop3A_18 = arith.constant 1 : i32
    scf.for %parallel_loop3A_23 = %parallel_loop3A to %parallel_loop3A_17 step %parallel_loop3A_18  : i32 {
      %parallel_loop3A_24 = arith.constant 16 : i32
      %parallel_loop3A_25 = arith.muli %parallel_loop3A_23, %parallel_loop3A_24 : i32
      %parallel_loop3A_26 = arith.index_cast %parallel_loop3A_25 : i32 to index
      %parallel_loop3A_27 = tpu.vector_load %arg7[%parallel_loop3A_26] {strides = array<i32>} : memref<256xi32, #tpu.memory_space<vmem>>, vector<16xi32>,
      %parallel_loop3A_28 = vector.shape_cast %parallel_loop3A_27 : vector<16xi32> to vector<16xi32>
      %parallel_loop3A_29 = vector.broadcast %mul3A_16 : i32 to vector<16xi32>
      %parallel_loop3A_30 = arith.subi %parallel_loop3A_28, %parallel_loop3A_29 : vector<16xi32>
      %parallel_loop3A_31 = arith.constant 0 : i32
      %parallel_loop3A_32 = vector.broadcast %parallel_loop3A_31 : i32 to vector<16xi32>
      %parallel_loop3A_33 = arith.cmpi slt, %parallel_loop3A_30, %parallel_loop3A_32 : vector<16xi32>
      %parallel_loop3A_34 = arith.constant 512 : i32
      %parallel_loop3A_35 = vector.broadcast %parallel_loop3A_34 : i32 to vector<16xi32>
      %parallel_loop3A_36 = arith.cmpi sge, %parallel_loop3A_30, %parallel_loop3A_35 : vector<16xi32>
      %parallel_loop3A_37 = arith.ori %parallel_loop3A_33, %parallel_loop3A_36 : vector<16xi1>
      %parallel_loop3A_38 = arith.constant 512 : i32
      %parallel_loop3A_39 = vector.broadcast %parallel_loop3A_38 : i32 to vector<16xi32>
      %parallel_loop3A_40 = arith.select %parallel_loop3A_37, %parallel_loop3A_39, %parallel_loop3A_30 : vector<16xi1>, vector<16xi32>
      %parallel_loop3A_41 = vector.extract_strided_slice %parallel_loop3A_40 {offsets = [0], sizes = [1], strides = [1]} : vector<16xi32> to vector<1xi32>
      %parallel_loop3A_42 = vector.extract %parallel_loop3A_41[0] : i32 from vector<1xi32>
      %parallel_loop3A_43 = vector.extract_strided_slice %parallel_loop3A_40 {offsets = [1], sizes = [1], strides = [1]} : vector<16xi32> to vector<1xi32>
      %parallel_loop3A_44 = vector.extract %parallel_loop3A_43[0] : i32 from vector<1xi32>
      %parallel_loop3A_45 = vector.extract_strided_slice %parallel_loop3A_40 {offsets = [2], sizes = [1], strides = [1]} : vector<16xi32> to vector<1xi32>
      %parallel_loop3A_46 = vector.extract %parallel_loop3A_45[0] : i32 from vector<1xi32>
      %parallel_loop3A_47 = vector.extract_strided_slice %parallel_loop3A_40 {offsets = [3], sizes = [1], strides = [1]} : vector<16xi32> to vector<1xi32>
      %parallel_loop3A_48 = vector.extract %parallel_loop3A_47[0] : i32 from vector<1xi32>
      %parallel_loop3A_49 = vector.extract_strided_slice %parallel_loop3A_40 {offsets = [4], sizes = [1], strides = [1]} : vector<16xi32> to vector<1xi32>
      %parallel_loop3A_50 = vector.extract %parallel_loop3A_49[0] : i32 from vector<1xi32>
      %parallel_loop3A_51 = vector.extract_strided_slice %parallel_loop3A_40 {offsets = [5], sizes = [1], strides = [1]} : vector<16xi32> to vector<1xi32>
      %parallel_loop3A_52 = vector.extract %parallel_loop3A_51[0] : i32 from vector<1xi32>
      %parallel_loop3A_53 = vector.extract_strided_slice %parallel_loop3A_40 {offsets = [6], sizes = [1], strides = [1]} : vector<16xi32> to vector<1xi32>
      %parallel_loop3A_54 = vector.extract %parallel_loop3A_53[0] : i32 from vector<1xi32>
      %parallel_loop3A_55 = vector.extract_strided_slice %parallel_loop3A_40 {offsets = [7], sizes = [1], strides = [1]} : vector<16xi32> to vector<1xi32>
      %parallel_loop3A_56 = vector.extract %parallel_loop3A_55[0] : i32 from vector<1xi32>
      %parallel_loop3A_57 = vector.extract_strided_slice %parallel_loop3A_40 {offsets = [8], sizes = [1], strides = [1]} : vector<16xi32> to vector<1xi32>
      %parallel_loop3A_58 = vector.extract %parallel_loop3A_57[0] : i32 from vector<1xi32>
      %parallel_loop3A_59 = vector.extract_strided_slice %parallel_loop3A_40 {offsets = [9], sizes = [1], strides = [1]} : vector<16xi32> to vector<1xi32>
      %parallel_loop3A_60 = vector.extract %parallel_loop3A_59[0] : i32 from vector<1xi32>
      %parallel_loop3A_61 = vector.extract_strided_slice %parallel_loop3A_40 {offsets = [10], sizes = [1], strides = [1]} : vector<16xi32> to vector<1xi32>
      %parallel_loop3A_62 = vector.extract %parallel_loop3A_61[0] : i32 from vector<1xi32>
      %parallel_loop3A_63 = vector.extract_strided_slice %parallel_loop3A_40 {offsets = [11], sizes = [1], strides = [1]} : vector<16xi32> to vector<1xi32>
      %parallel_loop3A_64 = vector.extract %parallel_loop3A_63[0] : i32 from vector<1xi32>
      %parallel_loop3A_65 = vector.extract_strided_slice %parallel_loop3A_40 {offsets = [12], sizes = [1], strides = [1]} : vector<16xi32> to vector<1xi32>
      %parallel_loop3A_66 = vector.extract %parallel_loop3A_65[0] : i32 from vector<1xi32>
      %parallel_loop3A_67 = vector.extract_strided_slice %parallel_loop3A_40 {offsets = [13], sizes = [1], strides = [1]} : vector<16xi32> to vector<1xi32>
      %parallel_loop3A_68 = vector.extract %parallel_loop3A_67[0] : i32 from vector<1xi32>
      %parallel_loop3A_69 = vector.extract_strided_slice %parallel_loop3A_40 {offsets = [14], sizes = [1], strides = [1]} : vector<16xi32> to vector<1xi32>
      %parallel_loop3A_70 = vector.extract %parallel_loop3A_69[0] : i32 from vector<1xi32>
      %parallel_loop3A_71 = vector.extract_strided_slice %parallel_loop3A_40 {offsets = [15], sizes = [1], strides = [1]} : vector<16xi32> to vector<1xi32>
      %parallel_loop3A_72 = vector.extract %parallel_loop3A_71[0] : i32 from vector<1xi32>
      %parallel_loop3A_73 = arith.constant 0 : i32
      %parallel_loop3A_74 = arith.addi %parallel_loop3A_25, %parallel_loop3A_73 : i32
      %parallel_loop3A_75 = arith.index_cast %parallel_loop3A_74 : i32 to index
      %parallel_loop3A_76 = arith.constant 0 : index
      %parallel_loop3A_77 = tpu.vector_load %arg5[%parallel_loop3A_75, %parallel_loop3A_76] {strides = array<i32>} : memref<256x128xf32, #tpu.memory_space<vmem>>, vector<1x16xf32>,
      %parallel_loop3A_78 = vector.shape_cast %parallel_loop3A_77 : vector<1x16xf32> to vector<16xf32>
      %parallel_loop3A_79 = arith.index_cast %parallel_loop3A_42 : i32 to index
      %parallel_loop3A_80 = arith.constant 0 : index
      %parallel_loop3A_81 = tpu.vector_load %arg6[%parallel_loop3A_79, %parallel_loop3A_80] {strides = array<i32>} : memref<520x128xf32, #tpu.memory_space<vmem>>, vector<1x16xf32>,
      %parallel_loop3A_82 = vector.shape_cast %parallel_loop3A_81 : vector<1x16xf32> to vector<16xf32>
      %parallel_loop3A_83 = vector.shape_cast %parallel_loop3A_78 : vector<16xf32> to vector<1x16xf32>
      tpu.vector_store %arg6[%parallel_loop3A_79, %parallel_loop3A_80], %parallel_loop3A_83 {add = true, strides = array<i32>} : memref<520x128xf32, #tpu.memory_space<vmem>>, vector<1x16xf32>,
      %parallel_loop3A_84 = arith.constant 0 : i32
      %parallel_loop3A_85 = arith.addi %parallel_loop3A_25, %parallel_loop3A_84 : i32
      %parallel_loop3A_86 = arith.index_cast %parallel_loop3A_85 : i32 to index
      %parallel_loop3A_87 = arith.constant 16 : index
      %parallel_loop3A_88 = tpu.vector_load %arg5[%parallel_loop3A_86, %parallel_loop3A_87] {strides = array<i32>} : memref<256x128xf32, #tpu.memory_space<vmem>>, vector<1x16xf32>,
      %parallel_loop3A_89 = vector.shape_cast %parallel_loop3A_88 : vector<1x16xf32> to vector<16xf32>
      %parallel_loop3A_90 = arith.index_cast %parallel_loop3A_42 : i32 to index
      %parallel_loop3A_91 = arith.constant 16 : index
      %parallel_loop3A_92 = tpu.vector_load %arg6[%parallel_loop3A_90, %parallel_loop3A_91] {strides = array<i32>} : memref<520x128xf32, #tpu.memory_space<vmem>>, vector<1x16xf32>,
      %parallel_loop3A_93 = vector.shape_cast %parallel_loop3A_92 : vector<1x16xf32> to vector<16xf32>
      %parallel_loop3A_94 = vector.shape_cast %parallel_loop3A_89 : vector<16xf32> to vector<1x16xf32>
      tpu.vector_store %arg6[%parallel_loop3A_90, %parallel_loop3A_91], %parallel_loop3A_94 {add = true, strides = array<i32>} : memref<520x128xf32, #tpu.memory_space<vmem>>, vector<1x16xf32>,
      %parallel_loop3A_95 = arith.constant 0 : i32
      %parallel_loop3A_96 = arith.addi %parallel_loop3A_25, %parallel_loop3A_95 : i32
      %parallel_loop3A_97 = arith.index_cast %parallel_loop3A_96 : i32 to index
      %parallel_loop3A_98 = arith.constant 32 : index
      %parallel_loop3A_99 = tpu.vector_load %arg5[%parallel_loop3A_97, %parallel_loop3A_98] {strides = array<i32>} : memref<256x128xf32, #tpu.memory_space<vmem>>, vector<1x16xf32>,
      %parallel_loop3A_100 = vector.shape_cast %parallel_loop3A_99 : vector<1x16xf32> to vector<16xf32>
      %parallel_loop3A_101 = arith.index_cast %parallel_loop3A_42 : i32 to index
      %parallel_loop3A_102 = arith.constant 32 : index
      %parallel_loop3A_103 = tpu.vector_load %arg6[%parallel_loop3A_101, %parallel_loop3A_102] {strides = array<i32>} : memref<520x128xf32, #tpu.memory_space<vmem>>, vector<1x16xf32>,
      %parallel_loop3A_104 = vector.shape_cast %parallel_loop3A_103 : vector<1x16xf32> to vector<16xf32>
      %parallel_loop3A_105 = vector.shape_cast %parallel_loop3A_100 : vector<16xf32> to vector<1x16xf32>
      tpu.vector_store %arg6[%parallel_loop3A_101, %parallel_loop3A_102], %parallel_loop3A_105 {add = true, strides = array<i32>} : memref<520x128xf32, #tpu.memory_space<vmem>>, vector<1x16xf32>,
      %parallel_loop3A_106 = arith.constant 0 : i32
      %parallel_loop3A_107 = arith.addi %parallel_loop3A_25, %parallel_loop3A_106 : i32
      %parallel_loop3A_108 = arith.index_cast %parallel_loop3A_107 : i32 to index
      %parallel_loop3A_109 = arith.constant 48 : index
      %parallel_loop3A_110 = tpu.vector_load %arg5[%parallel_loop3A_108, %parallel_loop3A_109] {strides = array<i32>} : memref<256x128xf32, #tpu.memory_space<vmem>>, vector<1x16xf32>,
      %parallel_loop3A_111 = vector.shape_cast %parallel_loop3A_110 : vector<1x16xf32> to vector<16xf32>
      %parallel_loop3A_112 = arith.index_cast %parallel_loop3A_42 : i32 to index
      %parallel_loop3A_113 = arith.constant 48 : index
      %parallel_loop3A_114 = tpu.vector_load %arg6[%parallel_loop3A_112, %parallel_loop3A_113] {strides = array<i32>} : memref<520x128xf32, #tpu.memory_space<vmem>>, vector<1x16xf32>,
      %parallel_loop3A_115 = vector.shape_cast %parallel_loop3A_114 : vector<1x16xf32> to vector<16xf32>
      %parallel_loop3A_116 = vector.shape_cast %parallel_loop3A_111 : vector<16xf32> to vector<1x16xf32>
      tpu.vector_store %arg6[%parallel_loop3A_112, %parallel_loop3A_113], %parallel_loop3A_116 {add = true, strides = array<i32>} : memref<520x128xf32, #tpu.memory_space<vmem>>, vector<1x16xf32>,
      %parallel_loop3A_117 = arith.constant 0 : i32
      %parallel_loop3A_118 = arith.addi %parallel_loop3A_25, %parallel_loop3A_117 : i32
      %parallel_loop3A_119 = arith.index_cast %parallel_loop3A_118 : i32 to index
      %parallel_loop3A_120 = arith.constant 64 : index
      %parallel_loop3A_121 = tpu.vector_load %arg5[%parallel_loop3A_119, %parallel_loop3A_120] {strides = array<i32>} : memref<256x128xf32, #tpu.memory_space<vmem>>, vector<1x16xf32>,
      %parallel_loop3A_122 = vector.shape_cast %parallel_loop3A_121 : vector<1x16xf32> to vector<16xf32>
      %parallel_loop3A_123 = arith.index_cast %parallel_loop3A_42 : i32 to index
      %parallel_loop3A_124 = arith.constant 64 : index
      %parallel_loop3A_125 = tpu.vector_load %arg6[%parallel_loop3A_123, %parallel_loop3A_124] {strides = array<i32>} : memref<520x128xf32, #tpu.memory_space<vmem>>, vector<1x16xf32>,
      %parallel_loop3A_126 = vector.shape_cast %parallel_loop3A_125 : vector<1x16xf32> to vector<16xf32>
      %parallel_loop3A_127 = vector.shape_cast %parallel_loop3A_122 : vector<16xf32> to vector<1x16xf32>
      tpu.vector_store %arg6[%parallel_loop3A_123, %parallel_loop3A_124], %parallel_loop3A_127 {add = true, strides = array<i32>} : memref<520x128xf32, #tpu.memory_space<vmem>>, vector<1x16xf32>,
      %parallel_loop3A_128 = arith.constant 0 : i32
      %parallel_loop3A_129 = arith.addi %parallel_loop3A_25, %parallel_loop3A_128 : i32
      %parallel_loop3A_130 = arith.index_cast %parallel_loop3A_129 : i32 to index
      %parallel_loop3A_131 = arith.constant 80 : index
      %parallel_loop3A_132 = tpu.vector_load %arg5[%parallel_loop3A_130, %parallel_loop3A_131] {strides = array<i32>} : memref<256x128xf32, #tpu.memory_space<vmem>>, vector<1x16xf32>,
      %parallel_loop3A_133 = vector.shape_cast %parallel_loop3A_132 : vector<1x16xf32> to vector<16xf32>
      %parallel_loop3A_134 = arith.index_cast %parallel_loop3A_42 : i32 to index
      %parallel_loop3A_135 = arith.constant 80 : index
      %parallel_loop3A_136 = tpu.vector_load %arg6[%parallel_loop3A_134, %parallel_loop3A_135] {strides = array<i32>} : memref<520x128xf32, #tpu.memory_space<vmem>>, vector<1x16xf32>,
      %parallel_loop3A_137 = vector.shape_cast %parallel_loop3A_136 : vector<1x16xf32> to vector<16xf32>
      %parallel_loop3A_138 = vector.shape_cast %parallel_loop3A_133 : vector<16xf32> to vector<1x16xf32>
      tpu.vector_store %arg6[%parallel_loop3A_134, %parallel_loop3A_135], %parallel_loop3A_138 {add = true, strides = array<i32>} : memref<520x128xf32, #tpu.memory_space<vmem>>, vector<1x16xf32>,
      %parallel_loop3A_139 = arith.constant 0 : i32
      %parallel_loop3A_140 = arith.addi %parallel_loop3A_25, %parallel_loop3A_139 : i32
      %parallel_loop3A_141 = arith.index_cast %parallel_loop3A_140 : i32 to index
      %parallel_loop3A_142 = arith.constant 96 : index
      %parallel_loop3A_143 = tpu.vector_load %arg5[%parallel_loop3A_141, %parallel_loop3A_142] {strides = array<i32>} : memref<256x128xf32, #tpu.memory_space<vmem>>, vector<1x16xf32>,
      %parallel_loop3A_144 = vector.shape_cast %parallel_loop3A_143 : vector<1x16xf32> to vector<16xf32>
      %parallel_loop3A_145 = arith.index_cast %parallel_loop3A_42 : i32 to index
      %parallel_loop3A_146 = arith.constant 96 : index
      %parallel_loop3A_147 = tpu.vector_load %arg6[%parallel_loop3A_145, %parallel_loop3A_146] {strides = array<i32>} : memref<520x128xf32, #tpu.memory_space<vmem>>, vector<1x16xf32>,
      %parallel_loop3A_148 = vector.shape_cast %parallel_loop3A_147 : vector<1x16xf32> to vector<16xf32>
      %parallel_loop3A_149 = vector.shape_cast %parallel_loop3A_144 : vector<16xf32> to vector<1x16xf32>
      tpu.vector_store %arg6[%parallel_loop3A_145, %parallel_loop3A_146], %parallel_loop3A_149 {add = true, strides = array<i32>} : memref<520x128xf32, #tpu.memory_space<vmem>>, vector<1x16xf32>,
      %parallel_loop3A_150 = arith.constant 0 : i32
      %parallel_loop3A_151 = arith.addi %parallel_loop3A_25, %parallel_loop3A_150 : i32
      %parallel_loop3A_152 = arith.index_cast %parallel_loop3A_151 : i32 to index
      %parallel_loop3A_153 = arith.constant 112 : index
      %parallel_loop3A_154 = tpu.vector_load %arg5[%parallel_loop3A_152, %parallel_loop3A_153] {strides = array<i32>} : memref<256x128xf32, #tpu.memory_space<vmem>>, vector<1x16xf32>,
      %parallel_loop3A_155 = vector.shape_cast %parallel_loop3A_154 : vector<1x16xf32> to vector<16xf32>
      %parallel_loop3A_156 = arith.index_cast %parallel_loop3A_42 : i32 to index
      %parallel_loop3A_157 = arith.constant 112 : index
      %parallel_loop3A_158 = tpu.vector_load %arg6[%parallel_loop3A_156, %parallel_loop3A_157] {strides = array<i32>} : memref<520x128xf32, #tpu.memory_space<vmem>>, vector<1x16xf32>,
      %parallel_loop3A_159 = vector.shape_cast %parallel_loop3A_158 : vector<1x16xf32> to vector<16xf32>
      %parallel_loop3A_160 = vector.shape_cast %parallel_loop3A_155 : vector<16xf32> to vector<1x16xf32>
      tpu.vector_store %arg6[%parallel_loop3A_156, %parallel_loop3A_157], %parallel_loop3A_160 {add = true, strides = array<i32>} : memref<520x128xf32, #tpu.memory_space<vmem>>, vector<1x16xf32>,
      %parallel_loop3A_161 = arith.constant 1 : i32
      %parallel_loop3A_162 = arith.addi %parallel_loop3A_25, %parallel_loop3A_161 : i32
      %parallel_loop3A_163 = arith.index_cast %parallel_loop3A_162 : i32 to index
      %parallel_loop3A_164 = arith.constant 0 : index
      %parallel_loop3A_165 = tpu.vector_load %arg5[%parallel_loop3A_163, %parallel_loop3A_164] {strides = array<i32>} : memref<256x128xf32, #tpu.memory_space<vmem>>, vector<1x16xf32>,
      %parallel_loop3A_166 = vector.shape_cast %parallel_loop3A_165 : vector<1x16xf32> to vector<16xf32>
      %parallel_loop3A_167 = arith.index_cast %parallel_loop3A_44 : i32 to index
      %parallel_loop3A_168 = arith.constant 0 : index
      %parallel_loop3A_169 = tpu.vector_load %arg6[%parallel_loop3A_167, %parallel_loop3A_168] {strides = array<i32>} : memref<520x128xf32, #tpu.memory_space<vmem>>, vector<1x16xf32>,
      %parallel_loop3A_170 = vector.shape_cast %parallel_loop3A_169 : vector<1x16xf32> to vector<16xf32>
      %parallel_loop3A_171 = vector.shape_cast %parallel_loop3A_166 : vector<16xf32> to vector<1x16xf32>
      tpu.vector_store %arg6[%parallel_loop3A_167, %parallel_loop3A_168], %parallel_loop3A_171 {add = true, strides = array<i32>} : memref<520x128xf32, #tpu.memory_space<vmem>>, vector<1x16xf32>,
      %parallel_loop3A_172 = arith.constant 1 : i32
      %parallel_loop3A_173 = arith.addi %parallel_loop3A_25, %parallel_loop3A_172 : i32
      %parallel_loop3A_174 = arith.index_cast %parallel_loop3A_173 : i32 to index
      %parallel_loop3A_175 = arith.constant 16 : index
      %parallel_loop3A_176 = tpu.vector_load %arg5[%parallel_loop3A_174, %parallel_loop3A_175] {strides = array<i32>} : memref<256x128xf32, #tpu.memory_space<vmem>>, vector<1x16xf32>,
      %parallel_loop3A_177 = vector.shape_cast %parallel_loop3A_176 : vector<1x16xf32> to vector<16xf32>
      %parallel_loop3A_178 = arith.index_cast %parallel_loop3A_44 : i32 to index
      %parallel_loop3A_179 = arith.constant 16 : index
      %parallel_loop3A_180 = tpu.vector_load %arg6[%parallel_loop3A_178, %parallel_loop3A_179] {strides = array<i32>} : memref<520x128xf32, #tpu.memory_space<vmem>>, vector<1x16xf32>,
      %parallel_loop3A_181 = vector.shape_cast %parallel_loop3A_180 : vector<1x16xf32> to vector<16xf32>
      %parallel_loop3A_182 = vector.shape_cast %parallel_loop3A_177 : vector<16xf32> to vector<1x16xf32>
      tpu.vector_store %arg6[%parallel_loop3A_178, %parallel_loop3A_179], %parallel_loop3A_182 {add = true, strides = array<i32>} : memref<520x128xf32, #tpu.memory_space<vmem>>, vector<1x16xf32>,
      %parallel_loop3A_183 = arith.constant 1 : i32
      %parallel_loop3A_184 = arith.addi %parallel_loop3A_25, %parallel_loop3A_183 : i32
      %parallel_loop3A_185 = arith.index_cast %parallel_loop3A_184 : i32 to index
      %parallel_loop3A_186 = arith.constant 32 : index
      %parallel_loop3A_187 = tpu.vector_load %arg5[%parallel_loop3A_185, %parallel_loop3A_186] {strides = array<i32>} : memref<256x128xf32, #tpu.memory_space<vmem>>, vector<1x16xf32>,
      %parallel_loop3A_188 = vector.shape_cast %parallel_loop3A_187 : vector<1x16xf32> to vector<16xf32>
      %parallel_loop3A_189 = arith.index_cast %parallel_loop3A_44 : i32 to index
      %parallel_loop3A_190 = arith.constant 32 : index
      %parallel_loop3A_191 = tpu.vector_load %arg6[%parallel_loop3A_189, %parallel_loop3A_190] {strides = array<i32>} : memref<520x128xf32, #tpu.memory_space<vmem>>, vector<1x16xf32>,
      %parallel_loop3A_192 = vector.shape_cast %parallel_loop3A_191 : vector<1x16xf32> to vector<16xf32>
      %parallel_loop3A_193 = vector.shape_cast %parallel_loop3A_188 : vector<16xf32> to vector<1x16xf32>
      tpu.vector_store %arg6[%parallel_loop3A_189, %parallel_loop3A_190], %parallel_loop3A_193 {add = true, strides = array<i32>} : memref<520x128xf32, #tpu.memory_space<vmem>>, vector<1x16xf32>,
      %parallel_loop3A_194 = arith.constant 1 : i32
      %parallel_loop3A_195 = arith.addi %parallel_loop3A_25, %parallel_loop3A_194 : i32
      %parallel_loop3A_196 = arith.index_cast %parallel_loop3A_195 : i32 to index
      %parallel_loop3A_197 = arith.constant 48 : index
      %parallel_loop3A_198 = tpu.vector_load %arg5[%parallel_loop3A_196, %parallel_loop3A_197] {strides = array<i32>} : memref<256x128xf32, #tpu.memory_space<vmem>>, vector<1x16xf32>,
      %parallel_loop3A_199 = vector.shape_cast %parallel_loop3A_198 : vector<1x16xf32> to vector<16xf32>
      %parallel_loop3A_200 = arith.index_cast %parallel_loop3A_44 : i32 to index
      %parallel_loop3A_201 = arith.constant 48 : index
      %parallel_loop3A_202 = tpu.vector_load %arg6[%parallel_loop3A_200, %parallel_loop3A_201] {strides = array<i32>} : memref<520x128xf32, #tpu.memory_space<vmem>>, vector<1x16xf32>,
      %parallel_loop3A_203 = vector.shape_cast %parallel_loop3A_202 : vector<1x16xf32> to vector<16xf32>
      %parallel_loop3A_204 = vector.shape_cast %parallel_loop3A_199 : vector<16xf32> to vector<1x16xf32>
      tpu.vector_store %arg6[%parallel_loop3A_200, %parallel_loop3A_201], %parallel_loop3A_204 {add = true, strides = array<i32>} : memref<520x128xf32, #tpu.memory_space<vmem>>, vector<1x16xf32>,
      %parallel_loop3A_205 = arith.constant 1 : i32
      %parallel_loop3A_206 = arith.addi %parallel_loop3A_25, %parallel_loop3A_205 : i32
      %parallel_loop3A_207 = arith.index_cast %parallel_loop3A_206 : i32 to index
      %parallel_loop3A_208 = arith.constant 64 : index
      %parallel_loop3A_209 = tpu.vector_load %arg5[%parallel_loop3A_207, %parallel_loop3A_208] {strides = array<i32>} : memref<256x128xf32, #tpu.memory_space<vmem>>, vector<1x16xf32>,
      %parallel_loop3A_210 = vector.shape_cast %parallel_loop3A_209 : vector<1x16xf32> to vector<16xf32>
      %parallel_loop3A_211 = arith.index_cast %parallel_loop3A_44 : i32 to index
      %parallel_loop3A_212 = arith.constant 64 : index
      %parallel_loop3A_213 = tpu.vector_load %arg6[%parallel_loop3A_211, %parallel_loop3A_212] {strides = array<i32>} : memref<520x128xf32, #tpu.memory_space<vmem>>, vector<1x16xf32>,
      %parallel_loop3A_214 = vector.shape_cast %parallel_loop3A_213 : vector<1x16xf32> to vector<16xf32>
      %parallel_loop3A_215 = vector.shape_cast %parallel_loop3A_210 : vector<16xf32> to vector<1x16xf32>
      tpu.vector_store %arg6[%parallel_loop3A_211, %parallel_loop3A_212], %parallel_loop3A_215 {add = true, strides = array<i32>} : memref<520x128xf32, #tpu.memory_space<vmem>>, vector<1x16xf32>,
      %parallel_loop3A_216 = arith.constant 1 : i32
      %parallel_loop3A_217 = arith.addi %parallel_loop3A_25, %parallel_loop3A_216 : i32
      %parallel_loop3A_218 = arith.index_cast %parallel_loop3A_217 : i32 to index
      %parallel_loop3A_219 = arith.constant 80 : index
      %parallel_loop3A_220 = tpu.vector_load %arg5[%parallel_loop3A_218, %parallel_loop3A_219] {strides = array<i32>} : memref<256x128xf32, #tpu.memory_space<vmem>>, vector<1x16xf32>,
      %parallel_loop3A_221 = vector.shape_cast %parallel_loop3A_220 : vector<1x16xf32> to vector<16xf32>
      %parallel_loop3A_222 = arith.index_cast %parallel_loop3A_44 : i32 to index
      %parallel_loop3A_223 = arith.constant 80 : index
      %parallel_loop3A_224 = tpu.vector_load %arg6[%parallel_loop3A_222, %parallel_loop3A_223] {strides = array<i32>} : memref<520x128xf32, #tpu.memory_space<vmem>>, vector<1x16xf32>,
      %parallel_loop3A_225 = vector.shape_cast %parallel_loop3A_224 : vector<1x16xf32> to vector<16xf32>
      %parallel_loop3A_226 = vector.shape_cast %parallel_loop3A_221 : vector<16xf32> to vector<1x16xf32>
      tpu.vector_store %arg6[%parallel_loop3A_222, %parallel_loop3A_223], %parallel_loop3A_226 {add = true, strides = array<i32>} : memref<520x128xf32, #tpu.memory_space<vmem>>, vector<1x16xf32>,
      %parallel_loop3A_227 = arith.constant 1 : i32
      %parallel_loop3A_228 = arith.addi %parallel_loop3A_25, %parallel_loop3A_227 : i32
      %parallel_loop3A_229 = arith.index_cast %parallel_loop3A_228 : i32 to index
      %parallel_loop3A_230 = arith.constant 96 : index
      %parallel_loop3A_231 = tpu.vector_load %arg5[%parallel_loop3A_229, %parallel_loop3A_230] {strides = array<i32>} : memref<256x128xf32, #tpu.memory_space<vmem>>, vector<1x16xf32>,
      %parallel_loop3A_232 = vector.shape_cast %parallel_loop3A_231 : vector<1x16xf32> to vector<16xf32>
      %parallel_loop3A_233 = arith.index_cast %parallel_loop3A_44 : i32 to index
      %parallel_loop3A_234 = arith.constant 96 : index
      %parallel_loop3A_235 = tpu.vector_load %arg6[%parallel_loop3A_233, %parallel_loop3A_234] {strides = array<i32>} : memref<520x128xf32, #tpu.memory_space<vmem>>, vector<1x16xf32>,
      %parallel_loop3A_236 = vector.shape_cast %parallel_loop3A_235 : vector<1x16xf32> to vector<16xf32>
      %parallel_loop3A_237 = vector.shape_cast %parallel_loop3A_232 : vector<16xf32> to vector<1x16xf32>
      tpu.vector_store %arg6[%parallel_loop3A_233, %parallel_loop3A_234], %parallel_loop3A_237 {add = true, strides = array<i32>} : memref<520x128xf32, #tpu.memory_space<vmem>>, vector<1x16xf32>,
      %parallel_loop3A_238 = arith.constant 1 : i32
      %parallel_loop3A_239 = arith.addi %parallel_loop3A_25, %parallel_loop3A_238 : i32
      %parallel_loop3A_240 = arith.index_cast %parallel_loop3A_239 : i32 to index
      %parallel_loop3A_241 = arith.constant 112 : index
      %parallel_loop3A_242 = tpu.vector_load %arg5[%parallel_loop3A_240, %parallel_loop3A_241] {strides = array<i32>} : memref<256x128xf32, #tpu.memory_space<vmem>>, vector<1x16xf32>,
      %parallel_loop3A_243 = vector.shape_cast %parallel_loop3A_242 : vector<1x16xf32> to vector<16xf32>
      %parallel_loop3A_244 = arith.index_cast %parallel_loop3A_44 : i32 to index
      %parallel_loop3A_245 = arith.constant 112 : index
      %parallel_loop3A_246 = tpu.vector_load %arg6[%parallel_loop3A_244, %parallel_loop3A_245] {strides = array<i32>} : memref<520x128xf32, #tpu.memory_space<vmem>>, vector<1x16xf32>,
      %parallel_loop3A_247 = vector.shape_cast %parallel_loop3A_246 : vector<1x16xf32> to vector<16xf32>
      %parallel_loop3A_248 = vector.shape_cast %parallel_loop3A_243 : vector<16xf32> to vector<1x16xf32>
      tpu.vector_store %arg6[%parallel_loop3A_244, %parallel_loop3A_245], %parallel_loop3A_248 {add = true, strides = array<i32>} : memref<520x128xf32, #tpu.memory_space<vmem>>, vector<1x16xf32>,
      %parallel_loop3A_249 = arith.constant 2 : i32
      %parallel_loop3A_250 = arith.addi %parallel_loop3A_25, %parallel_loop3A_249 : i32
      %parallel_loop3A_251 = arith.index_cast %parallel_loop3A_250 : i32 to index
      %parallel_loop3A_252 = arith.constant 0 : index
      %parallel_loop3A_253 = tpu.vector_load %arg5[%parallel_loop3A_251, %parallel_loop3A_252] {strides = array<i32>} : memref<256x128xf32, #tpu.memory_space<vmem>>, vector<1x16xf32>,
      %parallel_loop3A_254 = vector.shape_cast %parallel_loop3A_253 : vector<1x16xf32> to vector<16xf32>
      %parallel_loop3A_255 = arith.index_cast %parallel_loop3A_46 : i32 to index
      %parallel_loop3A_256 = arith.constant 0 : index
      %parallel_loop3A_257 = tpu.vector_load %arg6[%parallel_loop3A_255, %parallel_loop3A_256] {strides = array<i32>} : memref<520x128xf32, #tpu.memory_space<vmem>>, vector<1x16xf32>,
      %parallel_loop3A_258 = vector.shape_cast %parallel_loop3A_257 : vector<1x16xf32> to vector<16xf32>
      %parallel_loop3A_259 = vector.shape_cast %parallel_loop3A_254 : vector<16xf32> to vector<1x16xf32>
      tpu.vector_store %arg6[%parallel_loop3A_255, %parallel_loop3A_256], %parallel_loop3A_259 {add = true, strides = array<i32>} : memref<520x128xf32, #tpu.memory_space<vmem>>, vector<1x16xf32>,
      %parallel_loop3A_260 = arith.constant 2 : i32
      %parallel_loop3A_261 = arith.addi %parallel_loop3A_25, %parallel_loop3A_260 : i32
      %parallel_loop3A_262 = arith.index_cast %parallel_loop3A_261 : i32 to index
      %parallel_loop3A_263 = arith.constant 16 : index
      %parallel_loop3A_264 = tpu.vector_load %arg5[%parallel_loop3A_262, %parallel_loop3A_263] {strides = array<i32>} : memref<256x128xf32, #tpu.memory_space<vmem>>, vector<1x16xf32>,
      %parallel_loop3A_265 = vector.shape_cast %parallel_loop3A_264 : vector<1x16xf32> to vector<16xf32>
      %parallel_loop3A_266 = arith.index_cast %parallel_loop3A_46 : i32 to index
      %parallel_loop3A_267 = arith.constant 16 : index
      %parallel_loop3A_268 = tpu.vector_load %arg6[%parallel_loop3A_266, %parallel_loop3A_267] {strides = array<i32>} : memref<520x128xf32, #tpu.memory_space<vmem>>, vector<1x16xf32>,
      %parallel_loop3A_269 = vector.shape_cast %parallel_loop3A_268 : vector<1x16xf32> to vector<16xf32>
      %parallel_loop3A_270 = vector.shape_cast %parallel_loop3A_265 : vector<16xf32> to vector<1x16xf32>
      tpu.vector_store %arg6[%parallel_loop3A_266, %parallel_loop3A_267], %parallel_loop3A_270 {add = true, strides = array<i32>} : memref<520x128xf32, #tpu.memory_space<vmem>>, vector<1x16xf32>,
      %parallel_loop3A_271 = arith.constant 2 : i32
      %parallel_loop3A_272 = arith.addi %parallel_loop3A_25, %parallel_loop3A_271 : i32
      %parallel_loop3A_273 = arith.index_cast %parallel_loop3A_272 : i32 to index
      %parallel_loop3A_274 = arith.constant 32 : index
      %parallel_loop3A_275 = tpu.vector_load %arg5[%parallel_loop3A_273, %parallel_loop3A_274] {strides = array<i32>} : memref<256x128xf32, #tpu.memory_space<vmem>>, vector<1x16xf32>,
      %parallel_loop3A_276 = vector.shape_cast %parallel_loop3A_275 : vector<1x16xf32> to vector<16xf32>
      %parallel_loop3A_277 = arith.index_cast %parallel_loop3A_46 : i32 to index
      %parallel_loop3A_278 = arith.constant 32 : index
      %parallel_loop3A_279 = tpu.vector_load %arg6[%parallel_loop3A_277, %parallel_loop3A_278] {strides = array<i32>} : memref<520x128xf32, #tpu.memory_space<vmem>>, vector<1x16xf32>,
      %parallel_loop3A_280 = vector.shape_cast %parallel_loop3A_279 : vector<1x16xf32> to vector<16xf32>
      %parallel_loop3A_281 = vector.shape_cast %parallel_loop3A_276 : vector<16xf32> to vector<1x16xf32>
      tpu.vector_store %arg6[%parallel_loop3A_277, %parallel_loop3A_278], %parallel_loop3A_281 {add = true, strides = array<i32>} : memref<520x128xf32, #tpu.memory_space<vmem>>, vector<1x16xf32>,
      %parallel_loop3A_282 = arith.constant 2 : i32
      %parallel_loop3A_283 = arith.addi %parallel_loop3A_25, %parallel_loop3A_282 : i32
      %parallel_loop3A_284 = arith.index_cast %parallel_loop3A_283 : i32 to index
      %parallel_loop3A_285 = arith.constant 48 : index
      %parallel_loop3A_286 = tpu.vector_load %arg5[%parallel_loop3A_284, %parallel_loop3A_285] {strides = array<i32>} : memref<256x128xf32, #tpu.memory_space<vmem>>, vector<1x16xf32>,
      %parallel_loop3A_287 = vector.shape_cast %parallel_loop3A_286 : vector<1x16xf32> to vector<16xf32>
      %parallel_loop3A_288 = arith.index_cast %parallel_loop3A_46 : i32 to index
      %parallel_loop3A_289 = arith.constant 48 : index
      %parallel_loop3A_290 = tpu.vector_load %arg6[%parallel_loop3A_288, %parallel_loop3A_289] {strides = array<i32>} : memref<520x128xf32, #tpu.memory_space<vmem>>, vector<1x16xf32>,
      %parallel_loop3A_291 = vector.shape_cast %parallel_loop3A_290 : vector<1x16xf32> to vector<16xf32>
      %parallel_loop3A_292 = vector.shape_cast %parallel_loop3A_287 : vector<16xf32> to vector<1x16xf32>
      tpu.vector_store %arg6[%parallel_loop3A_288, %parallel_loop3A_289], %parallel_loop3A_292 {add = true, strides = array<i32>} : memref<520x128xf32, #tpu.memory_space<vmem>>, vector<1x16xf32>,
      %parallel_loop3A_293 = arith.constant 2 : i32
      %parallel_loop3A_294 = arith.addi %parallel_loop3A_25, %parallel_loop3A_293 : i32
      %parallel_loop3A_295 = arith.index_cast %parallel_loop3A_294 : i32 to index
      %parallel_loop3A_296 = arith.constant 64 : index
      %parallel_loop3A_297 = tpu.vector_load %arg5[%parallel_loop3A_295, %parallel_loop3A_296] {strides = array<i32>} : memref<256x128xf32, #tpu.memory_space<vmem>>, vector<1x16xf32>,
      %parallel_loop3A_298 = vector.shape_cast %parallel_loop3A_297 : vector<1x16xf32> to vector<16xf32>
      %parallel_loop3A_299 = arith.index_cast %parallel_loop3A_46 : i32 to index
      %parallel_loop3A_300 = arith.constant 64 : index
      %parallel_loop3A_301 = tpu.vector_load %arg6[%parallel_loop3A_299, %parallel_loop3A_300] {strides = array<i32>} : memref<520x128xf32, #tpu.memory_space<vmem>>, vector<1x16xf32>,
      %parallel_loop3A_302 = vector.shape_cast %parallel_loop3A_301 : vector<1x16xf32> to vector<16xf32>
      %parallel_loop3A_303 = vector.shape_cast %parallel_loop3A_298 : vector<16xf32> to vector<1x16xf32>
      tpu.vector_store %arg6[%parallel_loop3A_299, %parallel_loop3A_300], %parallel_loop3A_303 {add = true, strides = array<i32>} : memref<520x128xf32, #tpu.memory_space<vmem>>, vector<1x16xf32>,
      %parallel_loop3A_304 = arith.constant 2 : i32
      %parallel_loop3A_305 = arith.addi %parallel_loop3A_25, %parallel_loop3A_304 : i32
      %parallel_loop3A_306 = arith.index_cast %parallel_loop3A_305 : i32 to index
      %parallel_loop3A_307 = arith.constant 80 : index
      %parallel_loop3A_308 = tpu.vector_load %arg5[%parallel_loop3A_306, %parallel_loop3A_307] {strides = array<i32>} : memref<256x128xf32, #tpu.memory_space<vmem>>, vector<1x16xf32>,
      %parallel_loop3A_309 = vector.shape_cast %parallel_loop3A_308 : vector<1x16xf32> to vector<16xf32>
      %parallel_loop3A_310 = arith.index_cast %parallel_loop3A_46 : i32 to index
      %parallel_loop3A_311 = arith.constant 80 : index
      %parallel_loop3A_312 = tpu.vector_load %arg6[%parallel_loop3A_310, %parallel_loop3A_311] {strides = array<i32>} : memref<520x128xf32, #tpu.memory_space<vmem>>, vector<1x16xf32>,
      %parallel_loop3A_313 = vector.shape_cast %parallel_loop3A_312 : vector<1x16xf32> to vector<16xf32>
      %parallel_loop3A_314 = vector.shape_cast %parallel_loop3A_309 : vector<16xf32> to vector<1x16xf32>
      tpu.vector_store %arg6[%parallel_loop3A_310, %parallel_loop3A_311], %parallel_loop3A_314 {add = true, strides = array<i32>} : memref<520x128xf32, #tpu.memory_space<vmem>>, vector<1x16xf32>,
      %parallel_loop3A_315 = arith.constant 2 : i32
      %parallel_loop3A_316 = arith.addi %parallel_loop3A_25, %parallel_loop3A_315 : i32
      %parallel_loop3A_317 = arith.index_cast %parallel_loop3A_316 : i32 to index
      %parallel_loop3A_318 = arith.constant 96 : index
      %parallel_loop3A_319 = tpu.vector_load %arg5[%parallel_loop3A_317, %parallel_loop3A_318] {strides = array<i32>} : memref<256x128xf32, #tpu.memory_space<vmem>>, vector<1x16xf32>,
      %parallel_loop3A_320 = vector.shape_cast %parallel_loop3A_319 : vector<1x16xf32> to vector<16xf32>
      %parallel_loop3A_321 = arith.index_cast %parallel_loop3A_46 : i32 to index
      %parallel_loop3A_322 = arith.constant 96 : index
      %parallel_loop3A_323 = tpu.vector_load %arg6[%parallel_loop3A_321, %parallel_loop3A_322] {strides = array<i32>} : memref<520x128xf32, #tpu.memory_space<vmem>>, vector<1x16xf32>,
      %parallel_loop3A_324 = vector.shape_cast %parallel_loop3A_323 : vector<1x16xf32> to vector<16xf32>
      %parallel_loop3A_325 = vector.shape_cast %parallel_loop3A_320 : vector<16xf32> to vector<1x16xf32>
      tpu.vector_store %arg6[%parallel_loop3A_321, %parallel_loop3A_322], %parallel_loop3A_325 {add = true, strides = array<i32>} : memref<520x128xf32, #tpu.memory_space<vmem>>, vector<1x16xf32>,
      %parallel_loop3A_326 = arith.constant 2 : i32
      %parallel_loop3A_327 = arith.addi %parallel_loop3A_25, %parallel_loop3A_326 : i32
      %parallel_loop3A_328 = arith.index_cast %parallel_loop3A_327 : i32 to index
      %parallel_loop3A_329 = arith.constant 112 : index
      %parallel_loop3A_330 = tpu.vector_load %arg5[%parallel_loop3A_328, %parallel_loop3A_329] {strides = array<i32>} : memref<256x128xf32, #tpu.memory_space<vmem>>, vector<1x16xf32>,
      %parallel_loop3A_331 = vector.shape_cast %parallel_loop3A_330 : vector<1x16xf32> to vector<16xf32>
      %parallel_loop3A_332 = arith.index_cast %parallel_loop3A_46 : i32 to index
      %parallel_loop3A_333 = arith.constant 112 : index
      %parallel_loop3A_334 = tpu.vector_load %arg6[%parallel_loop3A_332, %parallel_loop3A_333] {strides = array<i32>} : memref<520x128xf32, #tpu.memory_space<vmem>>, vector<1x16xf32>,
      %parallel_loop3A_335 = vector.shape_cast %parallel_loop3A_334 : vector<1x16xf32> to vector<16xf32>
      %parallel_loop3A_336 = vector.shape_cast %parallel_loop3A_331 : vector<16xf32> to vector<1x16xf32>
      tpu.vector_store %arg6[%parallel_loop3A_332, %parallel_loop3A_333], %parallel_loop3A_336 {add = true, strides = array<i32>} : memref<520x128xf32, #tpu.memory_space<vmem>>, vector<1x16xf32>,
      %parallel_loop3A_337 = arith.constant 3 : i32
      %parallel_loop3A_338 = arith.addi %parallel_loop3A_25, %parallel_loop3A_337 : i32
      %parallel_loop3A_339 = arith.index_cast %parallel_loop3A_338 : i32 to index
      %parallel_loop3A_340 = arith.constant 0 : index
      %parallel_loop3A_341 = tpu.vector_load %arg5[%parallel_loop3A_339, %parallel_loop3A_340] {strides = array<i32>} : memref<256x128xf32, #tpu.memory_space<vmem>>, vector<1x16xf32>,
      %parallel_loop3A_342 = vector.shape_cast %parallel_loop3A_341 : vector<1x16xf32> to vector<16xf32>
      %parallel_loop3A_343 = arith.index_cast %parallel_loop3A_48 : i32 to index
      %parallel_loop3A_344 = arith.constant 0 : index
      %parallel_loop3A_345 = tpu.vector_load %arg6[%parallel_loop3A_343, %parallel_loop3A_344] {strides = array<i32>} : memref<520x128xf32, #tpu.memory_space<vmem>>, vector<1x16xf32>,
      %parallel_loop3A_346 = vector.shape_cast %parallel_loop3A_345 : vector<1x16xf32> to vector<16xf32>
      %parallel_loop3A_347 = vector.shape_cast %parallel_loop3A_342 : vector<16xf32> to vector<1x16xf32>
      tpu.vector_store %arg6[%parallel_loop3A_343, %parallel_loop3A_344], %parallel_loop3A_347 {add = true, strides = array<i32>} : memref<520x128xf32, #tpu.memory_space<vmem>>, vector<1x16xf32>,
      %parallel_loop3A_348 = arith.constant 3 : i32
      %parallel_loop3A_349 = arith.addi %parallel_loop3A_25, %parallel_loop3A_348 : i32
      %parallel_loop3A_350 = arith.index_cast %parallel_loop3A_349 : i32 to index
      %parallel_loop3A_351 = arith.constant 16 : index
      %parallel_loop3A_352 = tpu.vector_load %arg5[%parallel_loop3A_350, %parallel_loop3A_351] {strides = array<i32>} : memref<256x128xf32, #tpu.memory_space<vmem>>, vector<1x16xf32>,
      %parallel_loop3A_353 = vector.shape_cast %parallel_loop3A_352 : vector<1x16xf32> to vector<16xf32>
      %parallel_loop3A_354 = arith.index_cast %parallel_loop3A_48 : i32 to index
      %parallel_loop3A_355 = arith.constant 16 : index
      %parallel_loop3A_356 = tpu.vector_load %arg6[%parallel_loop3A_354, %parallel_loop3A_355] {strides = array<i32>} : memref<520x128xf32, #tpu.memory_space<vmem>>, vector<1x16xf32>,
      %parallel_loop3A_357 = vector.shape_cast %parallel_loop3A_356 : vector<1x16xf32> to vector<16xf32>
      %parallel_loop3A_358 = vector.shape_cast %parallel_loop3A_353 : vector<16xf32> to vector<1x16xf32>
      tpu.vector_store %arg6[%parallel_loop3A_354, %parallel_loop3A_355], %parallel_loop3A_358 {add = true, strides = array<i32>} : memref<520x128xf32, #tpu.memory_space<vmem>>, vector<1x16xf32>,
      %parallel_loop3A_359 = arith.constant 3 : i32
      %parallel_loop3A_360 = arith.addi %parallel_loop3A_25, %parallel_loop3A_359 : i32
      %parallel_loop3A_361 = arith.index_cast %parallel_loop3A_360 : i32 to index
      %parallel_loop3A_362 = arith.constant 32 : index
      %parallel_loop3A_363 = tpu.vector_load %arg5[%parallel_loop3A_361, %parallel_loop3A_362] {strides = array<i32>} : memref<256x128xf32, #tpu.memory_space<vmem>>, vector<1x16xf32>,
      %parallel_loop3A_364 = vector.shape_cast %parallel_loop3A_363 : vector<1x16xf32> to vector<16xf32>
      %parallel_loop3A_365 = arith.index_cast %parallel_loop3A_48 : i32 to index
      %parallel_loop3A_366 = arith.constant 32 : index
      %parallel_loop3A_367 = tpu.vector_load %arg6[%parallel_loop3A_365, %parallel_loop3A_366] {strides = array<i32>} : memref<520x128xf32, #tpu.memory_space<vmem>>, vector<1x16xf32>,
      %parallel_loop3A_368 = vector.shape_cast %parallel_loop3A_367 : vector<1x16xf32> to vector<16xf32>
      %parallel_loop3A_369 = vector.shape_cast %parallel_loop3A_364 : vector<16xf32> to vector<1x16xf32>
      tpu.vector_store %arg6[%parallel_loop3A_365, %parallel_loop3A_366], %parallel_loop3A_369 {add = true, strides = array<i32>} : memref<520x128xf32, #tpu.memory_space<vmem>>, vector<1x16xf32>,
      %parallel_loop3A_370 = arith.constant 3 : i32
      %parallel_loop3A_371 = arith.addi %parallel_loop3A_25, %parallel_loop3A_370 : i32
      %parallel_loop3A_372 = arith.index_cast %parallel_loop3A_371 : i32 to index
      %parallel_loop3A_373 = arith.constant 48 : index
      %parallel_loop3A_374 = tpu.vector_load %arg5[%parallel_loop3A_372, %parallel_loop3A_373] {strides = array<i32>} : memref<256x128xf32, #tpu.memory_space<vmem>>, vector<1x16xf32>,
      %parallel_loop3A_375 = vector.shape_cast %parallel_loop3A_374 : vector<1x16xf32> to vector<16xf32>
      %parallel_loop3A_376 = arith.index_cast %parallel_loop3A_48 : i32 to index
      %parallel_loop3A_377 = arith.constant 48 : index
      %parallel_loop3A_378 = tpu.vector_load %arg6[%parallel_loop3A_376, %parallel_loop3A_377] {strides = array<i32>} : memref<520x128xf32, #tpu.memory_space<vmem>>, vector<1x16xf32>,
      %parallel_loop3A_379 = vector.shape_cast %parallel_loop3A_378 : vector<1x16xf32> to vector<16xf32>
      %parallel_loop3A_380 = vector.shape_cast %parallel_loop3A_375 : vector<16xf32> to vector<1x16xf32>
      tpu.vector_store %arg6[%parallel_loop3A_376, %parallel_loop3A_377], %parallel_loop3A_380 {add = true, strides = array<i32>} : memref<520x128xf32, #tpu.memory_space<vmem>>, vector<1x16xf32>,
      %parallel_loop3A_381 = arith.constant 3 : i32
      %parallel_loop3A_382 = arith.addi %parallel_loop3A_25, %parallel_loop3A_381 : i32
      %parallel_loop3A_383 = arith.index_cast %parallel_loop3A_382 : i32 to index
      %parallel_loop3A_384 = arith.constant 64 : index
      %parallel_loop3A_385 = tpu.vector_load %arg5[%parallel_loop3A_383, %parallel_loop3A_384] {strides = array<i32>} : memref<256x128xf32, #tpu.memory_space<vmem>>, vector<1x16xf32>,
      %parallel_loop3A_386 = vector.shape_cast %parallel_loop3A_385 : vector<1x16xf32> to vector<16xf32>
      %parallel_loop3A_387 = arith.index_cast %parallel_loop3A_48 : i32 to index
      %parallel_loop3A_388 = arith.constant 64 : index
      %parallel_loop3A_389 = tpu.vector_load %arg6[%parallel_loop3A_387, %parallel_loop3A_388] {strides = array<i32>} : memref<520x128xf32, #tpu.memory_space<vmem>>, vector<1x16xf32>,
      %parallel_loop3A_390 = vector.shape_cast %parallel_loop3A_389 : vector<1x16xf32> to vector<16xf32>
      %parallel_loop3A_391 = vector.shape_cast %parallel_loop3A_386 : vector<16xf32> to vector<1x16xf32>
      tpu.vector_store %arg6[%parallel_loop3A_387, %parallel_loop3A_388], %parallel_loop3A_391 {add = true, strides = array<i32>} : memref<520x128xf32, #tpu.memory_space<vmem>>, vector<1x16xf32>,
      %parallel_loop3A_392 = arith.constant 3 : i32
      %parallel_loop3A_393 = arith.addi %parallel_loop3A_25, %parallel_loop3A_392 : i32
      %parallel_loop3A_394 = arith.index_cast %parallel_loop3A_393 : i32 to index
      %parallel_loop3A_395 = arith.constant 80 : index
      %parallel_loop3A_396 = tpu.vector_load %arg5[%parallel_loop3A_394, %parallel_loop3A_395] {strides = array<i32>} : memref<256x128xf32, #tpu.memory_space<vmem>>, vector<1x16xf32>,
      %parallel_loop3A_397 = vector.shape_cast %parallel_loop3A_396 : vector<1x16xf32> to vector<16xf32>
      %parallel_loop3A_398 = arith.index_cast %parallel_loop3A_48 : i32 to index
      %parallel_loop3A_399 = arith.constant 80 : index
      %parallel_loop3A_400 = tpu.vector_load %arg6[%parallel_loop3A_398, %parallel_loop3A_399] {strides = array<i32>} : memref<520x128xf32, #tpu.memory_space<vmem>>, vector<1x16xf32>,
      %parallel_loop3A_401 = vector.shape_cast %parallel_loop3A_400 : vector<1x16xf32> to vector<16xf32>
      %parallel_loop3A_402 = vector.shape_cast %parallel_loop3A_397 : vector<16xf32> to vector<1x16xf32>
      tpu.vector_store %arg6[%parallel_loop3A_398, %parallel_loop3A_399], %parallel_loop3A_402 {add = true, strides = array<i32>} : memref<520x128xf32, #tpu.memory_space<vmem>>, vector<1x16xf32>,
      %parallel_loop3A_403 = arith.constant 3 : i32
      %parallel_loop3A_404 = arith.addi %parallel_loop3A_25, %parallel_loop3A_403 : i32
      %parallel_loop3A_405 = arith.index_cast %parallel_loop3A_404 : i32 to index
      %parallel_loop3A_406 = arith.constant 96 : index
      %parallel_loop3A_407 = tpu.vector_load %arg5[%parallel_loop3A_405, %parallel_loop3A_406] {strides = array<i32>} : memref<256x128xf32, #tpu.memory_space<vmem>>, vector<1x16xf32>,
      %parallel_loop3A_408 = vector.shape_cast %parallel_loop3A_407 : vector<1x16xf32> to vector<16xf32>
      %parallel_loop3A_409 = arith.index_cast %parallel_loop3A_48 : i32 to index
      %parallel_loop3A_410 = arith.constant 96 : index
      %parallel_loop3A_411 = tpu.vector_load %arg6[%parallel_loop3A_409, %parallel_loop3A_410] {strides = array<i32>} : memref<520x128xf32, #tpu.memory_space<vmem>>, vector<1x16xf32>,
      %parallel_loop3A_412 = vector.shape_cast %parallel_loop3A_411 : vector<1x16xf32> to vector<16xf32>
      %parallel_loop3A_413 = vector.shape_cast %parallel_loop3A_408 : vector<16xf32> to vector<1x16xf32>
      tpu.vector_store %arg6[%parallel_loop3A_409, %parallel_loop3A_410], %parallel_loop3A_413 {add = true, strides = array<i32>} : memref<520x128xf32, #tpu.memory_space<vmem>>, vector<1x16xf32>,
      %parallel_loop3A_414 = arith.constant 3 : i32
      %parallel_loop3A_415 = arith.addi %parallel_loop3A_25, %parallel_loop3A_414 : i32
      %parallel_loop3A_416 = arith.index_cast %parallel_loop3A_415 : i32 to index
      %parallel_loop3A_417 = arith.constant 112 : index
      %parallel_loop3A_418 = tpu.vector_load %arg5[%parallel_loop3A_416, %parallel_loop3A_417] {strides = array<i32>} : memref<256x128xf32, #tpu.memory_space<vmem>>, vector<1x16xf32>,
      %parallel_loop3A_419 = vector.shape_cast %parallel_loop3A_418 : vector<1x16xf32> to vector<16xf32>
      %parallel_loop3A_420 = arith.index_cast %parallel_loop3A_48 : i32 to index
      %parallel_loop3A_421 = arith.constant 112 : index
      %parallel_loop3A_422 = tpu.vector_load %arg6[%parallel_loop3A_420, %parallel_loop3A_421] {strides = array<i32>} : memref<520x128xf32, #tpu.memory_space<vmem>>, vector<1x16xf32>,
      %parallel_loop3A_423 = vector.shape_cast %parallel_loop3A_422 : vector<1x16xf32> to vector<16xf32>
      %parallel_loop3A_424 = vector.shape_cast %parallel_loop3A_419 : vector<16xf32> to vector<1x16xf32>
      tpu.vector_store %arg6[%parallel_loop3A_420, %parallel_loop3A_421], %parallel_loop3A_424 {add = true, strides = array<i32>} : memref<520x128xf32, #tpu.memory_space<vmem>>, vector<1x16xf32>,
      %parallel_loop3A_425 = arith.constant 4 : i32
      %parallel_loop3A_426 = arith.addi %parallel_loop3A_25, %parallel_loop3A_425 : i32
      %parallel_loop3A_427 = arith.index_cast %parallel_loop3A_426 : i32 to index
      %parallel_loop3A_428 = arith.constant 0 : index
      %parallel_loop3A_429 = tpu.vector_load %arg5[%parallel_loop3A_427, %parallel_loop3A_428] {strides = array<i32>} : memref<256x128xf32, #tpu.memory_space<vmem>>, vector<1x16xf32>,
      %parallel_loop3A_430 = vector.shape_cast %parallel_loop3A_429 : vector<1x16xf32> to vector<16xf32>
      %parallel_loop3A_431 = arith.index_cast %parallel_loop3A_50 : i32 to index
      %parallel_loop3A_432 = arith.constant 0 : index
      %parallel_loop3A_433 = tpu.vector_load %arg6[%parallel_loop3A_431, %parallel_loop3A_432] {strides = array<i32>} : memref<520x128xf32, #tpu.memory_space<vmem>>, vector<1x16xf32>,
      %parallel_loop3A_434 = vector.shape_cast %parallel_loop3A_433 : vector<1x16xf32> to vector<16xf32>
      %parallel_loop3A_435 = vector.shape_cast %parallel_loop3A_430 : vector<16xf32> to vector<1x16xf32>
      tpu.vector_store %arg6[%parallel_loop3A_431, %parallel_loop3A_432], %parallel_loop3A_435 {add = true, strides = array<i32>} : memref<520x128xf32, #tpu.memory_space<vmem>>, vector<1x16xf32>,
      %parallel_loop3A_436 = arith.constant 4 : i32
      %parallel_loop3A_437 = arith.addi %parallel_loop3A_25, %parallel_loop3A_436 : i32
      %parallel_loop3A_438 = arith.index_cast %parallel_loop3A_437 : i32 to index
      %parallel_loop3A_439 = arith.constant 16 : index
      %parallel_loop3A_440 = tpu.vector_load %arg5[%parallel_loop3A_438, %parallel_loop3A_439] {strides = array<i32>} : memref<256x128xf32, #tpu.memory_space<vmem>>, vector<1x16xf32>,
      %parallel_loop3A_441 = vector.shape_cast %parallel_loop3A_440 : vector<1x16xf32> to vector<16xf32>
      %parallel_loop3A_442 = arith.index_cast %parallel_loop3A_50 : i32 to index
      %parallel_loop3A_443 = arith.constant 16 : index
      %parallel_loop3A_444 = tpu.vector_load %arg6[%parallel_loop3A_442, %parallel_loop3A_443] {strides = array<i32>} : memref<520x128xf32, #tpu.memory_space<vmem>>, vector<1x16xf32>,
      %parallel_loop3A_445 = vector.shape_cast %parallel_loop3A_444 : vector<1x16xf32> to vector<16xf32>
      %parallel_loop3A_446 = vector.shape_cast %parallel_loop3A_441 : vector<16xf32> to vector<1x16xf32>
      tpu.vector_store %arg6[%parallel_loop3A_442, %parallel_loop3A_443], %parallel_loop3A_446 {add = true, strides = array<i32>} : memref<520x128xf32, #tpu.memory_space<vmem>>, vector<1x16xf32>,
      %parallel_loop3A_447 = arith.constant 4 : i32
      %parallel_loop3A_448 = arith.addi %parallel_loop3A_25, %parallel_loop3A_447 : i32
      %parallel_loop3A_449 = arith.index_cast %parallel_loop3A_448 : i32 to index
      %parallel_loop3A_450 = arith.constant 32 : index
      %parallel_loop3A_451 = tpu.vector_load %arg5[%parallel_loop3A_449, %parallel_loop3A_450] {strides = array<i32>} : memref<256x128xf32, #tpu.memory_space<vmem>>, vector<1x16xf32>,
      %parallel_loop3A_452 = vector.shape_cast %parallel_loop3A_451 : vector<1x16xf32> to vector<16xf32>
      %parallel_loop3A_453 = arith.index_cast %parallel_loop3A_50 : i32 to index
      %parallel_loop3A_454 = arith.constant 32 : index
      %parallel_loop3A_455 = tpu.vector_load %arg6[%parallel_loop3A_453, %parallel_loop3A_454] {strides = array<i32>} : memref<520x128xf32, #tpu.memory_space<vmem>>, vector<1x16xf32>,
      %parallel_loop3A_456 = vector.shape_cast %parallel_loop3A_455 : vector<1x16xf32> to vector<16xf32>
      %parallel_loop3A_457 = vector.shape_cast %parallel_loop3A_452 : vector<16xf32> to vector<1x16xf32>
      tpu.vector_store %arg6[%parallel_loop3A_453, %parallel_loop3A_454], %parallel_loop3A_457 {add = true, strides = array<i32>} : memref<520x128xf32, #tpu.memory_space<vmem>>, vector<1x16xf32>,
      %parallel_loop3A_458 = arith.constant 4 : i32
      %parallel_loop3A_459 = arith.addi %parallel_loop3A_25, %parallel_loop3A_458 : i32
      %parallel_loop3A_460 = arith.index_cast %parallel_loop3A_459 : i32 to index
      %parallel_loop3A_461 = arith.constant 48 : index
      %parallel_loop3A_462 = tpu.vector_load %arg5[%parallel_loop3A_460, %parallel_loop3A_461] {strides = array<i32>} : memref<256x128xf32, #tpu.memory_space<vmem>>, vector<1x16xf32>,
      %parallel_loop3A_463 = vector.shape_cast %parallel_loop3A_462 : vector<1x16xf32> to vector<16xf32>
      %parallel_loop3A_464 = arith.index_cast %parallel_loop3A_50 : i32 to index
      %parallel_loop3A_465 = arith.constant 48 : index
      %parallel_loop3A_466 = tpu.vector_load %arg6[%parallel_loop3A_464, %parallel_loop3A_465] {strides = array<i32>} : memref<520x128xf32, #tpu.memory_space<vmem>>, vector<1x16xf32>,
      %parallel_loop3A_467 = vector.shape_cast %parallel_loop3A_466 : vector<1x16xf32> to vector<16xf32>
      %parallel_loop3A_468 = vector.shape_cast %parallel_loop3A_463 : vector<16xf32> to vector<1x16xf32>
      tpu.vector_store %arg6[%parallel_loop3A_464, %parallel_loop3A_465], %parallel_loop3A_468 {add = true, strides = array<i32>} : memref<520x128xf32, #tpu.memory_space<vmem>>, vector<1x16xf32>,
      %parallel_loop3A_469 = arith.constant 4 : i32
      %parallel_loop3A_470 = arith.addi %parallel_loop3A_25, %parallel_loop3A_469 : i32
      %parallel_loop3A_471 = arith.index_cast %parallel_loop3A_470 : i32 to index
      %parallel_loop3A_472 = arith.constant 64 : index
      %parallel_loop3A_473 = tpu.vector_load %arg5[%parallel_loop3A_471, %parallel_loop3A_472] {strides = array<i32>} : memref<256x128xf32, #tpu.memory_space<vmem>>, vector<1x16xf32>,
      %parallel_loop3A_474 = vector.shape_cast %parallel_loop3A_473 : vector<1x16xf32> to vector<16xf32>
      %parallel_loop3A_475 = arith.index_cast %parallel_loop3A_50 : i32 to index
      %parallel_loop3A_476 = arith.constant 64 : index
      %parallel_loop3A_477 = tpu.vector_load %arg6[%parallel_loop3A_475, %parallel_loop3A_476] {strides = array<i32>} : memref<520x128xf32, #tpu.memory_space<vmem>>, vector<1x16xf32>,
      %parallel_loop3A_478 = vector.shape_cast %parallel_loop3A_477 : vector<1x16xf32> to vector<16xf32>
      %parallel_loop3A_479 = vector.shape_cast %parallel_loop3A_474 : vector<16xf32> to vector<1x16xf32>
      tpu.vector_store %arg6[%parallel_loop3A_475, %parallel_loop3A_476], %parallel_loop3A_479 {add = true, strides = array<i32>} : memref<520x128xf32, #tpu.memory_space<vmem>>, vector<1x16xf32>,
      %parallel_loop3A_480 = arith.constant 4 : i32
      %parallel_loop3A_481 = arith.addi %parallel_loop3A_25, %parallel_loop3A_480 : i32
      %parallel_loop3A_482 = arith.index_cast %parallel_loop3A_481 : i32 to index
      %parallel_loop3A_483 = arith.constant 80 : index
      %parallel_loop3A_484 = tpu.vector_load %arg5[%parallel_loop3A_482, %parallel_loop3A_483] {strides = array<i32>} : memref<256x128xf32, #tpu.memory_space<vmem>>, vector<1x16xf32>,
      %parallel_loop3A_485 = vector.shape_cast %parallel_loop3A_484 : vector<1x16xf32> to vector<16xf32>
      %parallel_loop3A_486 = arith.index_cast %parallel_loop3A_50 : i32 to index
      %parallel_loop3A_487 = arith.constant 80 : index
      %parallel_loop3A_488 = tpu.vector_load %arg6[%parallel_loop3A_486, %parallel_loop3A_487] {strides = array<i32>} : memref<520x128xf32, #tpu.memory_space<vmem>>, vector<1x16xf32>,
      %parallel_loop3A_489 = vector.shape_cast %parallel_loop3A_488 : vector<1x16xf32> to vector<16xf32>
      %parallel_loop3A_490 = vector.shape_cast %parallel_loop3A_485 : vector<16xf32> to vector<1x16xf32>
      tpu.vector_store %arg6[%parallel_loop3A_486, %parallel_loop3A_487], %parallel_loop3A_490 {add = true, strides = array<i32>} : memref<520x128xf32, #tpu.memory_space<vmem>>, vector<1x16xf32>,
      %parallel_loop3A_491 = arith.constant 4 : i32
      %parallel_loop3A_492 = arith.addi %parallel_loop3A_25, %parallel_loop3A_491 : i32
      %parallel_loop3A_493 = arith.index_cast %parallel_loop3A_492 : i32 to index
      %parallel_loop3A_494 = arith.constant 96 : index
      %parallel_loop3A_495 = tpu.vector_load %arg5[%parallel_loop3A_493, %parallel_loop3A_494] {strides = array<i32>} : memref<256x128xf32, #tpu.memory_space<vmem>>, vector<1x16xf32>,
      %parallel_loop3A_496 = vector.shape_cast %parallel_loop3A_495 : vector<1x16xf32> to vector<16xf32>
      %parallel_loop3A_497 = arith.index_cast %parallel_loop3A_50 : i32 to index
      %parallel_loop3A_498 = arith.constant 96 : index
      %parallel_loop3A_499 = tpu.vector_load %arg6[%parallel_loop3A_497, %parallel_loop3A_498] {strides = array<i32>} : memref<520x128xf32, #tpu.memory_space<vmem>>, vector<1x16xf32>,
      %parallel_loop3A_500 = vector.shape_cast %parallel_loop3A_499 : vector<1x16xf32> to vector<16xf32>
      %parallel_loop3A_501 = vector.shape_cast %parallel_loop3A_496 : vector<16xf32> to vector<1x16xf32>
      tpu.vector_store %arg6[%parallel_loop3A_497, %parallel_loop3A_498], %parallel_loop3A_501 {add = true, strides = array<i32>} : memref<520x128xf32, #tpu.memory_space<vmem>>, vector<1x16xf32>,
      %parallel_loop3A_502 = arith.constant 4 : i32
      %parallel_loop3A_503 = arith.addi %parallel_loop3A_25, %parallel_loop3A_502 : i32
      %parallel_loop3A_504 = arith.index_cast %parallel_loop3A_503 : i32 to index
      %parallel_loop3A_505 = arith.constant 112 : index
      %parallel_loop3A_506 = tpu.vector_load %arg5[%parallel_loop3A_504, %parallel_loop3A_505] {strides = array<i32>} : memref<256x128xf32, #tpu.memory_space<vmem>>, vector<1x16xf32>,
      %parallel_loop3A_507 = vector.shape_cast %parallel_loop3A_506 : vector<1x16xf32> to vector<16xf32>
      %parallel_loop3A_508 = arith.index_cast %parallel_loop3A_50 : i32 to index
      %parallel_loop3A_509 = arith.constant 112 : index
      %parallel_loop3A_510 = tpu.vector_load %arg6[%parallel_loop3A_508, %parallel_loop3A_509] {strides = array<i32>} : memref<520x128xf32, #tpu.memory_space<vmem>>, vector<1x16xf32>,
      %parallel_loop3A_511 = vector.shape_cast %parallel_loop3A_510 : vector<1x16xf32> to vector<16xf32>
      %parallel_loop3A_512 = vector.shape_cast %parallel_loop3A_507 : vector<16xf32> to vector<1x16xf32>
      tpu.vector_store %arg6[%parallel_loop3A_508, %parallel_loop3A_509], %parallel_loop3A_512 {add = true, strides = array<i32>} : memref<520x128xf32, #tpu.memory_space<vmem>>, vector<1x16xf32>,
      %parallel_loop3A_513 = arith.constant 5 : i32
      %parallel_loop3A_514 = arith.addi %parallel_loop3A_25, %parallel_loop3A_513 : i32
      %parallel_loop3A_515 = arith.index_cast %parallel_loop3A_514 : i32 to index
      %parallel_loop3A_516 = arith.constant 0 : index
      %parallel_loop3A_517 = tpu.vector_load %arg5[%parallel_loop3A_515, %parallel_loop3A_516] {strides = array<i32>} : memref<256x128xf32, #tpu.memory_space<vmem>>, vector<1x16xf32>,
      %parallel_loop3A_518 = vector.shape_cast %parallel_loop3A_517 : vector<1x16xf32> to vector<16xf32>
      %parallel_loop3A_519 = arith.index_cast %parallel_loop3A_52 : i32 to index
      %parallel_loop3A_520 = arith.constant 0 : index
      %parallel_loop3A_521 = tpu.vector_load %arg6[%parallel_loop3A_519, %parallel_loop3A_520] {strides = array<i32>} : memref<520x128xf32, #tpu.memory_space<vmem>>, vector<1x16xf32>,
      %parallel_loop3A_522 = vector.shape_cast %parallel_loop3A_521 : vector<1x16xf32> to vector<16xf32>
      %parallel_loop3A_523 = vector.shape_cast %parallel_loop3A_518 : vector<16xf32> to vector<1x16xf32>
      tpu.vector_store %arg6[%parallel_loop3A_519, %parallel_loop3A_520], %parallel_loop3A_523 {add = true, strides = array<i32>} : memref<520x128xf32, #tpu.memory_space<vmem>>, vector<1x16xf32>,
      %parallel_loop3A_524 = arith.constant 5 : i32
      %parallel_loop3A_525 = arith.addi %parallel_loop3A_25, %parallel_loop3A_524 : i32
      %parallel_loop3A_526 = arith.index_cast %parallel_loop3A_525 : i32 to index
      %parallel_loop3A_527 = arith.constant 16 : index
      %parallel_loop3A_528 = tpu.vector_load %arg5[%parallel_loop3A_526, %parallel_loop3A_527] {strides = array<i32>} : memref<256x128xf32, #tpu.memory_space<vmem>>, vector<1x16xf32>,
      %parallel_loop3A_529 = vector.shape_cast %parallel_loop3A_528 : vector<1x16xf32> to vector<16xf32>
      %parallel_loop3A_530 = arith.index_cast %parallel_loop3A_52 : i32 to index
      %parallel_loop3A_531 = arith.constant 16 : index
      %parallel_loop3A_532 = tpu.vector_load %arg6[%parallel_loop3A_530, %parallel_loop3A_531] {strides = array<i32>} : memref<520x128xf32, #tpu.memory_space<vmem>>, vector<1x16xf32>,
      %parallel_loop3A_533 = vector.shape_cast %parallel_loop3A_532 : vector<1x16xf32> to vector<16xf32>
      %parallel_loop3A_534 = vector.shape_cast %parallel_loop3A_529 : vector<16xf32> to vector<1x16xf32>
      tpu.vector_store %arg6[%parallel_loop3A_530, %parallel_loop3A_531], %parallel_loop3A_534 {add = true, strides = array<i32>} : memref<520x128xf32, #tpu.memory_space<vmem>>, vector<1x16xf32>,
      %parallel_loop3A_535 = arith.constant 5 : i32
      %parallel_loop3A_536 = arith.addi %parallel_loop3A_25, %parallel_loop3A_535 : i32
      %parallel_loop3A_537 = arith.index_cast %parallel_loop3A_536 : i32 to index
      %parallel_loop3A_538 = arith.constant 32 : index
      %parallel_loop3A_539 = tpu.vector_load %arg5[%parallel_loop3A_537, %parallel_loop3A_538] {strides = array<i32>} : memref<256x128xf32, #tpu.memory_space<vmem>>, vector<1x16xf32>,
      %parallel_loop3A_540 = vector.shape_cast %parallel_loop3A_539 : vector<1x16xf32> to vector<16xf32>
      %parallel_loop3A_541 = arith.index_cast %parallel_loop3A_52 : i32 to index
      %parallel_loop3A_542 = arith.constant 32 : index
      %parallel_loop3A_543 = tpu.vector_load %arg6[%parallel_loop3A_541, %parallel_loop3A_542] {strides = array<i32>} : memref<520x128xf32, #tpu.memory_space<vmem>>, vector<1x16xf32>,
      %parallel_loop3A_544 = vector.shape_cast %parallel_loop3A_543 : vector<1x16xf32> to vector<16xf32>
      %parallel_loop3A_545 = vector.shape_cast %parallel_loop3A_540 : vector<16xf32> to vector<1x16xf32>
      tpu.vector_store %arg6[%parallel_loop3A_541, %parallel_loop3A_542], %parallel_loop3A_545 {add = true, strides = array<i32>} : memref<520x128xf32, #tpu.memory_space<vmem>>, vector<1x16xf32>,
      %parallel_loop3A_546 = arith.constant 5 : i32
      %parallel_loop3A_547 = arith.addi %parallel_loop3A_25, %parallel_loop3A_546 : i32
      %parallel_loop3A_548 = arith.index_cast %parallel_loop3A_547 : i32 to index
      %parallel_loop3A_549 = arith.constant 48 : index
      %parallel_loop3A_550 = tpu.vector_load %arg5[%parallel_loop3A_548, %parallel_loop3A_549] {strides = array<i32>} : memref<256x128xf32, #tpu.memory_space<vmem>>, vector<1x16xf32>,
      %parallel_loop3A_551 = vector.shape_cast %parallel_loop3A_550 : vector<1x16xf32> to vector<16xf32>
      %parallel_loop3A_552 = arith.index_cast %parallel_loop3A_52 : i32 to index
      %parallel_loop3A_553 = arith.constant 48 : index
      %parallel_loop3A_554 = tpu.vector_load %arg6[%parallel_loop3A_552, %parallel_loop3A_553] {strides = array<i32>} : memref<520x128xf32, #tpu.memory_space<vmem>>, vector<1x16xf32>,
      %parallel_loop3A_555 = vector.shape_cast %parallel_loop3A_554 : vector<1x16xf32> to vector<16xf32>
      %parallel_loop3A_556 = vector.shape_cast %parallel_loop3A_551 : vector<16xf32> to vector<1x16xf32>
      tpu.vector_store %arg6[%parallel_loop3A_552, %parallel_loop3A_553], %parallel_loop3A_556 {add = true, strides = array<i32>} : memref<520x128xf32, #tpu.memory_space<vmem>>, vector<1x16xf32>,
      %parallel_loop3A_557 = arith.constant 5 : i32
      %parallel_loop3A_558 = arith.addi %parallel_loop3A_25, %parallel_loop3A_557 : i32
      %parallel_loop3A_559 = arith.index_cast %parallel_loop3A_558 : i32 to index
      %parallel_loop3A_560 = arith.constant 64 : index
      %parallel_loop3A_561 = tpu.vector_load %arg5[%parallel_loop3A_559, %parallel_loop3A_560] {strides = array<i32>} : memref<256x128xf32, #tpu.memory_space<vmem>>, vector<1x16xf32>,
      %parallel_loop3A_562 = vector.shape_cast %parallel_loop3A_561 : vector<1x16xf32> to vector<16xf32>
      %parallel_loop3A_563 = arith.index_cast %parallel_loop3A_52 : i32 to index
      %parallel_loop3A_564 = arith.constant 64 : index
      %parallel_loop3A_565 = tpu.vector_load %arg6[%parallel_loop3A_563, %parallel_loop3A_564] {strides = array<i32>} : memref<520x128xf32, #tpu.memory_space<vmem>>, vector<1x16xf32>,
      %parallel_loop3A_566 = vector.shape_cast %parallel_loop3A_565 : vector<1x16xf32> to vector<16xf32>
      %parallel_loop3A_567 = vector.shape_cast %parallel_loop3A_562 : vector<16xf32> to vector<1x16xf32>
      tpu.vector_store %arg6[%parallel_loop3A_563, %parallel_loop3A_564], %parallel_loop3A_567 {add = true, strides = array<i32>} : memref<520x128xf32, #tpu.memory_space<vmem>>, vector<1x16xf32>,
      %parallel_loop3A_568 = arith.constant 5 : i32
      %parallel_loop3A_569 = arith.addi %parallel_loop3A_25, %parallel_loop3A_568 : i32
      %parallel_loop3A_570 = arith.index_cast %parallel_loop3A_569 : i32 to index
      %parallel_loop3A_571 = arith.constant 80 : index
      %parallel_loop3A_572 = tpu.vector_load %arg5[%parallel_loop3A_570, %parallel_loop3A_571] {strides = array<i32>} : memref<256x128xf32, #tpu.memory_space<vmem>>, vector<1x16xf32>,
      %parallel_loop3A_573 = vector.shape_cast %parallel_loop3A_572 : vector<1x16xf32> to vector<16xf32>
      %parallel_loop3A_574 = arith.index_cast %parallel_loop3A_52 : i32 to index
      %parallel_loop3A_575 = arith.constant 80 : index
      %parallel_loop3A_576 = tpu.vector_load %arg6[%parallel_loop3A_574, %parallel_loop3A_575] {strides = array<i32>} : memref<520x128xf32, #tpu.memory_space<vmem>>, vector<1x16xf32>,
      %parallel_loop3A_577 = vector.shape_cast %parallel_loop3A_576 : vector<1x16xf32> to vector<16xf32>
      %parallel_loop3A_578 = vector.shape_cast %parallel_loop3A_573 : vector<16xf32> to vector<1x16xf32>
      tpu.vector_store %arg6[%parallel_loop3A_574, %parallel_loop3A_575], %parallel_loop3A_578 {add = true, strides = array<i32>} : memref<520x128xf32, #tpu.memory_space<vmem>>, vector<1x16xf32>,
      %parallel_loop3A_579 = arith.constant 5 : i32
      %parallel_loop3A_580 = arith.addi %parallel_loop3A_25, %parallel_loop3A_579 : i32
      %parallel_loop3A_581 = arith.index_cast %parallel_loop3A_580 : i32 to index
      %parallel_loop3A_582 = arith.constant 96 : index
      %parallel_loop3A_583 = tpu.vector_load %arg5[%parallel_loop3A_581, %parallel_loop3A_582] {strides = array<i32>} : memref<256x128xf32, #tpu.memory_space<vmem>>, vector<1x16xf32>,
      %parallel_loop3A_584 = vector.shape_cast %parallel_loop3A_583 : vector<1x16xf32> to vector<16xf32>
      %parallel_loop3A_585 = arith.index_cast %parallel_loop3A_52 : i32 to index
      %parallel_loop3A_586 = arith.constant 96 : index
      %parallel_loop3A_587 = tpu.vector_load %arg6[%parallel_loop3A_585, %parallel_loop3A_586] {strides = array<i32>} : memref<520x128xf32, #tpu.memory_space<vmem>>, vector<1x16xf32>,
      %parallel_loop3A_588 = vector.shape_cast %parallel_loop3A_587 : vector<1x16xf32> to vector<16xf32>
      %parallel_loop3A_589 = vector.shape_cast %parallel_loop3A_584 : vector<16xf32> to vector<1x16xf32>
      tpu.vector_store %arg6[%parallel_loop3A_585, %parallel_loop3A_586], %parallel_loop3A_589 {add = true, strides = array<i32>} : memref<520x128xf32, #tpu.memory_space<vmem>>, vector<1x16xf32>,
      %parallel_loop3A_590 = arith.constant 5 : i32
      %parallel_loop3A_591 = arith.addi %parallel_loop3A_25, %parallel_loop3A_590 : i32
      %parallel_loop3A_592 = arith.index_cast %parallel_loop3A_591 : i32 to index
      %parallel_loop3A_593 = arith.constant 112 : index
      %parallel_loop3A_594 = tpu.vector_load %arg5[%parallel_loop3A_592, %parallel_loop3A_593] {strides = array<i32>} : memref<256x128xf32, #tpu.memory_space<vmem>>, vector<1x16xf32>,
      %parallel_loop3A_595 = vector.shape_cast %parallel_loop3A_594 : vector<1x16xf32> to vector<16xf32>
      %parallel_loop3A_596 = arith.index_cast %parallel_loop3A_52 : i32 to index
      %parallel_loop3A_597 = arith.constant 112 : index
      %parallel_loop3A_598 = tpu.vector_load %arg6[%parallel_loop3A_596, %parallel_loop3A_597] {strides = array<i32>} : memref<520x128xf32, #tpu.memory_space<vmem>>, vector<1x16xf32>,
      %parallel_loop3A_599 = vector.shape_cast %parallel_loop3A_598 : vector<1x16xf32> to vector<16xf32>
      %parallel_loop3A_600 = vector.shape_cast %parallel_loop3A_595 : vector<16xf32> to vector<1x16xf32>
      tpu.vector_store %arg6[%parallel_loop3A_596, %parallel_loop3A_597], %parallel_loop3A_600 {add = true, strides = array<i32>} : memref<520x128xf32, #tpu.memory_space<vmem>>, vector<1x16xf32>,
      %parallel_loop3A_601 = arith.constant 6 : i32
      %parallel_loop3A_602 = arith.addi %parallel_loop3A_25, %parallel_loop3A_601 : i32
      %parallel_loop3A_603 = arith.index_cast %parallel_loop3A_602 : i32 to index
      %parallel_loop3A_604 = arith.constant 0 : index
      %parallel_loop3A_605 = tpu.vector_load %arg5[%parallel_loop3A_603, %parallel_loop3A_604] {strides = array<i32>} : memref<256x128xf32, #tpu.memory_space<vmem>>, vector<1x16xf32>,
      %parallel_loop3A_606 = vector.shape_cast %parallel_loop3A_605 : vector<1x16xf32> to vector<16xf32>
      %parallel_loop3A_607 = arith.index_cast %parallel_loop3A_54 : i32 to index
      %parallel_loop3A_608 = arith.constant 0 : index
      %parallel_loop3A_609 = tpu.vector_load %arg6[%parallel_loop3A_607, %parallel_loop3A_608] {strides = array<i32>} : memref<520x128xf32, #tpu.memory_space<vmem>>, vector<1x16xf32>,
      %parallel_loop3A_610 = vector.shape_cast %parallel_loop3A_609 : vector<1x16xf32> to vector<16xf32>
      %parallel_loop3A_611 = vector.shape_cast %parallel_loop3A_606 : vector<16xf32> to vector<1x16xf32>
      tpu.vector_store %arg6[%parallel_loop3A_607, %parallel_loop3A_608], %parallel_loop3A_611 {add = true, strides = array<i32>} : memref<520x128xf32, #tpu.memory_space<vmem>>, vector<1x16xf32>,
      %parallel_loop3A_612 = arith.constant 6 : i32
      %parallel_loop3A_613 = arith.addi %parallel_loop3A_25, %parallel_loop3A_612 : i32
      %parallel_loop3A_614 = arith.index_cast %parallel_loop3A_613 : i32 to index
      %parallel_loop3A_615 = arith.constant 16 : index
      %parallel_loop3A_616 = tpu.vector_load %arg5[%parallel_loop3A_614, %parallel_loop3A_615] {strides = array<i32>} : memref<256x128xf32, #tpu.memory_space<vmem>>, vector<1x16xf32>,
      %parallel_loop3A_617 = vector.shape_cast %parallel_loop3A_616 : vector<1x16xf32> to vector<16xf32>
      %parallel_loop3A_618 = arith.index_cast %parallel_loop3A_54 : i32 to index
      %parallel_loop3A_619 = arith.constant 16 : index
      %parallel_loop3A_620 = tpu.vector_load %arg6[%parallel_loop3A_618, %parallel_loop3A_619] {strides = array<i32>} : memref<520x128xf32, #tpu.memory_space<vmem>>, vector<1x16xf32>,
      %parallel_loop3A_621 = vector.shape_cast %parallel_loop3A_620 : vector<1x16xf32> to vector<16xf32>
      %parallel_loop3A_622 = vector.shape_cast %parallel_loop3A_617 : vector<16xf32> to vector<1x16xf32>
      tpu.vector_store %arg6[%parallel_loop3A_618, %parallel_loop3A_619], %parallel_loop3A_622 {add = true, strides = array<i32>} : memref<520x128xf32, #tpu.memory_space<vmem>>, vector<1x16xf32>,
      %parallel_loop3A_623 = arith.constant 6 : i32
      %parallel_loop3A_624 = arith.addi %parallel_loop3A_25, %parallel_loop3A_623 : i32
      %parallel_loop3A_625 = arith.index_cast %parallel_loop3A_624 : i32 to index
      %parallel_loop3A_626 = arith.constant 32 : index
      %parallel_loop3A_627 = tpu.vector_load %arg5[%parallel_loop3A_625, %parallel_loop3A_626] {strides = array<i32>} : memref<256x128xf32, #tpu.memory_space<vmem>>, vector<1x16xf32>,
      %parallel_loop3A_628 = vector.shape_cast %parallel_loop3A_627 : vector<1x16xf32> to vector<16xf32>
      %parallel_loop3A_629 = arith.index_cast %parallel_loop3A_54 : i32 to index
      %parallel_loop3A_630 = arith.constant 32 : index
      %parallel_loop3A_631 = tpu.vector_load %arg6[%parallel_loop3A_629, %parallel_loop3A_630] {strides = array<i32>} : memref<520x128xf32, #tpu.memory_space<vmem>>, vector<1x16xf32>,
      %parallel_loop3A_632 = vector.shape_cast %parallel_loop3A_631 : vector<1x16xf32> to vector<16xf32>
      %parallel_loop3A_633 = vector.shape_cast %parallel_loop3A_628 : vector<16xf32> to vector<1x16xf32>
      tpu.vector_store %arg6[%parallel_loop3A_629, %parallel_loop3A_630], %parallel_loop3A_633 {add = true, strides = array<i32>} : memref<520x128xf32, #tpu.memory_space<vmem>>, vector<1x16xf32>,
      %parallel_loop3A_634 = arith.constant 6 : i32
      %parallel_loop3A_635 = arith.addi %parallel_loop3A_25, %parallel_loop3A_634 : i32
      %parallel_loop3A_636 = arith.index_cast %parallel_loop3A_635 : i32 to index
      %parallel_loop3A_637 = arith.constant 48 : index
      %parallel_loop3A_638 = tpu.vector_load %arg5[%parallel_loop3A_636, %parallel_loop3A_637] {strides = array<i32>} : memref<256x128xf32, #tpu.memory_space<vmem>>, vector<1x16xf32>,
      %parallel_loop3A_639 = vector.shape_cast %parallel_loop3A_638 : vector<1x16xf32> to vector<16xf32>
      %parallel_loop3A_640 = arith.index_cast %parallel_loop3A_54 : i32 to index
      %parallel_loop3A_641 = arith.constant 48 : index
      %parallel_loop3A_642 = tpu.vector_load %arg6[%parallel_loop3A_640, %parallel_loop3A_641] {strides = array<i32>} : memref<520x128xf32, #tpu.memory_space<vmem>>, vector<1x16xf32>,
      %parallel_loop3A_643 = vector.shape_cast %parallel_loop3A_642 : vector<1x16xf32> to vector<16xf32>
      %parallel_loop3A_644 = vector.shape_cast %parallel_loop3A_639 : vector<16xf32> to vector<1x16xf32>
      tpu.vector_store %arg6[%parallel_loop3A_640, %parallel_loop3A_641], %parallel_loop3A_644 {add = true, strides = array<i32>} : memref<520x128xf32, #tpu.memory_space<vmem>>, vector<1x16xf32>,
      %parallel_loop3A_645 = arith.constant 6 : i32
      %parallel_loop3A_646 = arith.addi %parallel_loop3A_25, %parallel_loop3A_645 : i32
      %parallel_loop3A_647 = arith.index_cast %parallel_loop3A_646 : i32 to index
      %parallel_loop3A_648 = arith.constant 64 : index
      %parallel_loop3A_649 = tpu.vector_load %arg5[%parallel_loop3A_647, %parallel_loop3A_648] {strides = array<i32>} : memref<256x128xf32, #tpu.memory_space<vmem>>, vector<1x16xf32>,
      %parallel_loop3A_650 = vector.shape_cast %parallel_loop3A_649 : vector<1x16xf32> to vector<16xf32>
      %parallel_loop3A_651 = arith.index_cast %parallel_loop3A_54 : i32 to index
      %parallel_loop3A_652 = arith.constant 64 : index
      %parallel_loop3A_653 = tpu.vector_load %arg6[%parallel_loop3A_651, %parallel_loop3A_652] {strides = array<i32>} : memref<520x128xf32, #tpu.memory_space<vmem>>, vector<1x16xf32>,
      %parallel_loop3A_654 = vector.shape_cast %parallel_loop3A_653 : vector<1x16xf32> to vector<16xf32>
      %parallel_loop3A_655 = vector.shape_cast %parallel_loop3A_650 : vector<16xf32> to vector<1x16xf32>
      tpu.vector_store %arg6[%parallel_loop3A_651, %parallel_loop3A_652], %parallel_loop3A_655 {add = true, strides = array<i32>} : memref<520x128xf32, #tpu.memory_space<vmem>>, vector<1x16xf32>,
      %parallel_loop3A_656 = arith.constant 6 : i32
      %parallel_loop3A_657 = arith.addi %parallel_loop3A_25, %parallel_loop3A_656 : i32
      %parallel_loop3A_658 = arith.index_cast %parallel_loop3A_657 : i32 to index
      %parallel_loop3A_659 = arith.constant 80 : index
      %parallel_loop3A_660 = tpu.vector_load %arg5[%parallel_loop3A_658, %parallel_loop3A_659] {strides = array<i32>} : memref<256x128xf32, #tpu.memory_space<vmem>>, vector<1x16xf32>,
      %parallel_loop3A_661 = vector.shape_cast %parallel_loop3A_660 : vector<1x16xf32> to vector<16xf32>
      %parallel_loop3A_662 = arith.index_cast %parallel_loop3A_54 : i32 to index
      %parallel_loop3A_663 = arith.constant 80 : index
      %parallel_loop3A_664 = tpu.vector_load %arg6[%parallel_loop3A_662, %parallel_loop3A_663] {strides = array<i32>} : memref<520x128xf32, #tpu.memory_space<vmem>>, vector<1x16xf32>,
      %parallel_loop3A_665 = vector.shape_cast %parallel_loop3A_664 : vector<1x16xf32> to vector<16xf32>
      %parallel_loop3A_666 = vector.shape_cast %parallel_loop3A_661 : vector<16xf32> to vector<1x16xf32>
      tpu.vector_store %arg6[%parallel_loop3A_662, %parallel_loop3A_663], %parallel_loop3A_666 {add = true, strides = array<i32>} : memref<520x128xf32, #tpu.memory_space<vmem>>, vector<1x16xf32>,
      %parallel_loop3A_667 = arith.constant 6 : i32
      %parallel_loop3A_668 = arith.addi %parallel_loop3A_25, %parallel_loop3A_667 : i32
      %parallel_loop3A_669 = arith.index_cast %parallel_loop3A_668 : i32 to index
      %parallel_loop3A_670 = arith.constant 96 : index
      %parallel_loop3A_671 = tpu.vector_load %arg5[%parallel_loop3A_669, %parallel_loop3A_670] {strides = array<i32>} : memref<256x128xf32, #tpu.memory_space<vmem>>, vector<1x16xf32>,
      %parallel_loop3A_672 = vector.shape_cast %parallel_loop3A_671 : vector<1x16xf32> to vector<16xf32>
      %parallel_loop3A_673 = arith.index_cast %parallel_loop3A_54 : i32 to index
      %parallel_loop3A_674 = arith.constant 96 : index
      %parallel_loop3A_675 = tpu.vector_load %arg6[%parallel_loop3A_673, %parallel_loop3A_674] {strides = array<i32>} : memref<520x128xf32, #tpu.memory_space<vmem>>, vector<1x16xf32>,
      %parallel_loop3A_676 = vector.shape_cast %parallel_loop3A_675 : vector<1x16xf32> to vector<16xf32>
      %parallel_loop3A_677 = vector.shape_cast %parallel_loop3A_672 : vector<16xf32> to vector<1x16xf32>
      tpu.vector_store %arg6[%parallel_loop3A_673, %parallel_loop3A_674], %parallel_loop3A_677 {add = true, strides = array<i32>} : memref<520x128xf32, #tpu.memory_space<vmem>>, vector<1x16xf32>,
      %parallel_loop3A_678 = arith.constant 6 : i32
      %parallel_loop3A_679 = arith.addi %parallel_loop3A_25, %parallel_loop3A_678 : i32
      %parallel_loop3A_680 = arith.index_cast %parallel_loop3A_679 : i32 to index
      %parallel_loop3A_681 = arith.constant 112 : index
      %parallel_loop3A_682 = tpu.vector_load %arg5[%parallel_loop3A_680, %parallel_loop3A_681] {strides = array<i32>} : memref<256x128xf32, #tpu.memory_space<vmem>>, vector<1x16xf32>,
      %parallel_loop3A_683 = vector.shape_cast %parallel_loop3A_682 : vector<1x16xf32> to vector<16xf32>
      %parallel_loop3A_684 = arith.index_cast %parallel_loop3A_54 : i32 to index
      %parallel_loop3A_685 = arith.constant 112 : index
      %parallel_loop3A_686 = tpu.vector_load %arg6[%parallel_loop3A_684, %parallel_loop3A_685] {strides = array<i32>} : memref<520x128xf32, #tpu.memory_space<vmem>>, vector<1x16xf32>,
      %parallel_loop3A_687 = vector.shape_cast %parallel_loop3A_686 : vector<1x16xf32> to vector<16xf32>
      %parallel_loop3A_688 = vector.shape_cast %parallel_loop3A_683 : vector<16xf32> to vector<1x16xf32>
      tpu.vector_store %arg6[%parallel_loop3A_684, %parallel_loop3A_685], %parallel_loop3A_688 {add = true, strides = array<i32>} : memref<520x128xf32, #tpu.memory_space<vmem>>, vector<1x16xf32>,
      %parallel_loop3A_689 = arith.constant 7 : i32
      %parallel_loop3A_690 = arith.addi %parallel_loop3A_25, %parallel_loop3A_689 : i32
      %parallel_loop3A_691 = arith.index_cast %parallel_loop3A_690 : i32 to index
      %parallel_loop3A_692 = arith.constant 0 : index
      %parallel_loop3A_693 = tpu.vector_load %arg5[%parallel_loop3A_691, %parallel_loop3A_692] {strides = array<i32>} : memref<256x128xf32, #tpu.memory_space<vmem>>, vector<1x16xf32>,
      %parallel_loop3A_694 = vector.shape_cast %parallel_loop3A_693 : vector<1x16xf32> to vector<16xf32>
      %parallel_loop3A_695 = arith.index_cast %parallel_loop3A_56 : i32 to index
      %parallel_loop3A_696 = arith.constant 0 : index
      %parallel_loop3A_697 = tpu.vector_load %arg6[%parallel_loop3A_695, %parallel_loop3A_696] {strides = array<i32>} : memref<520x128xf32, #tpu.memory_space<vmem>>, vector<1x16xf32>,
      %parallel_loop3A_698 = vector.shape_cast %parallel_loop3A_697 : vector<1x16xf32> to vector<16xf32>
      %parallel_loop3A_699 = vector.shape_cast %parallel_loop3A_694 : vector<16xf32> to vector<1x16xf32>
      tpu.vector_store %arg6[%parallel_loop3A_695, %parallel_loop3A_696], %parallel_loop3A_699 {add = true, strides = array<i32>} : memref<520x128xf32, #tpu.memory_space<vmem>>, vector<1x16xf32>,
      %parallel_loop3A_700 = arith.constant 7 : i32
      %parallel_loop3A_701 = arith.addi %parallel_loop3A_25, %parallel_loop3A_700 : i32
      %parallel_loop3A_702 = arith.index_cast %parallel_loop3A_701 : i32 to index
      %parallel_loop3A_703 = arith.constant 16 : index
      %parallel_loop3A_704 = tpu.vector_load %arg5[%parallel_loop3A_702, %parallel_loop3A_703] {strides = array<i32>} : memref<256x128xf32, #tpu.memory_space<vmem>>, vector<1x16xf32>,
      %parallel_loop3A_705 = vector.shape_cast %parallel_loop3A_704 : vector<1x16xf32> to vector<16xf32>
      %parallel_loop3A_706 = arith.index_cast %parallel_loop3A_56 : i32 to index
      %parallel_loop3A_707 = arith.constant 16 : index
      %parallel_loop3A_708 = tpu.vector_load %arg6[%parallel_loop3A_706, %parallel_loop3A_707] {strides = array<i32>} : memref<520x128xf32, #tpu.memory_space<vmem>>, vector<1x16xf32>,
      %parallel_loop3A_709 = vector.shape_cast %parallel_loop3A_708 : vector<1x16xf32> to vector<16xf32>
      %parallel_loop3A_710 = vector.shape_cast %parallel_loop3A_705 : vector<16xf32> to vector<1x16xf32>
      tpu.vector_store %arg6[%parallel_loop3A_706, %parallel_loop3A_707], %parallel_loop3A_710 {add = true, strides = array<i32>} : memref<520x128xf32, #tpu.memory_space<vmem>>, vector<1x16xf32>,
      %parallel_loop3A_711 = arith.constant 7 : i32
      %parallel_loop3A_712 = arith.addi %parallel_loop3A_25, %parallel_loop3A_711 : i32
      %parallel_loop3A_713 = arith.index_cast %parallel_loop3A_712 : i32 to index
      %parallel_loop3A_714 = arith.constant 32 : index
      %parallel_loop3A_715 = tpu.vector_load %arg5[%parallel_loop3A_713, %parallel_loop3A_714] {strides = array<i32>} : memref<256x128xf32, #tpu.memory_space<vmem>>, vector<1x16xf32>,
      %parallel_loop3A_716 = vector.shape_cast %parallel_loop3A_715 : vector<1x16xf32> to vector<16xf32>
      %parallel_loop3A_717 = arith.index_cast %parallel_loop3A_56 : i32 to index
      %parallel_loop3A_718 = arith.constant 32 : index
      %parallel_loop3A_719 = tpu.vector_load %arg6[%parallel_loop3A_717, %parallel_loop3A_718] {strides = array<i32>} : memref<520x128xf32, #tpu.memory_space<vmem>>, vector<1x16xf32>,
      %parallel_loop3A_720 = vector.shape_cast %parallel_loop3A_719 : vector<1x16xf32> to vector<16xf32>
      %parallel_loop3A_721 = vector.shape_cast %parallel_loop3A_716 : vector<16xf32> to vector<1x16xf32>
      tpu.vector_store %arg6[%parallel_loop3A_717, %parallel_loop3A_718], %parallel_loop3A_721 {add = true, strides = array<i32>} : memref<520x128xf32, #tpu.memory_space<vmem>>, vector<1x16xf32>,
      %parallel_loop3A_722 = arith.constant 7 : i32
      %parallel_loop3A_723 = arith.addi %parallel_loop3A_25, %parallel_loop3A_722 : i32
      %parallel_loop3A_724 = arith.index_cast %parallel_loop3A_723 : i32 to index
      %parallel_loop3A_725 = arith.constant 48 : index
      %parallel_loop3A_726 = tpu.vector_load %arg5[%parallel_loop3A_724, %parallel_loop3A_725] {strides = array<i32>} : memref<256x128xf32, #tpu.memory_space<vmem>>, vector<1x16xf32>,
      %parallel_loop3A_727 = vector.shape_cast %parallel_loop3A_726 : vector<1x16xf32> to vector<16xf32>
      %parallel_loop3A_728 = arith.index_cast %parallel_loop3A_56 : i32 to index
      %parallel_loop3A_729 = arith.constant 48 : index
      %parallel_loop3A_730 = tpu.vector_load %arg6[%parallel_loop3A_728, %parallel_loop3A_729] {strides = array<i32>} : memref<520x128xf32, #tpu.memory_space<vmem>>, vector<1x16xf32>,
      %parallel_loop3A_731 = vector.shape_cast %parallel_loop3A_730 : vector<1x16xf32> to vector<16xf32>
      %parallel_loop3A_732 = vector.shape_cast %parallel_loop3A_727 : vector<16xf32> to vector<1x16xf32>
      tpu.vector_store %arg6[%parallel_loop3A_728, %parallel_loop3A_729], %parallel_loop3A_732 {add = true, strides = array<i32>} : memref<520x128xf32, #tpu.memory_space<vmem>>, vector<1x16xf32>,
      %parallel_loop3A_733 = arith.constant 7 : i32
      %parallel_loop3A_734 = arith.addi %parallel_loop3A_25, %parallel_loop3A_733 : i32
      %parallel_loop3A_735 = arith.index_cast %parallel_loop3A_734 : i32 to index
      %parallel_loop3A_736 = arith.constant 64 : index
      %parallel_loop3A_737 = tpu.vector_load %arg5[%parallel_loop3A_735, %parallel_loop3A_736] {strides = array<i32>} : memref<256x128xf32, #tpu.memory_space<vmem>>, vector<1x16xf32>,
      %parallel_loop3A_738 = vector.shape_cast %parallel_loop3A_737 : vector<1x16xf32> to vector<16xf32>
      %parallel_loop3A_739 = arith.index_cast %parallel_loop3A_56 : i32 to index
      %parallel_loop3A_740 = arith.constant 64 : index
      %parallel_loop3A_741 = tpu.vector_load %arg6[%parallel_loop3A_739, %parallel_loop3A_740] {strides = array<i32>} : memref<520x128xf32, #tpu.memory_space<vmem>>, vector<1x16xf32>,
      %parallel_loop3A_742 = vector.shape_cast %parallel_loop3A_741 : vector<1x16xf32> to vector<16xf32>
      %parallel_loop3A_743 = vector.shape_cast %parallel_loop3A_738 : vector<16xf32> to vector<1x16xf32>
      tpu.vector_store %arg6[%parallel_loop3A_739, %parallel_loop3A_740], %parallel_loop3A_743 {add = true, strides = array<i32>} : memref<520x128xf32, #tpu.memory_space<vmem>>, vector<1x16xf32>,
      %parallel_loop3A_744 = arith.constant 7 : i32
      %parallel_loop3A_745 = arith.addi %parallel_loop3A_25, %parallel_loop3A_744 : i32
      %parallel_loop3A_746 = arith.index_cast %parallel_loop3A_745 : i32 to index
      %parallel_loop3A_747 = arith.constant 80 : index
      %parallel_loop3A_748 = tpu.vector_load %arg5[%parallel_loop3A_746, %parallel_loop3A_747] {strides = array<i32>} : memref<256x128xf32, #tpu.memory_space<vmem>>, vector<1x16xf32>,
      %parallel_loop3A_749 = vector.shape_cast %parallel_loop3A_748 : vector<1x16xf32> to vector<16xf32>
      %parallel_loop3A_750 = arith.index_cast %parallel_loop3A_56 : i32 to index
      %parallel_loop3A_751 = arith.constant 80 : index
      %parallel_loop3A_752 = tpu.vector_load %arg6[%parallel_loop3A_750, %parallel_loop3A_751] {strides = array<i32>} : memref<520x128xf32, #tpu.memory_space<vmem>>, vector<1x16xf32>,
      %parallel_loop3A_753 = vector.shape_cast %parallel_loop3A_752 : vector<1x16xf32> to vector<16xf32>
      %parallel_loop3A_754 = vector.shape_cast %parallel_loop3A_749 : vector<16xf32> to vector<1x16xf32>
      tpu.vector_store %arg6[%parallel_loop3A_750, %parallel_loop3A_751], %parallel_loop3A_754 {add = true, strides = array<i32>} : memref<520x128xf32, #tpu.memory_space<vmem>>, vector<1x16xf32>,
      %parallel_loop3A_755 = arith.constant 7 : i32
      %parallel_loop3A_756 = arith.addi %parallel_loop3A_25, %parallel_loop3A_755 : i32
      %parallel_loop3A_757 = arith.index_cast %parallel_loop3A_756 : i32 to index
      %parallel_loop3A_758 = arith.constant 96 : index
      %parallel_loop3A_759 = tpu.vector_load %arg5[%parallel_loop3A_757, %parallel_loop3A_758] {strides = array<i32>} : memref<256x128xf32, #tpu.memory_space<vmem>>, vector<1x16xf32>,
      %parallel_loop3A_760 = vector.shape_cast %parallel_loop3A_759 : vector<1x16xf32> to vector<16xf32>
      %parallel_loop3A_761 = arith.index_cast %parallel_loop3A_56 : i32 to index
      %parallel_loop3A_762 = arith.constant 96 : index
      %parallel_loop3A_763 = tpu.vector_load %arg6[%parallel_loop3A_761, %parallel_loop3A_762] {strides = array<i32>} : memref<520x128xf32, #tpu.memory_space<vmem>>, vector<1x16xf32>,
      %parallel_loop3A_764 = vector.shape_cast %parallel_loop3A_763 : vector<1x16xf32> to vector<16xf32>
      %parallel_loop3A_765 = vector.shape_cast %parallel_loop3A_760 : vector<16xf32> to vector<1x16xf32>
      tpu.vector_store %arg6[%parallel_loop3A_761, %parallel_loop3A_762], %parallel_loop3A_765 {add = true, strides = array<i32>} : memref<520x128xf32, #tpu.memory_space<vmem>>, vector<1x16xf32>,
      %parallel_loop3A_766 = arith.constant 7 : i32
      %parallel_loop3A_767 = arith.addi %parallel_loop3A_25, %parallel_loop3A_766 : i32
      %parallel_loop3A_768 = arith.index_cast %parallel_loop3A_767 : i32 to index
      %parallel_loop3A_769 = arith.constant 112 : index
      %parallel_loop3A_770 = tpu.vector_load %arg5[%parallel_loop3A_768, %parallel_loop3A_769] {strides = array<i32>} : memref<256x128xf32, #tpu.memory_space<vmem>>, vector<1x16xf32>,
      %parallel_loop3A_771 = vector.shape_cast %parallel_loop3A_770 : vector<1x16xf32> to vector<16xf32>
      %parallel_loop3A_772 = arith.index_cast %parallel_loop3A_56 : i32 to index
      %parallel_loop3A_773 = arith.constant 112 : index
      %parallel_loop3A_774 = tpu.vector_load %arg6[%parallel_loop3A_772, %parallel_loop3A_773] {strides = array<i32>} : memref<520x128xf32, #tpu.memory_space<vmem>>, vector<1x16xf32>,
      %parallel_loop3A_775 = vector.shape_cast %parallel_loop3A_774 : vector<1x16xf32> to vector<16xf32>
      %parallel_loop3A_776 = vector.shape_cast %parallel_loop3A_771 : vector<16xf32> to vector<1x16xf32>
      tpu.vector_store %arg6[%parallel_loop3A_772, %parallel_loop3A_773], %parallel_loop3A_776 {add = true, strides = array<i32>} : memref<520x128xf32, #tpu.memory_space<vmem>>, vector<1x16xf32>,
      %parallel_loop3A_777 = arith.constant 8 : i32
      %parallel_loop3A_778 = arith.addi %parallel_loop3A_25, %parallel_loop3A_777 : i32
      %parallel_loop3A_779 = arith.index_cast %parallel_loop3A_778 : i32 to index
      %parallel_loop3A_780 = arith.constant 0 : index
      %parallel_loop3A_781 = tpu.vector_load %arg5[%parallel_loop3A_779, %parallel_loop3A_780] {strides = array<i32>} : memref<256x128xf32, #tpu.memory_space<vmem>>, vector<1x16xf32>,
      %parallel_loop3A_782 = vector.shape_cast %parallel_loop3A_781 : vector<1x16xf32> to vector<16xf32>
      %parallel_loop3A_783 = arith.index_cast %parallel_loop3A_58 : i32 to index
      %parallel_loop3A_784 = arith.constant 0 : index
      %parallel_loop3A_785 = tpu.vector_load %arg6[%parallel_loop3A_783, %parallel_loop3A_784] {strides = array<i32>} : memref<520x128xf32, #tpu.memory_space<vmem>>, vector<1x16xf32>,
      %parallel_loop3A_786 = vector.shape_cast %parallel_loop3A_785 : vector<1x16xf32> to vector<16xf32>
      %parallel_loop3A_787 = vector.shape_cast %parallel_loop3A_782 : vector<16xf32> to vector<1x16xf32>
      tpu.vector_store %arg6[%parallel_loop3A_783, %parallel_loop3A_784], %parallel_loop3A_787 {add = true, strides = array<i32>} : memref<520x128xf32, #tpu.memory_space<vmem>>, vector<1x16xf32>,
      %parallel_loop3A_788 = arith.constant 8 : i32
      %parallel_loop3A_789 = arith.addi %parallel_loop3A_25, %parallel_loop3A_788 : i32
      %parallel_loop3A_790 = arith.index_cast %parallel_loop3A_789 : i32 to index
      %parallel_loop3A_791 = arith.constant 16 : index
      %parallel_loop3A_792 = tpu.vector_load %arg5[%parallel_loop3A_790, %parallel_loop3A_791] {strides = array<i32>} : memref<256x128xf32, #tpu.memory_space<vmem>>, vector<1x16xf32>,
      %parallel_loop3A_793 = vector.shape_cast %parallel_loop3A_792 : vector<1x16xf32> to vector<16xf32>
      %parallel_loop3A_794 = arith.index_cast %parallel_loop3A_58 : i32 to index
      %parallel_loop3A_795 = arith.constant 16 : index
      %parallel_loop3A_796 = tpu.vector_load %arg6[%parallel_loop3A_794, %parallel_loop3A_795] {strides = array<i32>} : memref<520x128xf32, #tpu.memory_space<vmem>>, vector<1x16xf32>,
      %parallel_loop3A_797 = vector.shape_cast %parallel_loop3A_796 : vector<1x16xf32> to vector<16xf32>
      %parallel_loop3A_798 = vector.shape_cast %parallel_loop3A_793 : vector<16xf32> to vector<1x16xf32>
      tpu.vector_store %arg6[%parallel_loop3A_794, %parallel_loop3A_795], %parallel_loop3A_798 {add = true, strides = array<i32>} : memref<520x128xf32, #tpu.memory_space<vmem>>, vector<1x16xf32>,
      %parallel_loop3A_799 = arith.constant 8 : i32
      %parallel_loop3A_800 = arith.addi %parallel_loop3A_25, %parallel_loop3A_799 : i32
      %parallel_loop3A_801 = arith.index_cast %parallel_loop3A_800 : i32 to index
      %parallel_loop3A_802 = arith.constant 32 : index
      %parallel_loop3A_803 = tpu.vector_load %arg5[%parallel_loop3A_801, %parallel_loop3A_802] {strides = array<i32>} : memref<256x128xf32, #tpu.memory_space<vmem>>, vector<1x16xf32>,
      %parallel_loop3A_804 = vector.shape_cast %parallel_loop3A_803 : vector<1x16xf32> to vector<16xf32>
      %parallel_loop3A_805 = arith.index_cast %parallel_loop3A_58 : i32 to index
      %parallel_loop3A_806 = arith.constant 32 : index
      %parallel_loop3A_807 = tpu.vector_load %arg6[%parallel_loop3A_805, %parallel_loop3A_806] {strides = array<i32>} : memref<520x128xf32, #tpu.memory_space<vmem>>, vector<1x16xf32>,
      %parallel_loop3A_808 = vector.shape_cast %parallel_loop3A_807 : vector<1x16xf32> to vector<16xf32>
      %parallel_loop3A_809 = vector.shape_cast %parallel_loop3A_804 : vector<16xf32> to vector<1x16xf32>
      tpu.vector_store %arg6[%parallel_loop3A_805, %parallel_loop3A_806], %parallel_loop3A_809 {add = true, strides = array<i32>} : memref<520x128xf32, #tpu.memory_space<vmem>>, vector<1x16xf32>,
      %parallel_loop3A_810 = arith.constant 8 : i32
      %parallel_loop3A_811 = arith.addi %parallel_loop3A_25, %parallel_loop3A_810 : i32
      %parallel_loop3A_812 = arith.index_cast %parallel_loop3A_811 : i32 to index
      %parallel_loop3A_813 = arith.constant 48 : index
      %parallel_loop3A_814 = tpu.vector_load %arg5[%parallel_loop3A_812, %parallel_loop3A_813] {strides = array<i32>} : memref<256x128xf32, #tpu.memory_space<vmem>>, vector<1x16xf32>,
      %parallel_loop3A_815 = vector.shape_cast %parallel_loop3A_814 : vector<1x16xf32> to vector<16xf32>
      %parallel_loop3A_816 = arith.index_cast %parallel_loop3A_58 : i32 to index
      %parallel_loop3A_817 = arith.constant 48 : index
      %parallel_loop3A_818 = tpu.vector_load %arg6[%parallel_loop3A_816, %parallel_loop3A_817] {strides = array<i32>} : memref<520x128xf32, #tpu.memory_space<vmem>>, vector<1x16xf32>,
      %parallel_loop3A_819 = vector.shape_cast %parallel_loop3A_818 : vector<1x16xf32> to vector<16xf32>
      %parallel_loop3A_820 = vector.shape_cast %parallel_loop3A_815 : vector<16xf32> to vector<1x16xf32>
      tpu.vector_store %arg6[%parallel_loop3A_816, %parallel_loop3A_817], %parallel_loop3A_820 {add = true, strides = array<i32>} : memref<520x128xf32, #tpu.memory_space<vmem>>, vector<1x16xf32>,
      %parallel_loop3A_821 = arith.constant 8 : i32
      %parallel_loop3A_822 = arith.addi %parallel_loop3A_25, %parallel_loop3A_821 : i32
      %parallel_loop3A_823 = arith.index_cast %parallel_loop3A_822 : i32 to index
      %parallel_loop3A_824 = arith.constant 64 : index
      %parallel_loop3A_825 = tpu.vector_load %arg5[%parallel_loop3A_823, %parallel_loop3A_824] {strides = array<i32>} : memref<256x128xf32, #tpu.memory_space<vmem>>, vector<1x16xf32>,
      %parallel_loop3A_826 = vector.shape_cast %parallel_loop3A_825 : vector<1x16xf32> to vector<16xf32>
      %parallel_loop3A_827 = arith.index_cast %parallel_loop3A_58 : i32 to index
      %parallel_loop3A_828 = arith.constant 64 : index
      %parallel_loop3A_829 = tpu.vector_load %arg6[%parallel_loop3A_827, %parallel_loop3A_828] {strides = array<i32>} : memref<520x128xf32, #tpu.memory_space<vmem>>, vector<1x16xf32>,
      %parallel_loop3A_830 = vector.shape_cast %parallel_loop3A_829 : vector<1x16xf32> to vector<16xf32>
      %parallel_loop3A_831 = vector.shape_cast %parallel_loop3A_826 : vector<16xf32> to vector<1x16xf32>
      tpu.vector_store %arg6[%parallel_loop3A_827, %parallel_loop3A_828], %parallel_loop3A_831 {add = true, strides = array<i32>} : memref<520x128xf32, #tpu.memory_space<vmem>>, vector<1x16xf32>,
      %parallel_loop3A_832 = arith.constant 8 : i32
      %parallel_loop3A_833 = arith.addi %parallel_loop3A_25, %parallel_loop3A_832 : i32
      %parallel_loop3A_834 = arith.index_cast %parallel_loop3A_833 : i32 to index
      %parallel_loop3A_835 = arith.constant 80 : index
      %parallel_loop3A_836 = tpu.vector_load %arg5[%parallel_loop3A_834, %parallel_loop3A_835] {strides = array<i32>} : memref<256x128xf32, #tpu.memory_space<vmem>>, vector<1x16xf32>,
      %parallel_loop3A_837 = vector.shape_cast %parallel_loop3A_836 : vector<1x16xf32> to vector<16xf32>
      %parallel_loop3A_838 = arith.index_cast %parallel_loop3A_58 : i32 to index
      %parallel_loop3A_839 = arith.constant 80 : index
      %parallel_loop3A_840 = tpu.vector_load %arg6[%parallel_loop3A_838, %parallel_loop3A_839] {strides = array<i32>} : memref<520x128xf32, #tpu.memory_space<vmem>>, vector<1x16xf32>,
      %parallel_loop3A_841 = vector.shape_cast %parallel_loop3A_840 : vector<1x16xf32> to vector<16xf32>
      %parallel_loop3A_842 = vector.shape_cast %parallel_loop3A_837 : vector<16xf32> to vector<1x16xf32>
      tpu.vector_store %arg6[%parallel_loop3A_838, %parallel_loop3A_839], %parallel_loop3A_842 {add = true, strides = array<i32>} : memref<520x128xf32, #tpu.memory_space<vmem>>, vector<1x16xf32>,
      %parallel_loop3A_843 = arith.constant 8 : i32
      %parallel_loop3A_844 = arith.addi %parallel_loop3A_25, %parallel_loop3A_843 : i32
      %parallel_loop3A_845 = arith.index_cast %parallel_loop3A_844 : i32 to index
      %parallel_loop3A_846 = arith.constant 96 : index
      %parallel_loop3A_847 = tpu.vector_load %arg5[%parallel_loop3A_845, %parallel_loop3A_846] {strides = array<i32>} : memref<256x128xf32, #tpu.memory_space<vmem>>, vector<1x16xf32>,
      %parallel_loop3A_848 = vector.shape_cast %parallel_loop3A_847 : vector<1x16xf32> to vector<16xf32>
      %parallel_loop3A_849 = arith.index_cast %parallel_loop3A_58 : i32 to index
      %parallel_loop3A_850 = arith.constant 96 : index
      %parallel_loop3A_851 = tpu.vector_load %arg6[%parallel_loop3A_849, %parallel_loop3A_850] {strides = array<i32>} : memref<520x128xf32, #tpu.memory_space<vmem>>, vector<1x16xf32>,
      %parallel_loop3A_852 = vector.shape_cast %parallel_loop3A_851 : vector<1x16xf32> to vector<16xf32>
      %parallel_loop3A_853 = vector.shape_cast %parallel_loop3A_848 : vector<16xf32> to vector<1x16xf32>
      tpu.vector_store %arg6[%parallel_loop3A_849, %parallel_loop3A_850], %parallel_loop3A_853 {add = true, strides = array<i32>} : memref<520x128xf32, #tpu.memory_space<vmem>>, vector<1x16xf32>,
      %parallel_loop3A_854 = arith.constant 8 : i32
      %parallel_loop3A_855 = arith.addi %parallel_loop3A_25, %parallel_loop3A_854 : i32
      %parallel_loop3A_856 = arith.index_cast %parallel_loop3A_855 : i32 to index
      %parallel_loop3A_857 = arith.constant 112 : index
      %parallel_loop3A_858 = tpu.vector_load %arg5[%parallel_loop3A_856, %parallel_loop3A_857] {strides = array<i32>} : memref<256x128xf32, #tpu.memory_space<vmem>>, vector<1x16xf32>,
      %parallel_loop3A_859 = vector.shape_cast %parallel_loop3A_858 : vector<1x16xf32> to vector<16xf32>
      %parallel_loop3A_860 = arith.index_cast %parallel_loop3A_58 : i32 to index
      %parallel_loop3A_861 = arith.constant 112 : index
      %parallel_loop3A_862 = tpu.vector_load %arg6[%parallel_loop3A_860, %parallel_loop3A_861] {strides = array<i32>} : memref<520x128xf32, #tpu.memory_space<vmem>>, vector<1x16xf32>,
      %parallel_loop3A_863 = vector.shape_cast %parallel_loop3A_862 : vector<1x16xf32> to vector<16xf32>
      %parallel_loop3A_864 = vector.shape_cast %parallel_loop3A_859 : vector<16xf32> to vector<1x16xf32>
      tpu.vector_store %arg6[%parallel_loop3A_860, %parallel_loop3A_861], %parallel_loop3A_864 {add = true, strides = array<i32>} : memref<520x128xf32, #tpu.memory_space<vmem>>, vector<1x16xf32>,
      %parallel_loop3A_865 = arith.constant 9 : i32
      %parallel_loop3A_866 = arith.addi %parallel_loop3A_25, %parallel_loop3A_865 : i32
      %parallel_loop3A_867 = arith.index_cast %parallel_loop3A_866 : i32 to index
      %parallel_loop3A_868 = arith.constant 0 : index
      %parallel_loop3A_869 = tpu.vector_load %arg5[%parallel_loop3A_867, %parallel_loop3A_868] {strides = array<i32>} : memref<256x128xf32, #tpu.memory_space<vmem>>, vector<1x16xf32>,
      %parallel_loop3A_870 = vector.shape_cast %parallel_loop3A_869 : vector<1x16xf32> to vector<16xf32>
      %parallel_loop3A_871 = arith.index_cast %parallel_loop3A_60 : i32 to index
      %parallel_loop3A_872 = arith.constant 0 : index
      %parallel_loop3A_873 = tpu.vector_load %arg6[%parallel_loop3A_871, %parallel_loop3A_872] {strides = array<i32>} : memref<520x128xf32, #tpu.memory_space<vmem>>, vector<1x16xf32>,
      %parallel_loop3A_874 = vector.shape_cast %parallel_loop3A_873 : vector<1x16xf32> to vector<16xf32>
      %parallel_loop3A_875 = vector.shape_cast %parallel_loop3A_870 : vector<16xf32> to vector<1x16xf32>
      tpu.vector_store %arg6[%parallel_loop3A_871, %parallel_loop3A_872], %parallel_loop3A_875 {add = true, strides = array<i32>} : memref<520x128xf32, #tpu.memory_space<vmem>>, vector<1x16xf32>,
      %parallel_loop3A_876 = arith.constant 9 : i32
      %parallel_loop3A_877 = arith.addi %parallel_loop3A_25, %parallel_loop3A_876 : i32
      %parallel_loop3A_878 = arith.index_cast %parallel_loop3A_877 : i32 to index
      %parallel_loop3A_879 = arith.constant 16 : index
      %parallel_loop3A_880 = tpu.vector_load %arg5[%parallel_loop3A_878, %parallel_loop3A_879] {strides = array<i32>} : memref<256x128xf32, #tpu.memory_space<vmem>>, vector<1x16xf32>,
      %parallel_loop3A_881 = vector.shape_cast %parallel_loop3A_880 : vector<1x16xf32> to vector<16xf32>
      %parallel_loop3A_882 = arith.index_cast %parallel_loop3A_60 : i32 to index
      %parallel_loop3A_883 = arith.constant 16 : index
      %parallel_loop3A_884 = tpu.vector_load %arg6[%parallel_loop3A_882, %parallel_loop3A_883] {strides = array<i32>} : memref<520x128xf32, #tpu.memory_space<vmem>>, vector<1x16xf32>,
      %parallel_loop3A_885 = vector.shape_cast %parallel_loop3A_884 : vector<1x16xf32> to vector<16xf32>
      %parallel_loop3A_886 = vector.shape_cast %parallel_loop3A_881 : vector<16xf32> to vector<1x16xf32>
      tpu.vector_store %arg6[%parallel_loop3A_882, %parallel_loop3A_883], %parallel_loop3A_886 {add = true, strides = array<i32>} : memref<520x128xf32, #tpu.memory_space<vmem>>, vector<1x16xf32>,
      %parallel_loop3A_887 = arith.constant 9 : i32
      %parallel_loop3A_888 = arith.addi %parallel_loop3A_25, %parallel_loop3A_887 : i32
      %parallel_loop3A_889 = arith.index_cast %parallel_loop3A_888 : i32 to index
      %parallel_loop3A_890 = arith.constant 32 : index
      %parallel_loop3A_891 = tpu.vector_load %arg5[%parallel_loop3A_889, %parallel_loop3A_890] {strides = array<i32>} : memref<256x128xf32, #tpu.memory_space<vmem>>, vector<1x16xf32>,
      %parallel_loop3A_892 = vector.shape_cast %parallel_loop3A_891 : vector<1x16xf32> to vector<16xf32>
      %parallel_loop3A_893 = arith.index_cast %parallel_loop3A_60 : i32 to index
      %parallel_loop3A_894 = arith.constant 32 : index
      %parallel_loop3A_895 = tpu.vector_load %arg6[%parallel_loop3A_893, %parallel_loop3A_894] {strides = array<i32>} : memref<520x128xf32, #tpu.memory_space<vmem>>, vector<1x16xf32>,
      %parallel_loop3A_896 = vector.shape_cast %parallel_loop3A_895 : vector<1x16xf32> to vector<16xf32>
      %parallel_loop3A_897 = vector.shape_cast %parallel_loop3A_892 : vector<16xf32> to vector<1x16xf32>
      tpu.vector_store %arg6[%parallel_loop3A_893, %parallel_loop3A_894], %parallel_loop3A_897 {add = true, strides = array<i32>} : memref<520x128xf32, #tpu.memory_space<vmem>>, vector<1x16xf32>,
      %parallel_loop3A_898 = arith.constant 9 : i32
      %parallel_loop3A_899 = arith.addi %parallel_loop3A_25, %parallel_loop3A_898 : i32
      %parallel_loop3A_900 = arith.index_cast %parallel_loop3A_899 : i32 to index
      %parallel_loop3A_901 = arith.constant 48 : index
      %parallel_loop3A_902 = tpu.vector_load %arg5[%parallel_loop3A_900, %parallel_loop3A_901] {strides = array<i32>} : memref<256x128xf32, #tpu.memory_space<vmem>>, vector<1x16xf32>,
      %parallel_loop3A_903 = vector.shape_cast %parallel_loop3A_902 : vector<1x16xf32> to vector<16xf32>
      %parallel_loop3A_904 = arith.index_cast %parallel_loop3A_60 : i32 to index
      %parallel_loop3A_905 = arith.constant 48 : index
      %parallel_loop3A_906 = tpu.vector_load %arg6[%parallel_loop3A_904, %parallel_loop3A_905] {strides = array<i32>} : memref<520x128xf32, #tpu.memory_space<vmem>>, vector<1x16xf32>,
      %parallel_loop3A_907 = vector.shape_cast %parallel_loop3A_906 : vector<1x16xf32> to vector<16xf32>
      %parallel_loop3A_908 = vector.shape_cast %parallel_loop3A_903 : vector<16xf32> to vector<1x16xf32>
      tpu.vector_store %arg6[%parallel_loop3A_904, %parallel_loop3A_905], %parallel_loop3A_908 {add = true, strides = array<i32>} : memref<520x128xf32, #tpu.memory_space<vmem>>, vector<1x16xf32>,
      %parallel_loop3A_909 = arith.constant 9 : i32
      %parallel_loop3A_910 = arith.addi %parallel_loop3A_25, %parallel_loop3A_909 : i32
      %parallel_loop3A_911 = arith.index_cast %parallel_loop3A_910 : i32 to index
      %parallel_loop3A_912 = arith.constant 64 : index
      %parallel_loop3A_913 = tpu.vector_load %arg5[%parallel_loop3A_911, %parallel_loop3A_912] {strides = array<i32>} : memref<256x128xf32, #tpu.memory_space<vmem>>, vector<1x16xf32>,
      %parallel_loop3A_914 = vector.shape_cast %parallel_loop3A_913 : vector<1x16xf32> to vector<16xf32>
      %parallel_loop3A_915 = arith.index_cast %parallel_loop3A_60 : i32 to index
      %parallel_loop3A_916 = arith.constant 64 : index
      %parallel_loop3A_917 = tpu.vector_load %arg6[%parallel_loop3A_915, %parallel_loop3A_916] {strides = array<i32>} : memref<520x128xf32, #tpu.memory_space<vmem>>, vector<1x16xf32>,
      %parallel_loop3A_918 = vector.shape_cast %parallel_loop3A_917 : vector<1x16xf32> to vector<16xf32>
      %parallel_loop3A_919 = vector.shape_cast %parallel_loop3A_914 : vector<16xf32> to vector<1x16xf32>
      tpu.vector_store %arg6[%parallel_loop3A_915, %parallel_loop3A_916], %parallel_loop3A_919 {add = true, strides = array<i32>} : memref<520x128xf32, #tpu.memory_space<vmem>>, vector<1x16xf32>,
      %parallel_loop3A_920 = arith.constant 9 : i32
      %parallel_loop3A_921 = arith.addi %parallel_loop3A_25, %parallel_loop3A_920 : i32
      %parallel_loop3A_922 = arith.index_cast %parallel_loop3A_921 : i32 to index
      %parallel_loop3A_923 = arith.constant 80 : index
      %parallel_loop3A_924 = tpu.vector_load %arg5[%parallel_loop3A_922, %parallel_loop3A_923] {strides = array<i32>} : memref<256x128xf32, #tpu.memory_space<vmem>>, vector<1x16xf32>,
      %parallel_loop3A_925 = vector.shape_cast %parallel_loop3A_924 : vector<1x16xf32> to vector<16xf32>
      %parallel_loop3A_926 = arith.index_cast %parallel_loop3A_60 : i32 to index
      %parallel_loop3A_927 = arith.constant 80 : index
      %parallel_loop3A_928 = tpu.vector_load %arg6[%parallel_loop3A_926, %parallel_loop3A_927] {strides = array<i32>} : memref<520x128xf32, #tpu.memory_space<vmem>>, vector<1x16xf32>,
      %parallel_loop3A_929 = vector.shape_cast %parallel_loop3A_928 : vector<1x16xf32> to vector<16xf32>
      %parallel_loop3A_930 = vector.shape_cast %parallel_loop3A_925 : vector<16xf32> to vector<1x16xf32>
      tpu.vector_store %arg6[%parallel_loop3A_926, %parallel_loop3A_927], %parallel_loop3A_930 {add = true, strides = array<i32>} : memref<520x128xf32, #tpu.memory_space<vmem>>, vector<1x16xf32>,
      %parallel_loop3A_931 = arith.constant 9 : i32
      %parallel_loop3A_932 = arith.addi %parallel_loop3A_25, %parallel_loop3A_931 : i32
      %parallel_loop3A_933 = arith.index_cast %parallel_loop3A_932 : i32 to index
      %parallel_loop3A_934 = arith.constant 96 : index
      %parallel_loop3A_935 = tpu.vector_load %arg5[%parallel_loop3A_933, %parallel_loop3A_934] {strides = array<i32>} : memref<256x128xf32, #tpu.memory_space<vmem>>, vector<1x16xf32>,
      %parallel_loop3A_936 = vector.shape_cast %parallel_loop3A_935 : vector<1x16xf32> to vector<16xf32>
      %parallel_loop3A_937 = arith.index_cast %parallel_loop3A_60 : i32 to index
      %parallel_loop3A_938 = arith.constant 96 : index
      %parallel_loop3A_939 = tpu.vector_load %arg6[%parallel_loop3A_937, %parallel_loop3A_938] {strides = array<i32>} : memref<520x128xf32, #tpu.memory_space<vmem>>, vector<1x16xf32>,
      %parallel_loop3A_940 = vector.shape_cast %parallel_loop3A_939 : vector<1x16xf32> to vector<16xf32>
      %parallel_loop3A_941 = vector.shape_cast %parallel_loop3A_936 : vector<16xf32> to vector<1x16xf32>
      tpu.vector_store %arg6[%parallel_loop3A_937, %parallel_loop3A_938], %parallel_loop3A_941 {add = true, strides = array<i32>} : memref<520x128xf32, #tpu.memory_space<vmem>>, vector<1x16xf32>,
      %parallel_loop3A_942 = arith.constant 9 : i32
      %parallel_loop3A_943 = arith.addi %parallel_loop3A_25, %parallel_loop3A_942 : i32
      %parallel_loop3A_944 = arith.index_cast %parallel_loop3A_943 : i32 to index
      %parallel_loop3A_945 = arith.constant 112 : index
      %parallel_loop3A_946 = tpu.vector_load %arg5[%parallel_loop3A_944, %parallel_loop3A_945] {strides = array<i32>} : memref<256x128xf32, #tpu.memory_space<vmem>>, vector<1x16xf32>,
      %parallel_loop3A_947 = vector.shape_cast %parallel_loop3A_946 : vector<1x16xf32> to vector<16xf32>
      %parallel_loop3A_948 = arith.index_cast %parallel_loop3A_60 : i32 to index
      %parallel_loop3A_949 = arith.constant 112 : index
      %parallel_loop3A_950 = tpu.vector_load %arg6[%parallel_loop3A_948, %parallel_loop3A_949] {strides = array<i32>} : memref<520x128xf32, #tpu.memory_space<vmem>>, vector<1x16xf32>,
      %parallel_loop3A_951 = vector.shape_cast %parallel_loop3A_950 : vector<1x16xf32> to vector<16xf32>
      %parallel_loop3A_952 = vector.shape_cast %parallel_loop3A_947 : vector<16xf32> to vector<1x16xf32>
      tpu.vector_store %arg6[%parallel_loop3A_948, %parallel_loop3A_949], %parallel_loop3A_952 {add = true, strides = array<i32>} : memref<520x128xf32, #tpu.memory_space<vmem>>, vector<1x16xf32>,
      %parallel_loop3A_953 = arith.constant 10 : i32
      %parallel_loop3A_954 = arith.addi %parallel_loop3A_25, %parallel_loop3A_953 : i32
      %parallel_loop3A_955 = arith.index_cast %parallel_loop3A_954 : i32 to index
      %parallel_loop3A_956 = arith.constant 0 : index
      %parallel_loop3A_957 = tpu.vector_load %arg5[%parallel_loop3A_955, %parallel_loop3A_956] {strides = array<i32>} : memref<256x128xf32, #tpu.memory_space<vmem>>, vector<1x16xf32>,
      %parallel_loop3A_958 = vector.shape_cast %parallel_loop3A_957 : vector<1x16xf32> to vector<16xf32>
      %parallel_loop3A_959 = arith.index_cast %parallel_loop3A_62 : i32 to index
      %parallel_loop3A_960 = arith.constant 0 : index
      %parallel_loop3A_961 = tpu.vector_load %arg6[%parallel_loop3A_959, %parallel_loop3A_960] {strides = array<i32>} : memref<520x128xf32, #tpu.memory_space<vmem>>, vector<1x16xf32>,
      %parallel_loop3A_962 = vector.shape_cast %parallel_loop3A_961 : vector<1x16xf32> to vector<16xf32>
      %parallel_loop3A_963 = vector.shape_cast %parallel_loop3A_958 : vector<16xf32> to vector<1x16xf32>
      tpu.vector_store %arg6[%parallel_loop3A_959, %parallel_loop3A_960], %parallel_loop3A_963 {add = true, strides = array<i32>} : memref<520x128xf32, #tpu.memory_space<vmem>>, vector<1x16xf32>,
      %parallel_loop3A_964 = arith.constant 10 : i32
      %parallel_loop3A_965 = arith.addi %parallel_loop3A_25, %parallel_loop3A_964 : i32
      %parallel_loop3A_966 = arith.index_cast %parallel_loop3A_965 : i32 to index
      %parallel_loop3A_967 = arith.constant 16 : index
      %parallel_loop3A_968 = tpu.vector_load %arg5[%parallel_loop3A_966, %parallel_loop3A_967] {strides = array<i32>} : memref<256x128xf32, #tpu.memory_space<vmem>>, vector<1x16xf32>,
      %parallel_loop3A_969 = vector.shape_cast %parallel_loop3A_968 : vector<1x16xf32> to vector<16xf32>
      %parallel_loop3A_970 = arith.index_cast %parallel_loop3A_62 : i32 to index
      %parallel_loop3A_971 = arith.constant 16 : index
      %parallel_loop3A_972 = tpu.vector_load %arg6[%parallel_loop3A_970, %parallel_loop3A_971] {strides = array<i32>} : memref<520x128xf32, #tpu.memory_space<vmem>>, vector<1x16xf32>,
      %parallel_loop3A_973 = vector.shape_cast %parallel_loop3A_972 : vector<1x16xf32> to vector<16xf32>
      %parallel_loop3A_974 = vector.shape_cast %parallel_loop3A_969 : vector<16xf32> to vector<1x16xf32>
      tpu.vector_store %arg6[%parallel_loop3A_970, %parallel_loop3A_971], %parallel_loop3A_974 {add = true, strides = array<i32>} : memref<520x128xf32, #tpu.memory_space<vmem>>, vector<1x16xf32>,
      %parallel_loop3A_975 = arith.constant 10 : i32
      %parallel_loop3A_976 = arith.addi %parallel_loop3A_25, %parallel_loop3A_975 : i32
      %parallel_loop3A_977 = arith.index_cast %parallel_loop3A_976 : i32 to index
      %parallel_loop3A_978 = arith.constant 32 : index
      %parallel_loop3A_979 = tpu.vector_load %arg5[%parallel_loop3A_977, %parallel_loop3A_978] {strides = array<i32>} : memref<256x128xf32, #tpu.memory_space<vmem>>, vector<1x16xf32>,
      %parallel_loop3A_980 = vector.shape_cast %parallel_loop3A_979 : vector<1x16xf32> to vector<16xf32>
      %parallel_loop3A_981 = arith.index_cast %parallel_loop3A_62 : i32 to index
      %parallel_loop3A_982 = arith.constant 32 : index
      %parallel_loop3A_983 = tpu.vector_load %arg6[%parallel_loop3A_981, %parallel_loop3A_982] {strides = array<i32>} : memref<520x128xf32, #tpu.memory_space<vmem>>, vector<1x16xf32>,
      %parallel_loop3A_984 = vector.shape_cast %parallel_loop3A_983 : vector<1x16xf32> to vector<16xf32>
      %parallel_loop3A_985 = vector.shape_cast %parallel_loop3A_980 : vector<16xf32> to vector<1x16xf32>
      tpu.vector_store %arg6[%parallel_loop3A_981, %parallel_loop3A_982], %parallel_loop3A_985 {add = true, strides = array<i32>} : memref<520x128xf32, #tpu.memory_space<vmem>>, vector<1x16xf32>,
      %parallel_loop3A_986 = arith.constant 10 : i32
      %parallel_loop3A_987 = arith.addi %parallel_loop3A_25, %parallel_loop3A_986 : i32
      %parallel_loop3A_988 = arith.index_cast %parallel_loop3A_987 : i32 to index
      %parallel_loop3A_989 = arith.constant 48 : index
      %parallel_loop3A_990 = tpu.vector_load %arg5[%parallel_loop3A_988, %parallel_loop3A_989] {strides = array<i32>} : memref<256x128xf32, #tpu.memory_space<vmem>>, vector<1x16xf32>,
      %parallel_loop3A_991 = vector.shape_cast %parallel_loop3A_990 : vector<1x16xf32> to vector<16xf32>
      %parallel_loop3A_992 = arith.index_cast %parallel_loop3A_62 : i32 to index
      %parallel_loop3A_993 = arith.constant 48 : index
      %parallel_loop3A_994 = tpu.vector_load %arg6[%parallel_loop3A_992, %parallel_loop3A_993] {strides = array<i32>} : memref<520x128xf32, #tpu.memory_space<vmem>>, vector<1x16xf32>,
      %parallel_loop3A_995 = vector.shape_cast %parallel_loop3A_994 : vector<1x16xf32> to vector<16xf32>
      %parallel_loop3A_996 = vector.shape_cast %parallel_loop3A_991 : vector<16xf32> to vector<1x16xf32>
      tpu.vector_store %arg6[%parallel_loop3A_992, %parallel_loop3A_993], %parallel_loop3A_996 {add = true, strides = array<i32>} : memref<520x128xf32, #tpu.memory_space<vmem>>, vector<1x16xf32>,
      %parallel_loop3A_997 = arith.constant 10 : i32
      %parallel_loop3A_998 = arith.addi %parallel_loop3A_25, %parallel_loop3A_997 : i32
      %parallel_loop3A_999 = arith.index_cast %parallel_loop3A_998 : i32 to index
      %parallel_loop3A_1000 = arith.constant 64 : index
      %parallel_loop3A_1001 = tpu.vector_load %arg5[%parallel_loop3A_999, %parallel_loop3A_1000] {strides = array<i32>} : memref<256x128xf32, #tpu.memory_space<vmem>>, vector<1x16xf32>,
      %parallel_loop3A_1002 = vector.shape_cast %parallel_loop3A_1001 : vector<1x16xf32> to vector<16xf32>
      %parallel_loop3A_1003 = arith.index_cast %parallel_loop3A_62 : i32 to index
      %parallel_loop3A_1004 = arith.constant 64 : index
      %parallel_loop3A_1005 = tpu.vector_load %arg6[%parallel_loop3A_1003, %parallel_loop3A_1004] {strides = array<i32>} : memref<520x128xf32, #tpu.memory_space<vmem>>, vector<1x16xf32>,
      %parallel_loop3A_1006 = vector.shape_cast %parallel_loop3A_1005 : vector<1x16xf32> to vector<16xf32>
      %parallel_loop3A_1007 = vector.shape_cast %parallel_loop3A_1002 : vector<16xf32> to vector<1x16xf32>
      tpu.vector_store %arg6[%parallel_loop3A_1003, %parallel_loop3A_1004], %parallel_loop3A_1007 {add = true, strides = array<i32>} : memref<520x128xf32, #tpu.memory_space<vmem>>, vector<1x16xf32>,
      %parallel_loop3A_1008 = arith.constant 10 : i32
      %parallel_loop3A_1009 = arith.addi %parallel_loop3A_25, %parallel_loop3A_1008 : i32
      %parallel_loop3A_1010 = arith.index_cast %parallel_loop3A_1009 : i32 to index
      %parallel_loop3A_1011 = arith.constant 80 : index
      %parallel_loop3A_1012 = tpu.vector_load %arg5[%parallel_loop3A_1010, %parallel_loop3A_1011] {strides = array<i32>} : memref<256x128xf32, #tpu.memory_space<vmem>>, vector<1x16xf32>,
      %parallel_loop3A_1013 = vector.shape_cast %parallel_loop3A_1012 : vector<1x16xf32> to vector<16xf32>
      %parallel_loop3A_1014 = arith.index_cast %parallel_loop3A_62 : i32 to index
      %parallel_loop3A_1015 = arith.constant 80 : index
      %parallel_loop3A_1016 = tpu.vector_load %arg6[%parallel_loop3A_1014, %parallel_loop3A_1015] {strides = array<i32>} : memref<520x128xf32, #tpu.memory_space<vmem>>, vector<1x16xf32>,
      %parallel_loop3A_1017 = vector.shape_cast %parallel_loop3A_1016 : vector<1x16xf32> to vector<16xf32>
      %parallel_loop3A_1018 = vector.shape_cast %parallel_loop3A_1013 : vector<16xf32> to vector<1x16xf32>
      tpu.vector_store %arg6[%parallel_loop3A_1014, %parallel_loop3A_1015], %parallel_loop3A_1018 {add = true, strides = array<i32>} : memref<520x128xf32, #tpu.memory_space<vmem>>, vector<1x16xf32>,
      %parallel_loop3A_1019 = arith.constant 10 : i32
      %parallel_loop3A_1020 = arith.addi %parallel_loop3A_25, %parallel_loop3A_1019 : i32
      %parallel_loop3A_1021 = arith.index_cast %parallel_loop3A_1020 : i32 to index
      %parallel_loop3A_1022 = arith.constant 96 : index
      %parallel_loop3A_1023 = tpu.vector_load %arg5[%parallel_loop3A_1021, %parallel_loop3A_1022] {strides = array<i32>} : memref<256x128xf32, #tpu.memory_space<vmem>>, vector<1x16xf32>,
      %parallel_loop3A_1024 = vector.shape_cast %parallel_loop3A_1023 : vector<1x16xf32> to vector<16xf32>
      %parallel_loop3A_1025 = arith.index_cast %parallel_loop3A_62 : i32 to index
      %parallel_loop3A_1026 = arith.constant 96 : index
      %parallel_loop3A_1027 = tpu.vector_load %arg6[%parallel_loop3A_1025, %parallel_loop3A_1026] {strides = array<i32>} : memref<520x128xf32, #tpu.memory_space<vmem>>, vector<1x16xf32>,
      %parallel_loop3A_1028 = vector.shape_cast %parallel_loop3A_1027 : vector<1x16xf32> to vector<16xf32>
      %parallel_loop3A_1029 = vector.shape_cast %parallel_loop3A_1024 : vector<16xf32> to vector<1x16xf32>
      tpu.vector_store %arg6[%parallel_loop3A_1025, %parallel_loop3A_1026], %parallel_loop3A_1029 {add = true, strides = array<i32>} : memref<520x128xf32, #tpu.memory_space<vmem>>, vector<1x16xf32>,
      %parallel_loop3A_1030 = arith.constant 10 : i32
      %parallel_loop3A_1031 = arith.addi %parallel_loop3A_25, %parallel_loop3A_1030 : i32
      %parallel_loop3A_1032 = arith.index_cast %parallel_loop3A_1031 : i32 to index
      %parallel_loop3A_1033 = arith.constant 112 : index
      %parallel_loop3A_1034 = tpu.vector_load %arg5[%parallel_loop3A_1032, %parallel_loop3A_1033] {strides = array<i32>} : memref<256x128xf32, #tpu.memory_space<vmem>>, vector<1x16xf32>,
      %parallel_loop3A_1035 = vector.shape_cast %parallel_loop3A_1034 : vector<1x16xf32> to vector<16xf32>
      %parallel_loop3A_1036 = arith.index_cast %parallel_loop3A_62 : i32 to index
      %parallel_loop3A_1037 = arith.constant 112 : index
      %parallel_loop3A_1038 = tpu.vector_load %arg6[%parallel_loop3A_1036, %parallel_loop3A_1037] {strides = array<i32>} : memref<520x128xf32, #tpu.memory_space<vmem>>, vector<1x16xf32>,
      %parallel_loop3A_1039 = vector.shape_cast %parallel_loop3A_1038 : vector<1x16xf32> to vector<16xf32>
      %parallel_loop3A_1040 = vector.shape_cast %parallel_loop3A_1035 : vector<16xf32> to vector<1x16xf32>
      tpu.vector_store %arg6[%parallel_loop3A_1036, %parallel_loop3A_1037], %parallel_loop3A_1040 {add = true, strides = array<i32>} : memref<520x128xf32, #tpu.memory_space<vmem>>, vector<1x16xf32>,
      %parallel_loop3A_1041 = arith.constant 11 : i32
      %parallel_loop3A_1042 = arith.addi %parallel_loop3A_25, %parallel_loop3A_1041 : i32
      %parallel_loop3A_1043 = arith.index_cast %parallel_loop3A_1042 : i32 to index
      %parallel_loop3A_1044 = arith.constant 0 : index
      %parallel_loop3A_1045 = tpu.vector_load %arg5[%parallel_loop3A_1043, %parallel_loop3A_1044] {strides = array<i32>} : memref<256x128xf32, #tpu.memory_space<vmem>>, vector<1x16xf32>,
      %parallel_loop3A_1046 = vector.shape_cast %parallel_loop3A_1045 : vector<1x16xf32> to vector<16xf32>
      %parallel_loop3A_1047 = arith.index_cast %parallel_loop3A_64 : i32 to index
      %parallel_loop3A_1048 = arith.constant 0 : index
      %parallel_loop3A_1049 = tpu.vector_load %arg6[%parallel_loop3A_1047, %parallel_loop3A_1048] {strides = array<i32>} : memref<520x128xf32, #tpu.memory_space<vmem>>, vector<1x16xf32>,
      %parallel_loop3A_1050 = vector.shape_cast %parallel_loop3A_1049 : vector<1x16xf32> to vector<16xf32>
      %parallel_loop3A_1051 = vector.shape_cast %parallel_loop3A_1046 : vector<16xf32> to vector<1x16xf32>
      tpu.vector_store %arg6[%parallel_loop3A_1047, %parallel_loop3A_1048], %parallel_loop3A_1051 {add = true, strides = array<i32>} : memref<520x128xf32, #tpu.memory_space<vmem>>, vector<1x16xf32>,
      %parallel_loop3A_1052 = arith.constant 11 : i32
      %parallel_loop3A_1053 = arith.addi %parallel_loop3A_25, %parallel_loop3A_1052 : i32
      %parallel_loop3A_1054 = arith.index_cast %parallel_loop3A_1053 : i32 to index
      %parallel_loop3A_1055 = arith.constant 16 : index
      %parallel_loop3A_1056 = tpu.vector_load %arg5[%parallel_loop3A_1054, %parallel_loop3A_1055] {strides = array<i32>} : memref<256x128xf32, #tpu.memory_space<vmem>>, vector<1x16xf32>,
      %parallel_loop3A_1057 = vector.shape_cast %parallel_loop3A_1056 : vector<1x16xf32> to vector<16xf32>
      %parallel_loop3A_1058 = arith.index_cast %parallel_loop3A_64 : i32 to index
      %parallel_loop3A_1059 = arith.constant 16 : index
      %parallel_loop3A_1060 = tpu.vector_load %arg6[%parallel_loop3A_1058, %parallel_loop3A_1059] {strides = array<i32>} : memref<520x128xf32, #tpu.memory_space<vmem>>, vector<1x16xf32>,
      %parallel_loop3A_1061 = vector.shape_cast %parallel_loop3A_1060 : vector<1x16xf32> to vector<16xf32>
      %parallel_loop3A_1062 = vector.shape_cast %parallel_loop3A_1057 : vector<16xf32> to vector<1x16xf32>
      tpu.vector_store %arg6[%parallel_loop3A_1058, %parallel_loop3A_1059], %parallel_loop3A_1062 {add = true, strides = array<i32>} : memref<520x128xf32, #tpu.memory_space<vmem>>, vector<1x16xf32>,
      %parallel_loop3A_1063 = arith.constant 11 : i32
      %parallel_loop3A_1064 = arith.addi %parallel_loop3A_25, %parallel_loop3A_1063 : i32
      %parallel_loop3A_1065 = arith.index_cast %parallel_loop3A_1064 : i32 to index
      %parallel_loop3A_1066 = arith.constant 32 : index
      %parallel_loop3A_1067 = tpu.vector_load %arg5[%parallel_loop3A_1065, %parallel_loop3A_1066] {strides = array<i32>} : memref<256x128xf32, #tpu.memory_space<vmem>>, vector<1x16xf32>,
      %parallel_loop3A_1068 = vector.shape_cast %parallel_loop3A_1067 : vector<1x16xf32> to vector<16xf32>
      %parallel_loop3A_1069 = arith.index_cast %parallel_loop3A_64 : i32 to index
      %parallel_loop3A_1070 = arith.constant 32 : index
      %parallel_loop3A_1071 = tpu.vector_load %arg6[%parallel_loop3A_1069, %parallel_loop3A_1070] {strides = array<i32>} : memref<520x128xf32, #tpu.memory_space<vmem>>, vector<1x16xf32>,
      %parallel_loop3A_1072 = vector.shape_cast %parallel_loop3A_1071 : vector<1x16xf32> to vector<16xf32>
      %parallel_loop3A_1073 = vector.shape_cast %parallel_loop3A_1068 : vector<16xf32> to vector<1x16xf32>
      tpu.vector_store %arg6[%parallel_loop3A_1069, %parallel_loop3A_1070], %parallel_loop3A_1073 {add = true, strides = array<i32>} : memref<520x128xf32, #tpu.memory_space<vmem>>, vector<1x16xf32>,
      %parallel_loop3A_1074 = arith.constant 11 : i32
      %parallel_loop3A_1075 = arith.addi %parallel_loop3A_25, %parallel_loop3A_1074 : i32
      %parallel_loop3A_1076 = arith.index_cast %parallel_loop3A_1075 : i32 to index
      %parallel_loop3A_1077 = arith.constant 48 : index
      %parallel_loop3A_1078 = tpu.vector_load %arg5[%parallel_loop3A_1076, %parallel_loop3A_1077] {strides = array<i32>} : memref<256x128xf32, #tpu.memory_space<vmem>>, vector<1x16xf32>,
      %parallel_loop3A_1079 = vector.shape_cast %parallel_loop3A_1078 : vector<1x16xf32> to vector<16xf32>
      %parallel_loop3A_1080 = arith.index_cast %parallel_loop3A_64 : i32 to index
      %parallel_loop3A_1081 = arith.constant 48 : index
      %parallel_loop3A_1082 = tpu.vector_load %arg6[%parallel_loop3A_1080, %parallel_loop3A_1081] {strides = array<i32>} : memref<520x128xf32, #tpu.memory_space<vmem>>, vector<1x16xf32>,
      %parallel_loop3A_1083 = vector.shape_cast %parallel_loop3A_1082 : vector<1x16xf32> to vector<16xf32>
      %parallel_loop3A_1084 = vector.shape_cast %parallel_loop3A_1079 : vector<16xf32> to vector<1x16xf32>
      tpu.vector_store %arg6[%parallel_loop3A_1080, %parallel_loop3A_1081], %parallel_loop3A_1084 {add = true, strides = array<i32>} : memref<520x128xf32, #tpu.memory_space<vmem>>, vector<1x16xf32>,
      %parallel_loop3A_1085 = arith.constant 11 : i32
      %parallel_loop3A_1086 = arith.addi %parallel_loop3A_25, %parallel_loop3A_1085 : i32
      %parallel_loop3A_1087 = arith.index_cast %parallel_loop3A_1086 : i32 to index
      %parallel_loop3A_1088 = arith.constant 64 : index
      %parallel_loop3A_1089 = tpu.vector_load %arg5[%parallel_loop3A_1087, %parallel_loop3A_1088] {strides = array<i32>} : memref<256x128xf32, #tpu.memory_space<vmem>>, vector<1x16xf32>,
      %parallel_loop3A_1090 = vector.shape_cast %parallel_loop3A_1089 : vector<1x16xf32> to vector<16xf32>
      %parallel_loop3A_1091 = arith.index_cast %parallel_loop3A_64 : i32 to index
      %parallel_loop3A_1092 = arith.constant 64 : index
      %parallel_loop3A_1093 = tpu.vector_load %arg6[%parallel_loop3A_1091, %parallel_loop3A_1092] {strides = array<i32>} : memref<520x128xf32, #tpu.memory_space<vmem>>, vector<1x16xf32>,
      %parallel_loop3A_1094 = vector.shape_cast %parallel_loop3A_1093 : vector<1x16xf32> to vector<16xf32>
      %parallel_loop3A_1095 = vector.shape_cast %parallel_loop3A_1090 : vector<16xf32> to vector<1x16xf32>
      tpu.vector_store %arg6[%parallel_loop3A_1091, %parallel_loop3A_1092], %parallel_loop3A_1095 {add = true, strides = array<i32>} : memref<520x128xf32, #tpu.memory_space<vmem>>, vector<1x16xf32>,
      %parallel_loop3A_1096 = arith.constant 11 : i32
      %parallel_loop3A_1097 = arith.addi %parallel_loop3A_25, %parallel_loop3A_1096 : i32
      %parallel_loop3A_1098 = arith.index_cast %parallel_loop3A_1097 : i32 to index
      %parallel_loop3A_1099 = arith.constant 80 : index
      %parallel_loop3A_1100 = tpu.vector_load %arg5[%parallel_loop3A_1098, %parallel_loop3A_1099] {strides = array<i32>} : memref<256x128xf32, #tpu.memory_space<vmem>>, vector<1x16xf32>,
      %parallel_loop3A_1101 = vector.shape_cast %parallel_loop3A_1100 : vector<1x16xf32> to vector<16xf32>
      %parallel_loop3A_1102 = arith.index_cast %parallel_loop3A_64 : i32 to index
      %parallel_loop3A_1103 = arith.constant 80 : index
      %parallel_loop3A_1104 = tpu.vector_load %arg6[%parallel_loop3A_1102, %parallel_loop3A_1103] {strides = array<i32>} : memref<520x128xf32, #tpu.memory_space<vmem>>, vector<1x16xf32>,
      %parallel_loop3A_1105 = vector.shape_cast %parallel_loop3A_1104 : vector<1x16xf32> to vector<16xf32>
      %parallel_loop3A_1106 = vector.shape_cast %parallel_loop3A_1101 : vector<16xf32> to vector<1x16xf32>
      tpu.vector_store %arg6[%parallel_loop3A_1102, %parallel_loop3A_1103], %parallel_loop3A_1106 {add = true, strides = array<i32>} : memref<520x128xf32, #tpu.memory_space<vmem>>, vector<1x16xf32>,
      %parallel_loop3A_1107 = arith.constant 11 : i32
      %parallel_loop3A_1108 = arith.addi %parallel_loop3A_25, %parallel_loop3A_1107 : i32
      %parallel_loop3A_1109 = arith.index_cast %parallel_loop3A_1108 : i32 to index
      %parallel_loop3A_1110 = arith.constant 96 : index
      %parallel_loop3A_1111 = tpu.vector_load %arg5[%parallel_loop3A_1109, %parallel_loop3A_1110] {strides = array<i32>} : memref<256x128xf32, #tpu.memory_space<vmem>>, vector<1x16xf32>,
      %parallel_loop3A_1112 = vector.shape_cast %parallel_loop3A_1111 : vector<1x16xf32> to vector<16xf32>
      %parallel_loop3A_1113 = arith.index_cast %parallel_loop3A_64 : i32 to index
      %parallel_loop3A_1114 = arith.constant 96 : index
      %parallel_loop3A_1115 = tpu.vector_load %arg6[%parallel_loop3A_1113, %parallel_loop3A_1114] {strides = array<i32>} : memref<520x128xf32, #tpu.memory_space<vmem>>, vector<1x16xf32>,
      %parallel_loop3A_1116 = vector.shape_cast %parallel_loop3A_1115 : vector<1x16xf32> to vector<16xf32>
      %parallel_loop3A_1117 = vector.shape_cast %parallel_loop3A_1112 : vector<16xf32> to vector<1x16xf32>
      tpu.vector_store %arg6[%parallel_loop3A_1113, %parallel_loop3A_1114], %parallel_loop3A_1117 {add = true, strides = array<i32>} : memref<520x128xf32, #tpu.memory_space<vmem>>, vector<1x16xf32>,
      %parallel_loop3A_1118 = arith.constant 11 : i32
      %parallel_loop3A_1119 = arith.addi %parallel_loop3A_25, %parallel_loop3A_1118 : i32
      %parallel_loop3A_1120 = arith.index_cast %parallel_loop3A_1119 : i32 to index
      %parallel_loop3A_1121 = arith.constant 112 : index
      %parallel_loop3A_1122 = tpu.vector_load %arg5[%parallel_loop3A_1120, %parallel_loop3A_1121] {strides = array<i32>} : memref<256x128xf32, #tpu.memory_space<vmem>>, vector<1x16xf32>,
      %parallel_loop3A_1123 = vector.shape_cast %parallel_loop3A_1122 : vector<1x16xf32> to vector<16xf32>
      %parallel_loop3A_1124 = arith.index_cast %parallel_loop3A_64 : i32 to index
      %parallel_loop3A_1125 = arith.constant 112 : index
      %parallel_loop3A_1126 = tpu.vector_load %arg6[%parallel_loop3A_1124, %parallel_loop3A_1125] {strides = array<i32>} : memref<520x128xf32, #tpu.memory_space<vmem>>, vector<1x16xf32>,
      %parallel_loop3A_1127 = vector.shape_cast %parallel_loop3A_1126 : vector<1x16xf32> to vector<16xf32>
      %parallel_loop3A_1128 = vector.shape_cast %parallel_loop3A_1123 : vector<16xf32> to vector<1x16xf32>
      tpu.vector_store %arg6[%parallel_loop3A_1124, %parallel_loop3A_1125], %parallel_loop3A_1128 {add = true, strides = array<i32>} : memref<520x128xf32, #tpu.memory_space<vmem>>, vector<1x16xf32>,
      %parallel_loop3A_1129 = arith.constant 12 : i32
      %parallel_loop3A_1130 = arith.addi %parallel_loop3A_25, %parallel_loop3A_1129 : i32
      %parallel_loop3A_1131 = arith.index_cast %parallel_loop3A_1130 : i32 to index
      %parallel_loop3A_1132 = arith.constant 0 : index
      %parallel_loop3A_1133 = tpu.vector_load %arg5[%parallel_loop3A_1131, %parallel_loop3A_1132] {strides = array<i32>} : memref<256x128xf32, #tpu.memory_space<vmem>>, vector<1x16xf32>,
      %parallel_loop3A_1134 = vector.shape_cast %parallel_loop3A_1133 : vector<1x16xf32> to vector<16xf32>
      %parallel_loop3A_1135 = arith.index_cast %parallel_loop3A_66 : i32 to index
      %parallel_loop3A_1136 = arith.constant 0 : index
      %parallel_loop3A_1137 = tpu.vector_load %arg6[%parallel_loop3A_1135, %parallel_loop3A_1136] {strides = array<i32>} : memref<520x128xf32, #tpu.memory_space<vmem>>, vector<1x16xf32>,
      %parallel_loop3A_1138 = vector.shape_cast %parallel_loop3A_1137 : vector<1x16xf32> to vector<16xf32>
      %parallel_loop3A_1139 = vector.shape_cast %parallel_loop3A_1134 : vector<16xf32> to vector<1x16xf32>
      tpu.vector_store %arg6[%parallel_loop3A_1135, %parallel_loop3A_1136], %parallel_loop3A_1139 {add = true, strides = array<i32>} : memref<520x128xf32, #tpu.memory_space<vmem>>, vector<1x16xf32>,
      %parallel_loop3A_1140 = arith.constant 12 : i32
      %parallel_loop3A_1141 = arith.addi %parallel_loop3A_25, %parallel_loop3A_1140 : i32
      %parallel_loop3A_1142 = arith.index_cast %parallel_loop3A_1141 : i32 to index
      %parallel_loop3A_1143 = arith.constant 16 : index
      %parallel_loop3A_1144 = tpu.vector_load %arg5[%parallel_loop3A_1142, %parallel_loop3A_1143] {strides = array<i32>} : memref<256x128xf32, #tpu.memory_space<vmem>>, vector<1x16xf32>,
      %parallel_loop3A_1145 = vector.shape_cast %parallel_loop3A_1144 : vector<1x16xf32> to vector<16xf32>
      %parallel_loop3A_1146 = arith.index_cast %parallel_loop3A_66 : i32 to index
      %parallel_loop3A_1147 = arith.constant 16 : index
      %parallel_loop3A_1148 = tpu.vector_load %arg6[%parallel_loop3A_1146, %parallel_loop3A_1147] {strides = array<i32>} : memref<520x128xf32, #tpu.memory_space<vmem>>, vector<1x16xf32>,
      %parallel_loop3A_1149 = vector.shape_cast %parallel_loop3A_1148 : vector<1x16xf32> to vector<16xf32>
      %parallel_loop3A_1150 = vector.shape_cast %parallel_loop3A_1145 : vector<16xf32> to vector<1x16xf32>
      tpu.vector_store %arg6[%parallel_loop3A_1146, %parallel_loop3A_1147], %parallel_loop3A_1150 {add = true, strides = array<i32>} : memref<520x128xf32, #tpu.memory_space<vmem>>, vector<1x16xf32>,
      %parallel_loop3A_1151 = arith.constant 12 : i32
      %parallel_loop3A_1152 = arith.addi %parallel_loop3A_25, %parallel_loop3A_1151 : i32
      %parallel_loop3A_1153 = arith.index_cast %parallel_loop3A_1152 : i32 to index
      %parallel_loop3A_1154 = arith.constant 32 : index
      %parallel_loop3A_1155 = tpu.vector_load %arg5[%parallel_loop3A_1153, %parallel_loop3A_1154] {strides = array<i32>} : memref<256x128xf32, #tpu.memory_space<vmem>>, vector<1x16xf32>,
      %parallel_loop3A_1156 = vector.shape_cast %parallel_loop3A_1155 : vector<1x16xf32> to vector<16xf32>
      %parallel_loop3A_1157 = arith.index_cast %parallel_loop3A_66 : i32 to index
      %parallel_loop3A_1158 = arith.constant 32 : index
      %parallel_loop3A_1159 = tpu.vector_load %arg6[%parallel_loop3A_1157, %parallel_loop3A_1158] {strides = array<i32>} : memref<520x128xf32, #tpu.memory_space<vmem>>, vector<1x16xf32>,
      %parallel_loop3A_1160 = vector.shape_cast %parallel_loop3A_1159 : vector<1x16xf32> to vector<16xf32>
      %parallel_loop3A_1161 = vector.shape_cast %parallel_loop3A_1156 : vector<16xf32> to vector<1x16xf32>
      tpu.vector_store %arg6[%parallel_loop3A_1157, %parallel_loop3A_1158], %parallel_loop3A_1161 {add = true, strides = array<i32>} : memref<520x128xf32, #tpu.memory_space<vmem>>, vector<1x16xf32>,
      %parallel_loop3A_1162 = arith.constant 12 : i32
      %parallel_loop3A_1163 = arith.addi %parallel_loop3A_25, %parallel_loop3A_1162 : i32
      %parallel_loop3A_1164 = arith.index_cast %parallel_loop3A_1163 : i32 to index
      %parallel_loop3A_1165 = arith.constant 48 : index
      %parallel_loop3A_1166 = tpu.vector_load %arg5[%parallel_loop3A_1164, %parallel_loop3A_1165] {strides = array<i32>} : memref<256x128xf32, #tpu.memory_space<vmem>>, vector<1x16xf32>,
      %parallel_loop3A_1167 = vector.shape_cast %parallel_loop3A_1166 : vector<1x16xf32> to vector<16xf32>
      %parallel_loop3A_1168 = arith.index_cast %parallel_loop3A_66 : i32 to index
      %parallel_loop3A_1169 = arith.constant 48 : index
      %parallel_loop3A_1170 = tpu.vector_load %arg6[%parallel_loop3A_1168, %parallel_loop3A_1169] {strides = array<i32>} : memref<520x128xf32, #tpu.memory_space<vmem>>, vector<1x16xf32>,
      %parallel_loop3A_1171 = vector.shape_cast %parallel_loop3A_1170 : vector<1x16xf32> to vector<16xf32>
      %parallel_loop3A_1172 = vector.shape_cast %parallel_loop3A_1167 : vector<16xf32> to vector<1x16xf32>
      tpu.vector_store %arg6[%parallel_loop3A_1168, %parallel_loop3A_1169], %parallel_loop3A_1172 {add = true, strides = array<i32>} : memref<520x128xf32, #tpu.memory_space<vmem>>, vector<1x16xf32>,
      %parallel_loop3A_1173 = arith.constant 12 : i32
      %parallel_loop3A_1174 = arith.addi %parallel_loop3A_25, %parallel_loop3A_1173 : i32
      %parallel_loop3A_1175 = arith.index_cast %parallel_loop3A_1174 : i32 to index
      %parallel_loop3A_1176 = arith.constant 64 : index
      %parallel_loop3A_1177 = tpu.vector_load %arg5[%parallel_loop3A_1175, %parallel_loop3A_1176] {strides = array<i32>} : memref<256x128xf32, #tpu.memory_space<vmem>>, vector<1x16xf32>,
      %parallel_loop3A_1178 = vector.shape_cast %parallel_loop3A_1177 : vector<1x16xf32> to vector<16xf32>
      %parallel_loop3A_1179 = arith.index_cast %parallel_loop3A_66 : i32 to index
      %parallel_loop3A_1180 = arith.constant 64 : index
      %parallel_loop3A_1181 = tpu.vector_load %arg6[%parallel_loop3A_1179, %parallel_loop3A_1180] {strides = array<i32>} : memref<520x128xf32, #tpu.memory_space<vmem>>, vector<1x16xf32>,
      %parallel_loop3A_1182 = vector.shape_cast %parallel_loop3A_1181 : vector<1x16xf32> to vector<16xf32>
      %parallel_loop3A_1183 = vector.shape_cast %parallel_loop3A_1178 : vector<16xf32> to vector<1x16xf32>
      tpu.vector_store %arg6[%parallel_loop3A_1179, %parallel_loop3A_1180], %parallel_loop3A_1183 {add = true, strides = array<i32>} : memref<520x128xf32, #tpu.memory_space<vmem>>, vector<1x16xf32>,
      %parallel_loop3A_1184 = arith.constant 12 : i32
      %parallel_loop3A_1185 = arith.addi %parallel_loop3A_25, %parallel_loop3A_1184 : i32
      %parallel_loop3A_1186 = arith.index_cast %parallel_loop3A_1185 : i32 to index
      %parallel_loop3A_1187 = arith.constant 80 : index
      %parallel_loop3A_1188 = tpu.vector_load %arg5[%parallel_loop3A_1186, %parallel_loop3A_1187] {strides = array<i32>} : memref<256x128xf32, #tpu.memory_space<vmem>>, vector<1x16xf32>,
      %parallel_loop3A_1189 = vector.shape_cast %parallel_loop3A_1188 : vector<1x16xf32> to vector<16xf32>
      %parallel_loop3A_1190 = arith.index_cast %parallel_loop3A_66 : i32 to index
      %parallel_loop3A_1191 = arith.constant 80 : index
      %parallel_loop3A_1192 = tpu.vector_load %arg6[%parallel_loop3A_1190, %parallel_loop3A_1191] {strides = array<i32>} : memref<520x128xf32, #tpu.memory_space<vmem>>, vector<1x16xf32>,
      %parallel_loop3A_1193 = vector.shape_cast %parallel_loop3A_1192 : vector<1x16xf32> to vector<16xf32>
      %parallel_loop3A_1194 = vector.shape_cast %parallel_loop3A_1189 : vector<16xf32> to vector<1x16xf32>
      tpu.vector_store %arg6[%parallel_loop3A_1190, %parallel_loop3A_1191], %parallel_loop3A_1194 {add = true, strides = array<i32>} : memref<520x128xf32, #tpu.memory_space<vmem>>, vector<1x16xf32>,
      %parallel_loop3A_1195 = arith.constant 12 : i32
      %parallel_loop3A_1196 = arith.addi %parallel_loop3A_25, %parallel_loop3A_1195 : i32
      %parallel_loop3A_1197 = arith.index_cast %parallel_loop3A_1196 : i32 to index
      %parallel_loop3A_1198 = arith.constant 96 : index
      %parallel_loop3A_1199 = tpu.vector_load %arg5[%parallel_loop3A_1197, %parallel_loop3A_1198] {strides = array<i32>} : memref<256x128xf32, #tpu.memory_space<vmem>>, vector<1x16xf32>,
      %parallel_loop3A_1200 = vector.shape_cast %parallel_loop3A_1199 : vector<1x16xf32> to vector<16xf32>
      %parallel_loop3A_1201 = arith.index_cast %parallel_loop3A_66 : i32 to index
      %parallel_loop3A_1202 = arith.constant 96 : index
      %parallel_loop3A_1203 = tpu.vector_load %arg6[%parallel_loop3A_1201, %parallel_loop3A_1202] {strides = array<i32>} : memref<520x128xf32, #tpu.memory_space<vmem>>, vector<1x16xf32>,
      %parallel_loop3A_1204 = vector.shape_cast %parallel_loop3A_1203 : vector<1x16xf32> to vector<16xf32>
      %parallel_loop3A_1205 = vector.shape_cast %parallel_loop3A_1200 : vector<16xf32> to vector<1x16xf32>
      tpu.vector_store %arg6[%parallel_loop3A_1201, %parallel_loop3A_1202], %parallel_loop3A_1205 {add = true, strides = array<i32>} : memref<520x128xf32, #tpu.memory_space<vmem>>, vector<1x16xf32>,
      %parallel_loop3A_1206 = arith.constant 12 : i32
      %parallel_loop3A_1207 = arith.addi %parallel_loop3A_25, %parallel_loop3A_1206 : i32
      %parallel_loop3A_1208 = arith.index_cast %parallel_loop3A_1207 : i32 to index
      %parallel_loop3A_1209 = arith.constant 112 : index
      %parallel_loop3A_1210 = tpu.vector_load %arg5[%parallel_loop3A_1208, %parallel_loop3A_1209] {strides = array<i32>} : memref<256x128xf32, #tpu.memory_space<vmem>>, vector<1x16xf32>,
      %parallel_loop3A_1211 = vector.shape_cast %parallel_loop3A_1210 : vector<1x16xf32> to vector<16xf32>
      %parallel_loop3A_1212 = arith.index_cast %parallel_loop3A_66 : i32 to index
      %parallel_loop3A_1213 = arith.constant 112 : index
      %parallel_loop3A_1214 = tpu.vector_load %arg6[%parallel_loop3A_1212, %parallel_loop3A_1213] {strides = array<i32>} : memref<520x128xf32, #tpu.memory_space<vmem>>, vector<1x16xf32>,
      %parallel_loop3A_1215 = vector.shape_cast %parallel_loop3A_1214 : vector<1x16xf32> to vector<16xf32>
      %parallel_loop3A_1216 = vector.shape_cast %parallel_loop3A_1211 : vector<16xf32> to vector<1x16xf32>
      tpu.vector_store %arg6[%parallel_loop3A_1212, %parallel_loop3A_1213], %parallel_loop3A_1216 {add = true, strides = array<i32>} : memref<520x128xf32, #tpu.memory_space<vmem>>, vector<1x16xf32>,
      %parallel_loop3A_1217 = arith.constant 13 : i32
      %parallel_loop3A_1218 = arith.addi %parallel_loop3A_25, %parallel_loop3A_1217 : i32
      %parallel_loop3A_1219 = arith.index_cast %parallel_loop3A_1218 : i32 to index
      %parallel_loop3A_1220 = arith.constant 0 : index
      %parallel_loop3A_1221 = tpu.vector_load %arg5[%parallel_loop3A_1219, %parallel_loop3A_1220] {strides = array<i32>} : memref<256x128xf32, #tpu.memory_space<vmem>>, vector<1x16xf32>,
      %parallel_loop3A_1222 = vector.shape_cast %parallel_loop3A_1221 : vector<1x16xf32> to vector<16xf32>
      %parallel_loop3A_1223 = arith.index_cast %parallel_loop3A_68 : i32 to index
      %parallel_loop3A_1224 = arith.constant 0 : index
      %parallel_loop3A_1225 = tpu.vector_load %arg6[%parallel_loop3A_1223, %parallel_loop3A_1224] {strides = array<i32>} : memref<520x128xf32, #tpu.memory_space<vmem>>, vector<1x16xf32>,
      %parallel_loop3A_1226 = vector.shape_cast %parallel_loop3A_1225 : vector<1x16xf32> to vector<16xf32>
      %parallel_loop3A_1227 = vector.shape_cast %parallel_loop3A_1222 : vector<16xf32> to vector<1x16xf32>
      tpu.vector_store %arg6[%parallel_loop3A_1223, %parallel_loop3A_1224], %parallel_loop3A_1227 {add = true, strides = array<i32>} : memref<520x128xf32, #tpu.memory_space<vmem>>, vector<1x16xf32>,
      %parallel_loop3A_1228 = arith.constant 13 : i32
      %parallel_loop3A_1229 = arith.addi %parallel_loop3A_25, %parallel_loop3A_1228 : i32
      %parallel_loop3A_1230 = arith.index_cast %parallel_loop3A_1229 : i32 to index
      %parallel_loop3A_1231 = arith.constant 16 : index
      %parallel_loop3A_1232 = tpu.vector_load %arg5[%parallel_loop3A_1230, %parallel_loop3A_1231] {strides = array<i32>} : memref<256x128xf32, #tpu.memory_space<vmem>>, vector<1x16xf32>,
      %parallel_loop3A_1233 = vector.shape_cast %parallel_loop3A_1232 : vector<1x16xf32> to vector<16xf32>
      %parallel_loop3A_1234 = arith.index_cast %parallel_loop3A_68 : i32 to index
      %parallel_loop3A_1235 = arith.constant 16 : index
      %parallel_loop3A_1236 = tpu.vector_load %arg6[%parallel_loop3A_1234, %parallel_loop3A_1235] {strides = array<i32>} : memref<520x128xf32, #tpu.memory_space<vmem>>, vector<1x16xf32>,
      %parallel_loop3A_1237 = vector.shape_cast %parallel_loop3A_1236 : vector<1x16xf32> to vector<16xf32>
      %parallel_loop3A_1238 = vector.shape_cast %parallel_loop3A_1233 : vector<16xf32> to vector<1x16xf32>
      tpu.vector_store %arg6[%parallel_loop3A_1234, %parallel_loop3A_1235], %parallel_loop3A_1238 {add = true, strides = array<i32>} : memref<520x128xf32, #tpu.memory_space<vmem>>, vector<1x16xf32>,
      %parallel_loop3A_1239 = arith.constant 13 : i32
      %parallel_loop3A_1240 = arith.addi %parallel_loop3A_25, %parallel_loop3A_1239 : i32
      %parallel_loop3A_1241 = arith.index_cast %parallel_loop3A_1240 : i32 to index
      %parallel_loop3A_1242 = arith.constant 32 : index
      %parallel_loop3A_1243 = tpu.vector_load %arg5[%parallel_loop3A_1241, %parallel_loop3A_1242] {strides = array<i32>} : memref<256x128xf32, #tpu.memory_space<vmem>>, vector<1x16xf32>,
      %parallel_loop3A_1244 = vector.shape_cast %parallel_loop3A_1243 : vector<1x16xf32> to vector<16xf32>
      %parallel_loop3A_1245 = arith.index_cast %parallel_loop3A_68 : i32 to index
      %parallel_loop3A_1246 = arith.constant 32 : index
      %parallel_loop3A_1247 = tpu.vector_load %arg6[%parallel_loop3A_1245, %parallel_loop3A_1246] {strides = array<i32>} : memref<520x128xf32, #tpu.memory_space<vmem>>, vector<1x16xf32>,
      %parallel_loop3A_1248 = vector.shape_cast %parallel_loop3A_1247 : vector<1x16xf32> to vector<16xf32>
      %parallel_loop3A_1249 = vector.shape_cast %parallel_loop3A_1244 : vector<16xf32> to vector<1x16xf32>
      tpu.vector_store %arg6[%parallel_loop3A_1245, %parallel_loop3A_1246], %parallel_loop3A_1249 {add = true, strides = array<i32>} : memref<520x128xf32, #tpu.memory_space<vmem>>, vector<1x16xf32>,
      %parallel_loop3A_1250 = arith.constant 13 : i32
      %parallel_loop3A_1251 = arith.addi %parallel_loop3A_25, %parallel_loop3A_1250 : i32
      %parallel_loop3A_1252 = arith.index_cast %parallel_loop3A_1251 : i32 to index
      %parallel_loop3A_1253 = arith.constant 48 : index
      %parallel_loop3A_1254 = tpu.vector_load %arg5[%parallel_loop3A_1252, %parallel_loop3A_1253] {strides = array<i32>} : memref<256x128xf32, #tpu.memory_space<vmem>>, vector<1x16xf32>,
      %parallel_loop3A_1255 = vector.shape_cast %parallel_loop3A_1254 : vector<1x16xf32> to vector<16xf32>
      %parallel_loop3A_1256 = arith.index_cast %parallel_loop3A_68 : i32 to index
      %parallel_loop3A_1257 = arith.constant 48 : index
      %parallel_loop3A_1258 = tpu.vector_load %arg6[%parallel_loop3A_1256, %parallel_loop3A_1257] {strides = array<i32>} : memref<520x128xf32, #tpu.memory_space<vmem>>, vector<1x16xf32>,
      %parallel_loop3A_1259 = vector.shape_cast %parallel_loop3A_1258 : vector<1x16xf32> to vector<16xf32>
      %parallel_loop3A_1260 = vector.shape_cast %parallel_loop3A_1255 : vector<16xf32> to vector<1x16xf32>
      tpu.vector_store %arg6[%parallel_loop3A_1256, %parallel_loop3A_1257], %parallel_loop3A_1260 {add = true, strides = array<i32>} : memref<520x128xf32, #tpu.memory_space<vmem>>, vector<1x16xf32>,
      %parallel_loop3A_1261 = arith.constant 13 : i32
      %parallel_loop3A_1262 = arith.addi %parallel_loop3A_25, %parallel_loop3A_1261 : i32
      %parallel_loop3A_1263 = arith.index_cast %parallel_loop3A_1262 : i32 to index
      %parallel_loop3A_1264 = arith.constant 64 : index
      %parallel_loop3A_1265 = tpu.vector_load %arg5[%parallel_loop3A_1263, %parallel_loop3A_1264] {strides = array<i32>} : memref<256x128xf32, #tpu.memory_space<vmem>>, vector<1x16xf32>,
      %parallel_loop3A_1266 = vector.shape_cast %parallel_loop3A_1265 : vector<1x16xf32> to vector<16xf32>
      %parallel_loop3A_1267 = arith.index_cast %parallel_loop3A_68 : i32 to index
      %parallel_loop3A_1268 = arith.constant 64 : index
      %parallel_loop3A_1269 = tpu.vector_load %arg6[%parallel_loop3A_1267, %parallel_loop3A_1268] {strides = array<i32>} : memref<520x128xf32, #tpu.memory_space<vmem>>, vector<1x16xf32>,
      %parallel_loop3A_1270 = vector.shape_cast %parallel_loop3A_1269 : vector<1x16xf32> to vector<16xf32>
      %parallel_loop3A_1271 = vector.shape_cast %parallel_loop3A_1266 : vector<16xf32> to vector<1x16xf32>
      tpu.vector_store %arg6[%parallel_loop3A_1267, %parallel_loop3A_1268], %parallel_loop3A_1271 {add = true, strides = array<i32>} : memref<520x128xf32, #tpu.memory_space<vmem>>, vector<1x16xf32>,
      %parallel_loop3A_1272 = arith.constant 13 : i32
      %parallel_loop3A_1273 = arith.addi %parallel_loop3A_25, %parallel_loop3A_1272 : i32
      %parallel_loop3A_1274 = arith.index_cast %parallel_loop3A_1273 : i32 to index
      %parallel_loop3A_1275 = arith.constant 80 : index
      %parallel_loop3A_1276 = tpu.vector_load %arg5[%parallel_loop3A_1274, %parallel_loop3A_1275] {strides = array<i32>} : memref<256x128xf32, #tpu.memory_space<vmem>>, vector<1x16xf32>,
      %parallel_loop3A_1277 = vector.shape_cast %parallel_loop3A_1276 : vector<1x16xf32> to vector<16xf32>
      %parallel_loop3A_1278 = arith.index_cast %parallel_loop3A_68 : i32 to index
      %parallel_loop3A_1279 = arith.constant 80 : index
      %parallel_loop3A_1280 = tpu.vector_load %arg6[%parallel_loop3A_1278, %parallel_loop3A_1279] {strides = array<i32>} : memref<520x128xf32, #tpu.memory_space<vmem>>, vector<1x16xf32>,
      %parallel_loop3A_1281 = vector.shape_cast %parallel_loop3A_1280 : vector<1x16xf32> to vector<16xf32>
      %parallel_loop3A_1282 = vector.shape_cast %parallel_loop3A_1277 : vector<16xf32> to vector<1x16xf32>
      tpu.vector_store %arg6[%parallel_loop3A_1278, %parallel_loop3A_1279], %parallel_loop3A_1282 {add = true, strides = array<i32>} : memref<520x128xf32, #tpu.memory_space<vmem>>, vector<1x16xf32>,
      %parallel_loop3A_1283 = arith.constant 13 : i32
      %parallel_loop3A_1284 = arith.addi %parallel_loop3A_25, %parallel_loop3A_1283 : i32
      %parallel_loop3A_1285 = arith.index_cast %parallel_loop3A_1284 : i32 to index
      %parallel_loop3A_1286 = arith.constant 96 : index
      %parallel_loop3A_1287 = tpu.vector_load %arg5[%parallel_loop3A_1285, %parallel_loop3A_1286] {strides = array<i32>} : memref<256x128xf32, #tpu.memory_space<vmem>>, vector<1x16xf32>,
      %parallel_loop3A_1288 = vector.shape_cast %parallel_loop3A_1287 : vector<1x16xf32> to vector<16xf32>
      %parallel_loop3A_1289 = arith.index_cast %parallel_loop3A_68 : i32 to index
      %parallel_loop3A_1290 = arith.constant 96 : index
      %parallel_loop3A_1291 = tpu.vector_load %arg6[%parallel_loop3A_1289, %parallel_loop3A_1290] {strides = array<i32>} : memref<520x128xf32, #tpu.memory_space<vmem>>, vector<1x16xf32>,
      %parallel_loop3A_1292 = vector.shape_cast %parallel_loop3A_1291 : vector<1x16xf32> to vector<16xf32>
      %parallel_loop3A_1293 = vector.shape_cast %parallel_loop3A_1288 : vector<16xf32> to vector<1x16xf32>
      tpu.vector_store %arg6[%parallel_loop3A_1289, %parallel_loop3A_1290], %parallel_loop3A_1293 {add = true, strides = array<i32>} : memref<520x128xf32, #tpu.memory_space<vmem>>, vector<1x16xf32>,
      %parallel_loop3A_1294 = arith.constant 13 : i32
      %parallel_loop3A_1295 = arith.addi %parallel_loop3A_25, %parallel_loop3A_1294 : i32
      %parallel_loop3A_1296 = arith.index_cast %parallel_loop3A_1295 : i32 to index
      %parallel_loop3A_1297 = arith.constant 112 : index
      %parallel_loop3A_1298 = tpu.vector_load %arg5[%parallel_loop3A_1296, %parallel_loop3A_1297] {strides = array<i32>} : memref<256x128xf32, #tpu.memory_space<vmem>>, vector<1x16xf32>,
      %parallel_loop3A_1299 = vector.shape_cast %parallel_loop3A_1298 : vector<1x16xf32> to vector<16xf32>
      %parallel_loop3A_1300 = arith.index_cast %parallel_loop3A_68 : i32 to index
      %parallel_loop3A_1301 = arith.constant 112 : index
      %parallel_loop3A_1302 = tpu.vector_load %arg6[%parallel_loop3A_1300, %parallel_loop3A_1301] {strides = array<i32>} : memref<520x128xf32, #tpu.memory_space<vmem>>, vector<1x16xf32>,
      %parallel_loop3A_1303 = vector.shape_cast %parallel_loop3A_1302 : vector<1x16xf32> to vector<16xf32>
      %parallel_loop3A_1304 = vector.shape_cast %parallel_loop3A_1299 : vector<16xf32> to vector<1x16xf32>
      tpu.vector_store %arg6[%parallel_loop3A_1300, %parallel_loop3A_1301], %parallel_loop3A_1304 {add = true, strides = array<i32>} : memref<520x128xf32, #tpu.memory_space<vmem>>, vector<1x16xf32>,
      %parallel_loop3A_1305 = arith.constant 14 : i32
      %parallel_loop3A_1306 = arith.addi %parallel_loop3A_25, %parallel_loop3A_1305 : i32
      %parallel_loop3A_1307 = arith.index_cast %parallel_loop3A_1306 : i32 to index
      %parallel_loop3A_1308 = arith.constant 0 : index
      %parallel_loop3A_1309 = tpu.vector_load %arg5[%parallel_loop3A_1307, %parallel_loop3A_1308] {strides = array<i32>} : memref<256x128xf32, #tpu.memory_space<vmem>>, vector<1x16xf32>,
      %parallel_loop3A_1310 = vector.shape_cast %parallel_loop3A_1309 : vector<1x16xf32> to vector<16xf32>
      %parallel_loop3A_1311 = arith.index_cast %parallel_loop3A_70 : i32 to index
      %parallel_loop3A_1312 = arith.constant 0 : index
      %parallel_loop3A_1313 = tpu.vector_load %arg6[%parallel_loop3A_1311, %parallel_loop3A_1312] {strides = array<i32>} : memref<520x128xf32, #tpu.memory_space<vmem>>, vector<1x16xf32>,
      %parallel_loop3A_1314 = vector.shape_cast %parallel_loop3A_1313 : vector<1x16xf32> to vector<16xf32>
      %parallel_loop3A_1315 = vector.shape_cast %parallel_loop3A_1310 : vector<16xf32> to vector<1x16xf32>
      tpu.vector_store %arg6[%parallel_loop3A_1311, %parallel_loop3A_1312], %parallel_loop3A_1315 {add = true, strides = array<i32>} : memref<520x128xf32, #tpu.memory_space<vmem>>, vector<1x16xf32>,
      %parallel_loop3A_1316 = arith.constant 14 : i32
      %parallel_loop3A_1317 = arith.addi %parallel_loop3A_25, %parallel_loop3A_1316 : i32
      %parallel_loop3A_1318 = arith.index_cast %parallel_loop3A_1317 : i32 to index
      %parallel_loop3A_1319 = arith.constant 16 : index
      %parallel_loop3A_1320 = tpu.vector_load %arg5[%parallel_loop3A_1318, %parallel_loop3A_1319] {strides = array<i32>} : memref<256x128xf32, #tpu.memory_space<vmem>>, vector<1x16xf32>,
      %parallel_loop3A_1321 = vector.shape_cast %parallel_loop3A_1320 : vector<1x16xf32> to vector<16xf32>
      %parallel_loop3A_1322 = arith.index_cast %parallel_loop3A_70 : i32 to index
      %parallel_loop3A_1323 = arith.constant 16 : index
      %parallel_loop3A_1324 = tpu.vector_load %arg6[%parallel_loop3A_1322, %parallel_loop3A_1323] {strides = array<i32>} : memref<520x128xf32, #tpu.memory_space<vmem>>, vector<1x16xf32>,
      %parallel_loop3A_1325 = vector.shape_cast %parallel_loop3A_1324 : vector<1x16xf32> to vector<16xf32>
      %parallel_loop3A_1326 = vector.shape_cast %parallel_loop3A_1321 : vector<16xf32> to vector<1x16xf32>
      tpu.vector_store %arg6[%parallel_loop3A_1322, %parallel_loop3A_1323], %parallel_loop3A_1326 {add = true, strides = array<i32>} : memref<520x128xf32, #tpu.memory_space<vmem>>, vector<1x16xf32>,
      %parallel_loop3A_1327 = arith.constant 14 : i32
      %parallel_loop3A_1328 = arith.addi %parallel_loop3A_25, %parallel_loop3A_1327 : i32
      %parallel_loop3A_1329 = arith.index_cast %parallel_loop3A_1328 : i32 to index
      %parallel_loop3A_1330 = arith.constant 32 : index
      %parallel_loop3A_1331 = tpu.vector_load %arg5[%parallel_loop3A_1329, %parallel_loop3A_1330] {strides = array<i32>} : memref<256x128xf32, #tpu.memory_space<vmem>>, vector<1x16xf32>,
      %parallel_loop3A_1332 = vector.shape_cast %parallel_loop3A_1331 : vector<1x16xf32> to vector<16xf32>
      %parallel_loop3A_1333 = arith.index_cast %parallel_loop3A_70 : i32 to index
      %parallel_loop3A_1334 = arith.constant 32 : index
      %parallel_loop3A_1335 = tpu.vector_load %arg6[%parallel_loop3A_1333, %parallel_loop3A_1334] {strides = array<i32>} : memref<520x128xf32, #tpu.memory_space<vmem>>, vector<1x16xf32>,
      %parallel_loop3A_1336 = vector.shape_cast %parallel_loop3A_1335 : vector<1x16xf32> to vector<16xf32>
      %parallel_loop3A_1337 = vector.shape_cast %parallel_loop3A_1332 : vector<16xf32> to vector<1x16xf32>
      tpu.vector_store %arg6[%parallel_loop3A_1333, %parallel_loop3A_1334], %parallel_loop3A_1337 {add = true, strides = array<i32>} : memref<520x128xf32, #tpu.memory_space<vmem>>, vector<1x16xf32>,
      %parallel_loop3A_1338 = arith.constant 14 : i32
      %parallel_loop3A_1339 = arith.addi %parallel_loop3A_25, %parallel_loop3A_1338 : i32
      %parallel_loop3A_1340 = arith.index_cast %parallel_loop3A_1339 : i32 to index
      %parallel_loop3A_1341 = arith.constant 48 : index
      %parallel_loop3A_1342 = tpu.vector_load %arg5[%parallel_loop3A_1340, %parallel_loop3A_1341] {strides = array<i32>} : memref<256x128xf32, #tpu.memory_space<vmem>>, vector<1x16xf32>,
      %parallel_loop3A_1343 = vector.shape_cast %parallel_loop3A_1342 : vector<1x16xf32> to vector<16xf32>
      %parallel_loop3A_1344 = arith.index_cast %parallel_loop3A_70 : i32 to index
      %parallel_loop3A_1345 = arith.constant 48 : index
      %parallel_loop3A_1346 = tpu.vector_load %arg6[%parallel_loop3A_1344, %parallel_loop3A_1345] {strides = array<i32>} : memref<520x128xf32, #tpu.memory_space<vmem>>, vector<1x16xf32>,
      %parallel_loop3A_1347 = vector.shape_cast %parallel_loop3A_1346 : vector<1x16xf32> to vector<16xf32>
      %parallel_loop3A_1348 = vector.shape_cast %parallel_loop3A_1343 : vector<16xf32> to vector<1x16xf32>
      tpu.vector_store %arg6[%parallel_loop3A_1344, %parallel_loop3A_1345], %parallel_loop3A_1348 {add = true, strides = array<i32>} : memref<520x128xf32, #tpu.memory_space<vmem>>, vector<1x16xf32>,
      %parallel_loop3A_1349 = arith.constant 14 : i32
      %parallel_loop3A_1350 = arith.addi %parallel_loop3A_25, %parallel_loop3A_1349 : i32
      %parallel_loop3A_1351 = arith.index_cast %parallel_loop3A_1350 : i32 to index
      %parallel_loop3A_1352 = arith.constant 64 : index
      %parallel_loop3A_1353 = tpu.vector_load %arg5[%parallel_loop3A_1351, %parallel_loop3A_1352] {strides = array<i32>} : memref<256x128xf32, #tpu.memory_space<vmem>>, vector<1x16xf32>,
      %parallel_loop3A_1354 = vector.shape_cast %parallel_loop3A_1353 : vector<1x16xf32> to vector<16xf32>
      %parallel_loop3A_1355 = arith.index_cast %parallel_loop3A_70 : i32 to index
      %parallel_loop3A_1356 = arith.constant 64 : index
      %parallel_loop3A_1357 = tpu.vector_load %arg6[%parallel_loop3A_1355, %parallel_loop3A_1356] {strides = array<i32>} : memref<520x128xf32, #tpu.memory_space<vmem>>, vector<1x16xf32>,
      %parallel_loop3A_1358 = vector.shape_cast %parallel_loop3A_1357 : vector<1x16xf32> to vector<16xf32>
      %parallel_loop3A_1359 = vector.shape_cast %parallel_loop3A_1354 : vector<16xf32> to vector<1x16xf32>
      tpu.vector_store %arg6[%parallel_loop3A_1355, %parallel_loop3A_1356], %parallel_loop3A_1359 {add = true, strides = array<i32>} : memref<520x128xf32, #tpu.memory_space<vmem>>, vector<1x16xf32>,
      %parallel_loop3A_1360 = arith.constant 14 : i32
      %parallel_loop3A_1361 = arith.addi %parallel_loop3A_25, %parallel_loop3A_1360 : i32
      %parallel_loop3A_1362 = arith.index_cast %parallel_loop3A_1361 : i32 to index
      %parallel_loop3A_1363 = arith.constant 80 : index
      %parallel_loop3A_1364 = tpu.vector_load %arg5[%parallel_loop3A_1362, %parallel_loop3A_1363] {strides = array<i32>} : memref<256x128xf32, #tpu.memory_space<vmem>>, vector<1x16xf32>,
      %parallel_loop3A_1365 = vector.shape_cast %parallel_loop3A_1364 : vector<1x16xf32> to vector<16xf32>
      %parallel_loop3A_1366 = arith.index_cast %parallel_loop3A_70 : i32 to index
      %parallel_loop3A_1367 = arith.constant 80 : index
      %parallel_loop3A_1368 = tpu.vector_load %arg6[%parallel_loop3A_1366, %parallel_loop3A_1367] {strides = array<i32>} : memref<520x128xf32, #tpu.memory_space<vmem>>, vector<1x16xf32>,
      %parallel_loop3A_1369 = vector.shape_cast %parallel_loop3A_1368 : vector<1x16xf32> to vector<16xf32>
      %parallel_loop3A_1370 = vector.shape_cast %parallel_loop3A_1365 : vector<16xf32> to vector<1x16xf32>
      tpu.vector_store %arg6[%parallel_loop3A_1366, %parallel_loop3A_1367], %parallel_loop3A_1370 {add = true, strides = array<i32>} : memref<520x128xf32, #tpu.memory_space<vmem>>, vector<1x16xf32>,
      %parallel_loop3A_1371 = arith.constant 14 : i32
      %parallel_loop3A_1372 = arith.addi %parallel_loop3A_25, %parallel_loop3A_1371 : i32
      %parallel_loop3A_1373 = arith.index_cast %parallel_loop3A_1372 : i32 to index
      %parallel_loop3A_1374 = arith.constant 96 : index
      %parallel_loop3A_1375 = tpu.vector_load %arg5[%parallel_loop3A_1373, %parallel_loop3A_1374] {strides = array<i32>} : memref<256x128xf32, #tpu.memory_space<vmem>>, vector<1x16xf32>,
      %parallel_loop3A_1376 = vector.shape_cast %parallel_loop3A_1375 : vector<1x16xf32> to vector<16xf32>
      %parallel_loop3A_1377 = arith.index_cast %parallel_loop3A_70 : i32 to index
      %parallel_loop3A_1378 = arith.constant 96 : index
      %parallel_loop3A_1379 = tpu.vector_load %arg6[%parallel_loop3A_1377, %parallel_loop3A_1378] {strides = array<i32>} : memref<520x128xf32, #tpu.memory_space<vmem>>, vector<1x16xf32>,
      %parallel_loop3A_1380 = vector.shape_cast %parallel_loop3A_1379 : vector<1x16xf32> to vector<16xf32>
      %parallel_loop3A_1381 = vector.shape_cast %parallel_loop3A_1376 : vector<16xf32> to vector<1x16xf32>
      tpu.vector_store %arg6[%parallel_loop3A_1377, %parallel_loop3A_1378], %parallel_loop3A_1381 {add = true, strides = array<i32>} : memref<520x128xf32, #tpu.memory_space<vmem>>, vector<1x16xf32>,
      %parallel_loop3A_1382 = arith.constant 14 : i32
      %parallel_loop3A_1383 = arith.addi %parallel_loop3A_25, %parallel_loop3A_1382 : i32
      %parallel_loop3A_1384 = arith.index_cast %parallel_loop3A_1383 : i32 to index
      %parallel_loop3A_1385 = arith.constant 112 : index
      %parallel_loop3A_1386 = tpu.vector_load %arg5[%parallel_loop3A_1384, %parallel_loop3A_1385] {strides = array<i32>} : memref<256x128xf32, #tpu.memory_space<vmem>>, vector<1x16xf32>,
      %parallel_loop3A_1387 = vector.shape_cast %parallel_loop3A_1386 : vector<1x16xf32> to vector<16xf32>
      %parallel_loop3A_1388 = arith.index_cast %parallel_loop3A_70 : i32 to index
      %parallel_loop3A_1389 = arith.constant 112 : index
      %parallel_loop3A_1390 = tpu.vector_load %arg6[%parallel_loop3A_1388, %parallel_loop3A_1389] {strides = array<i32>} : memref<520x128xf32, #tpu.memory_space<vmem>>, vector<1x16xf32>,
      %parallel_loop3A_1391 = vector.shape_cast %parallel_loop3A_1390 : vector<1x16xf32> to vector<16xf32>
      %parallel_loop3A_1392 = vector.shape_cast %parallel_loop3A_1387 : vector<16xf32> to vector<1x16xf32>
      tpu.vector_store %arg6[%parallel_loop3A_1388, %parallel_loop3A_1389], %parallel_loop3A_1392 {add = true, strides = array<i32>} : memref<520x128xf32, #tpu.memory_space<vmem>>, vector<1x16xf32>,
      %parallel_loop3A_1393 = arith.constant 15 : i32
      %parallel_loop3A_1394 = arith.addi %parallel_loop3A_25, %parallel_loop3A_1393 : i32
      %parallel_loop3A_1395 = arith.index_cast %parallel_loop3A_1394 : i32 to index
      %parallel_loop3A_1396 = arith.constant 0 : index
      %parallel_loop3A_1397 = tpu.vector_load %arg5[%parallel_loop3A_1395, %parallel_loop3A_1396] {strides = array<i32>} : memref<256x128xf32, #tpu.memory_space<vmem>>, vector<1x16xf32>,
      %parallel_loop3A_1398 = vector.shape_cast %parallel_loop3A_1397 : vector<1x16xf32> to vector<16xf32>
      %parallel_loop3A_1399 = arith.index_cast %parallel_loop3A_72 : i32 to index
      %parallel_loop3A_1400 = arith.constant 0 : index
      %parallel_loop3A_1401 = tpu.vector_load %arg6[%parallel_loop3A_1399, %parallel_loop3A_1400] {strides = array<i32>} : memref<520x128xf32, #tpu.memory_space<vmem>>, vector<1x16xf32>,
      %parallel_loop3A_1402 = vector.shape_cast %parallel_loop3A_1401 : vector<1x16xf32> to vector<16xf32>
      %parallel_loop3A_1403 = vector.shape_cast %parallel_loop3A_1398 : vector<16xf32> to vector<1x16xf32>
      tpu.vector_store %arg6[%parallel_loop3A_1399, %parallel_loop3A_1400], %parallel_loop3A_1403 {add = true, strides = array<i32>} : memref<520x128xf32, #tpu.memory_space<vmem>>, vector<1x16xf32>,
      %parallel_loop3A_1404 = arith.constant 15 : i32
      %parallel_loop3A_1405 = arith.addi %parallel_loop3A_25, %parallel_loop3A_1404 : i32
      %parallel_loop3A_1406 = arith.index_cast %parallel_loop3A_1405 : i32 to index
      %parallel_loop3A_1407 = arith.constant 16 : index
      %parallel_loop3A_1408 = tpu.vector_load %arg5[%parallel_loop3A_1406, %parallel_loop3A_1407] {strides = array<i32>} : memref<256x128xf32, #tpu.memory_space<vmem>>, vector<1x16xf32>,
      %parallel_loop3A_1409 = vector.shape_cast %parallel_loop3A_1408 : vector<1x16xf32> to vector<16xf32>
      %parallel_loop3A_1410 = arith.index_cast %parallel_loop3A_72 : i32 to index
      %parallel_loop3A_1411 = arith.constant 16 : index
      %parallel_loop3A_1412 = tpu.vector_load %arg6[%parallel_loop3A_1410, %parallel_loop3A_1411] {strides = array<i32>} : memref<520x128xf32, #tpu.memory_space<vmem>>, vector<1x16xf32>,
      %parallel_loop3A_1413 = vector.shape_cast %parallel_loop3A_1412 : vector<1x16xf32> to vector<16xf32>
      %parallel_loop3A_1414 = vector.shape_cast %parallel_loop3A_1409 : vector<16xf32> to vector<1x16xf32>
      tpu.vector_store %arg6[%parallel_loop3A_1410, %parallel_loop3A_1411], %parallel_loop3A_1414 {add = true, strides = array<i32>} : memref<520x128xf32, #tpu.memory_space<vmem>>, vector<1x16xf32>,
      %parallel_loop3A_1415 = arith.constant 15 : i32
      %parallel_loop3A_1416 = arith.addi %parallel_loop3A_25, %parallel_loop3A_1415 : i32
      %parallel_loop3A_1417 = arith.index_cast %parallel_loop3A_1416 : i32 to index
      %parallel_loop3A_1418 = arith.constant 32 : index
      %parallel_loop3A_1419 = tpu.vector_load %arg5[%parallel_loop3A_1417, %parallel_loop3A_1418] {strides = array<i32>} : memref<256x128xf32, #tpu.memory_space<vmem>>, vector<1x16xf32>,
      %parallel_loop3A_1420 = vector.shape_cast %parallel_loop3A_1419 : vector<1x16xf32> to vector<16xf32>
      %parallel_loop3A_1421 = arith.index_cast %parallel_loop3A_72 : i32 to index
      %parallel_loop3A_1422 = arith.constant 32 : index
      %parallel_loop3A_1423 = tpu.vector_load %arg6[%parallel_loop3A_1421, %parallel_loop3A_1422] {strides = array<i32>} : memref<520x128xf32, #tpu.memory_space<vmem>>, vector<1x16xf32>,
      %parallel_loop3A_1424 = vector.shape_cast %parallel_loop3A_1423 : vector<1x16xf32> to vector<16xf32>
      %parallel_loop3A_1425 = vector.shape_cast %parallel_loop3A_1420 : vector<16xf32> to vector<1x16xf32>
      tpu.vector_store %arg6[%parallel_loop3A_1421, %parallel_loop3A_1422], %parallel_loop3A_1425 {add = true, strides = array<i32>} : memref<520x128xf32, #tpu.memory_space<vmem>>, vector<1x16xf32>,
      %parallel_loop3A_1426 = arith.constant 15 : i32
      %parallel_loop3A_1427 = arith.addi %parallel_loop3A_25, %parallel_loop3A_1426 : i32
      %parallel_loop3A_1428 = arith.index_cast %parallel_loop3A_1427 : i32 to index
      %parallel_loop3A_1429 = arith.constant 48 : index
      %parallel_loop3A_1430 = tpu.vector_load %arg5[%parallel_loop3A_1428, %parallel_loop3A_1429] {strides = array<i32>} : memref<256x128xf32, #tpu.memory_space<vmem>>, vector<1x16xf32>,
      %parallel_loop3A_1431 = vector.shape_cast %parallel_loop3A_1430 : vector<1x16xf32> to vector<16xf32>
      %parallel_loop3A_1432 = arith.index_cast %parallel_loop3A_72 : i32 to index
      %parallel_loop3A_1433 = arith.constant 48 : index
      %parallel_loop3A_1434 = tpu.vector_load %arg6[%parallel_loop3A_1432, %parallel_loop3A_1433] {strides = array<i32>} : memref<520x128xf32, #tpu.memory_space<vmem>>, vector<1x16xf32>,
      %parallel_loop3A_1435 = vector.shape_cast %parallel_loop3A_1434 : vector<1x16xf32> to vector<16xf32>
      %parallel_loop3A_1436 = vector.shape_cast %parallel_loop3A_1431 : vector<16xf32> to vector<1x16xf32>
      tpu.vector_store %arg6[%parallel_loop3A_1432, %parallel_loop3A_1433], %parallel_loop3A_1436 {add = true, strides = array<i32>} : memref<520x128xf32, #tpu.memory_space<vmem>>, vector<1x16xf32>,
      %parallel_loop3A_1437 = arith.constant 15 : i32
      %parallel_loop3A_1438 = arith.addi %parallel_loop3A_25, %parallel_loop3A_1437 : i32
      %parallel_loop3A_1439 = arith.index_cast %parallel_loop3A_1438 : i32 to index
      %parallel_loop3A_1440 = arith.constant 64 : index
      %parallel_loop3A_1441 = tpu.vector_load %arg5[%parallel_loop3A_1439, %parallel_loop3A_1440] {strides = array<i32>} : memref<256x128xf32, #tpu.memory_space<vmem>>, vector<1x16xf32>,
      %parallel_loop3A_1442 = vector.shape_cast %parallel_loop3A_1441 : vector<1x16xf32> to vector<16xf32>
      %parallel_loop3A_1443 = arith.index_cast %parallel_loop3A_72 : i32 to index
      %parallel_loop3A_1444 = arith.constant 64 : index
      %parallel_loop3A_1445 = tpu.vector_load %arg6[%parallel_loop3A_1443, %parallel_loop3A_1444] {strides = array<i32>} : memref<520x128xf32, #tpu.memory_space<vmem>>, vector<1x16xf32>,
      %parallel_loop3A_1446 = vector.shape_cast %parallel_loop3A_1445 : vector<1x16xf32> to vector<16xf32>
      %parallel_loop3A_1447 = vector.shape_cast %parallel_loop3A_1442 : vector<16xf32> to vector<1x16xf32>
      tpu.vector_store %arg6[%parallel_loop3A_1443, %parallel_loop3A_1444], %parallel_loop3A_1447 {add = true, strides = array<i32>} : memref<520x128xf32, #tpu.memory_space<vmem>>, vector<1x16xf32>,
      %parallel_loop3A_1448 = arith.constant 15 : i32
      %parallel_loop3A_1449 = arith.addi %parallel_loop3A_25, %parallel_loop3A_1448 : i32
      %parallel_loop3A_1450 = arith.index_cast %parallel_loop3A_1449 : i32 to index
      %parallel_loop3A_1451 = arith.constant 80 : index
      %parallel_loop3A_1452 = tpu.vector_load %arg5[%parallel_loop3A_1450, %parallel_loop3A_1451] {strides = array<i32>} : memref<256x128xf32, #tpu.memory_space<vmem>>, vector<1x16xf32>,
      %parallel_loop3A_1453 = vector.shape_cast %parallel_loop3A_1452 : vector<1x16xf32> to vector<16xf32>
      %parallel_loop3A_1454 = arith.index_cast %parallel_loop3A_72 : i32 to index
      %parallel_loop3A_1455 = arith.constant 80 : index
      %parallel_loop3A_1456 = tpu.vector_load %arg6[%parallel_loop3A_1454, %parallel_loop3A_1455] {strides = array<i32>} : memref<520x128xf32, #tpu.memory_space<vmem>>, vector<1x16xf32>,
      %parallel_loop3A_1457 = vector.shape_cast %parallel_loop3A_1456 : vector<1x16xf32> to vector<16xf32>
      %parallel_loop3A_1458 = vector.shape_cast %parallel_loop3A_1453 : vector<16xf32> to vector<1x16xf32>
      tpu.vector_store %arg6[%parallel_loop3A_1454, %parallel_loop3A_1455], %parallel_loop3A_1458 {add = true, strides = array<i32>} : memref<520x128xf32, #tpu.memory_space<vmem>>, vector<1x16xf32>,
      %parallel_loop3A_1459 = arith.constant 15 : i32
      %parallel_loop3A_1460 = arith.addi %parallel_loop3A_25, %parallel_loop3A_1459 : i32
      %parallel_loop3A_1461 = arith.index_cast %parallel_loop3A_1460 : i32 to index
      %parallel_loop3A_1462 = arith.constant 96 : index
      %parallel_loop3A_1463 = tpu.vector_load %arg5[%parallel_loop3A_1461, %parallel_loop3A_1462] {strides = array<i32>} : memref<256x128xf32, #tpu.memory_space<vmem>>, vector<1x16xf32>,
      %parallel_loop3A_1464 = vector.shape_cast %parallel_loop3A_1463 : vector<1x16xf32> to vector<16xf32>
      %parallel_loop3A_1465 = arith.index_cast %parallel_loop3A_72 : i32 to index
      %parallel_loop3A_1466 = arith.constant 96 : index
      %parallel_loop3A_1467 = tpu.vector_load %arg6[%parallel_loop3A_1465, %parallel_loop3A_1466] {strides = array<i32>} : memref<520x128xf32, #tpu.memory_space<vmem>>, vector<1x16xf32>,
      %parallel_loop3A_1468 = vector.shape_cast %parallel_loop3A_1467 : vector<1x16xf32> to vector<16xf32>
      %parallel_loop3A_1469 = vector.shape_cast %parallel_loop3A_1464 : vector<16xf32> to vector<1x16xf32>
      tpu.vector_store %arg6[%parallel_loop3A_1465, %parallel_loop3A_1466], %parallel_loop3A_1469 {add = true, strides = array<i32>} : memref<520x128xf32, #tpu.memory_space<vmem>>, vector<1x16xf32>,
      %parallel_loop3A_1470 = arith.constant 15 : i32
      %parallel_loop3A_1471 = arith.addi %parallel_loop3A_25, %parallel_loop3A_1470 : i32
      %parallel_loop3A_1472 = arith.index_cast %parallel_loop3A_1471 : i32 to index
      %parallel_loop3A_1473 = arith.constant 112 : index
      %parallel_loop3A_1474 = tpu.vector_load %arg5[%parallel_loop3A_1472, %parallel_loop3A_1473] {strides = array<i32>} : memref<256x128xf32, #tpu.memory_space<vmem>>, vector<1x16xf32>,
      %parallel_loop3A_1475 = vector.shape_cast %parallel_loop3A_1474 : vector<1x16xf32> to vector<16xf32>
      %parallel_loop3A_1476 = arith.index_cast %parallel_loop3A_72 : i32 to index
      %parallel_loop3A_1477 = arith.constant 112 : index
      %parallel_loop3A_1478 = tpu.vector_load %arg6[%parallel_loop3A_1476, %parallel_loop3A_1477] {strides = array<i32>} : memref<520x128xf32, #tpu.memory_space<vmem>>, vector<1x16xf32>,
      %parallel_loop3A_1479 = vector.shape_cast %parallel_loop3A_1478 : vector<1x16xf32> to vector<16xf32>
      %parallel_loop3A_1480 = vector.shape_cast %parallel_loop3A_1475 : vector<16xf32> to vector<1x16xf32>
      tpu.vector_store %arg6[%parallel_loop3A_1476, %parallel_loop3A_1477], %parallel_loop3A_1480 {add = true, strides = array<i32>} : memref<520x128xf32, #tpu.memory_space<vmem>>, vector<1x16xf32>,
    } {sc.loop_unroll_factor = 1 : i64, sc.parallel_access}
    %mul3A_19 = arith.constant 512 : i32
    %mul3A_20 = arith.muli %and3A_0, %mul3A_19 : i32
    %mul3A_21 = arith.constant 128 : i32
    %mul3A_22 = arith.muli %arg0, %mul3A_21 : i32
    "tpu.region"() ({
      %run_scoped3A = tpu.sem_alloc : memref<!tpu.dma_semaphore, #tpu.memory_space<semaphore_mem>>
      %dma_start3A_23 = arith.constant 0 : i32
      %dma_start3A_24 = arith.constant 0 : i32
      %dma_start3A_25 = tpu.memref_slice %arg6[%dma_start3A_23, %dma_start3A_24] : memref<520x128xf32, #tpu.memory_space<vmem>> -> memref<512x128xf32, #tpu.memory_space<vmem>>
      %dma_start3A_26 = tpu.memref_slice %arg4[%shift_right_arithmetic3A_1, %mul3A_20, %mul3A_22] : memref<8x1024x256xf32, #tpu.memory_space<hbm>> -> memref<1x512x128xf32, #tpu.memory_space<hbm>>
      %dma_start3A_27 = tpu.memref_squeeze %dma_start3A_26 : memref<1x512x128xf32, #tpu.memory_space<hbm>> -> memref<512x128xf32, #tpu.memory_space<hbm>>
      %dma_start3A_28 = tpu.memref_slice %arg4[%shift_right_arithmetic3A_1, %mul3A_20, %mul3A_22] : memref<8x1024x256xf32, #tpu.memory_space<hbm>> -> memref<1x512x128xf32, #tpu.memory_space<hbm>>
      %dma_start3A_29 = tpu.memref_squeeze %dma_start3A_28 : memref<1x512x128xf32, #tpu.memory_space<hbm>> -> memref<512x128xf32, #tpu.memory_space<hbm>>
      %dma_start3A_30 = arith.constant 0 : i32
      %dma_start3A_31 = arith.constant 0 : i32
      %dma_start3A_32 = tpu.memref_slice %arg6[%dma_start3A_30, %dma_start3A_31] : memref<520x128xf32, #tpu.memory_space<vmem>> -> memref<512x128xf32, #tpu.memory_space<vmem>>
      tpu.enqueue_dma source(%dma_start3A_32 : memref<512x128xf32, #tpu.memory_space<vmem>>) target(%dma_start3A_29 : memref<512x128xf32, #tpu.memory_space<hbm>>) target_semaphore(%run_scoped3A : memref<!tpu.dma_semaphore, #tpu.memory_space<semaphore_mem>>)
      %dma_wait3A_33 = arith.constant 0 : i32
      %dma_wait3A_34 = arith.constant 0 : i32
      %dma_wait3A_35 = tpu.memref_slice %arg6[%dma_wait3A_33, %dma_wait3A_34] : memref<520x128xf32, #tpu.memory_space<vmem>> -> memref<512x128xf32, #tpu.memory_space<vmem>>
      %dma_wait3A_36 = tpu.memref_slice %arg4[%shift_right_arithmetic3A_1, %mul3A_20, %mul3A_22] : memref<8x1024x256xf32, #tpu.memory_space<hbm>> -> memref<1x512x128xf32, #tpu.memory_space<hbm>>
      %dma_wait3A_37 = tpu.memref_squeeze %dma_wait3A_36 : memref<1x512x128xf32, #tpu.memory_space<hbm>> -> memref<512x128xf32, #tpu.memory_space<hbm>>
      %dma_wait3A_38 = tpu.memref_slice %arg4[%shift_right_arithmetic3A_1, %mul3A_20, %mul3A_22] : memref<8x1024x256xf32, #tpu.memory_space<hbm>> -> memref<1x512x128xf32, #tpu.memory_space<hbm>>
      %dma_wait3A_39 = tpu.memref_squeeze %dma_wait3A_38 : memref<1x512x128xf32, #tpu.memory_space<hbm>> -> memref<512x128xf32, #tpu.memory_space<hbm>>
      %dma_wait3A_40 = arith.constant 0 : i32
      %dma_wait3A_41 = arith.constant 0 : i32
      %dma_wait3A_42 = tpu.memref_slice %arg6[%dma_wait3A_40, %dma_wait3A_41] : memref<520x128xf32, #tpu.memory_space<vmem>> -> memref<512x128xf32, #tpu.memory_space<vmem>>
      tpu.wait_dma2 semaphore(%run_scoped3A : memref<!tpu.dma_semaphore, #tpu.memory_space<semaphore_mem>>) src(%dma_wait3A_42 : memref<512x128xf32, #tpu.memory_space<vmem>>) dst(%dma_wait3A_39 : memref<512x128xf32, #tpu.memory_space<hbm>>)
      tpu.yield
    }) : () -> ()
    return
  }
}

module attributes {stable_mosaic.version = 14 : i64} {
  func.func @_assign_body(%arg0: i32, %arg1: memref<512x256xf32, #tpu.memory_space<vmem>>, %arg2: memref<1024x256xf32, #tpu.memory_space<vmem>>, %arg3: memref<1024x1xf32, #tpu.memory_space<vmem>>, %arg4: memref<512x1xi32, #tpu.memory_space<vmem>>, %arg5: memref<1024x1xf32, #tpu.memory_space<vmem>>, %arg6: memref<1x1024xf32, #tpu.memory_space<vmem>>, %arg7: memref<1x1024xf32, #tpu.memory_space<vmem>>) attributes {dimension_semantics = [#tpu.dimension_semantics<arbitrary>], iteration_bounds = array<i64: 4>, scalar_prefetch = 0 : i64, scratch_operands = 2 : i64, tpu.core_type = #tpu.core_type<tc>, window_params = [{transform_indices = @transform_0, window_bounds = array<i64: 512, 256>}, {pipeline_mode = #tpu.pipeline_mode<synchronous>, transform_indices = @transform_1, window_bounds = array<i64: 1024, 256>}, {pipeline_mode = #tpu.pipeline_mode<synchronous>, transform_indices = @transform_2, window_bounds = array<i64: 1024, 1>}, {transform_indices = @transform_3, window_bounds = array<i64: 512, 1>}, {pipeline_mode = #tpu.pipeline_mode<synchronous>, transform_indices = @transform_4, window_bounds = array<i64: 1024, 1>}]} {
    %get3A = arith.constant 0 : index
    %get3A_0 = arith.constant 0 : index
    %get3A_1 = vector.load %arg1[%get3A, %get3A_0] : memref<512x256xf32, #tpu.memory_space<vmem>>, vector<512x256xf32>
    %get3A_2 = arith.constant 0 : index
    %get3A_3 = arith.constant 0 : index
    %get3A_4 = vector.load %arg2[%get3A_2, %get3A_3] : memref<1024x256xf32, #tpu.memory_space<vmem>>, vector<1024x256xf32>
    %eq3A = arith.constant 0 : i32
    %eq3A_5 = arith.cmpi eq, %arg0, %eq3A : i32
    %convert_element_type3A = arith.extui %eq3A_5 : i1 to i32
    %cond3A = arith.constant 0 : i32
    %cond3A_6 = arith.cmpi ne, %convert_element_type3A, %cond3A : i32
    scf.if %cond3A_6 {
      %broadcast_in_dim3A_52 = arith.constant 1.000000e+00 : f32
      %broadcast_in_dim3A_53 = vector.broadcast %broadcast_in_dim3A_52 : f32 to vector<1x256xf32>
      %mul3A_54 = arith.mulf %get3A_4, %get3A_4 : vector<1024x256xf32>
      %dot_general3A_55 = arith.constant dense<0.000000e+00> : vector<1x1024xf32>
      %dot_general3A_56 = tpu.matmul %broadcast_in_dim3A_53, %mul3A_54, %dot_general3A_55 {dimension_numbers = #tpu.dot_dimension_numbers<[1], [1], [0], [0], [0, 0, 1, 0], [], []>, transpose_lhs_hint = false} : vector<1x256xf32>, vector<1024x256xf32>, vector<1x1024xf32> -> vector<1x1024xf32>
      %swap3A_57 = arith.constant 0 : index
      %swap3A_58 = arith.constant 0 : index
      %swap3A_59 = vector.load %arg6[%swap3A_57, %swap3A_58] : memref<1x1024xf32, #tpu.memory_space<vmem>>, vector<1x1024xf32>
      tpu.vector_store %arg6[%swap3A_57, %swap3A_58], %dot_general3A_56 {strides = array<i32>} : memref<1x1024xf32, #tpu.memory_space<vmem>>, vector<1x1024xf32>,
      %broadcast_in_dim3A_60 = arith.constant 0.000000e+00 : f32
      %broadcast_in_dim3A_61 = vector.broadcast %broadcast_in_dim3A_60 : f32 to vector<1x1024xf32>
      %swap3A_62 = arith.constant 0 : index
      %swap3A_63 = arith.constant 0 : index
      %swap3A_64 = vector.load %arg7[%swap3A_62, %swap3A_63] : memref<1x1024xf32, #tpu.memory_space<vmem>>, vector<1x1024xf32>
      tpu.vector_store %arg7[%swap3A_62, %swap3A_63], %broadcast_in_dim3A_61 {strides = array<i32>} : memref<1x1024xf32, #tpu.memory_space<vmem>>, vector<1x1024xf32>,
    } else {
    }
    %dot_general3A = arith.constant dense<0.000000e+00> : vector<512x1024xf32>
    %dot_general3A_7 = tpu.matmul %get3A_1, %get3A_4, %dot_general3A {dimension_numbers = #tpu.dot_dimension_numbers<[1], [1], [0], [0], [0, 0, 1, 0], [], []>, transpose_lhs_hint = false} : vector<512x256xf32>, vector<1024x256xf32>, vector<512x1024xf32> -> vector<512x1024xf32>
    %mul3A = arith.mulf %get3A_1, %get3A_1 : vector<512x256xf32>
    %reduce_sum3A = arith.constant dense<0.000000e+00> : vector<512xf32>
    %reduce_sum3A_8 = vector.multi_reduction <add>, %mul3A, %reduce_sum3A [1] : vector<512x256xf32> to vector<512xf32>
    %broadcast_in_dim3A = vector.shape_cast %reduce_sum3A_8 : vector<512xf32> to vector<512x1xf32>
    %get3A_9 = arith.constant 0 : index
    %get3A_10 = arith.constant 0 : index
    %get3A_11 = vector.load %arg6[%get3A_9, %get3A_10] : memref<1x1024xf32, #tpu.memory_space<vmem>>, vector<1x1024xf32>
    %add3A = vector.broadcast %broadcast_in_dim3A : vector<512x1xf32> to vector<512x1024xf32>
    %add3A_12 = vector.broadcast %get3A_11 : vector<1x1024xf32> to vector<512x1024xf32>
    %add3A_13 = arith.addf %add3A, %add3A_12 : vector<512x1024xf32>
    %mul3A_14 = arith.constant 2.000000e+00 : f32
    %mul3A_15 = vector.broadcast %mul3A_14 : f32 to vector<512x1024xf32>
    %mul3A_16 = arith.mulf %mul3A_15, %dot_general3A_7 : vector<512x1024xf32>
    %sub3A = arith.subf %add3A_13, %mul3A_16 : vector<512x1024xf32>
    %max3A = arith.constant 0.000000e+00 : f32
    %max3A_17 = vector.broadcast %max3A : f32 to vector<512x1024xf32>
    %max3A_18 = arith.maximumf %sub3A, %max3A_17 : vector<512x1024xf32>
    %reduce_min3A = arith.constant dense<0x7F800000> : vector<512xf32>
    %reduce_min3A_19 = vector.multi_reduction <minimumf>, %max3A_18, %reduce_min3A [1] : vector<512x1024xf32> to vector<512xf32>
    %broadcast_in_dim3A_20 = vector.shape_cast %reduce_min3A_19 : vector<512xf32> to vector<512x1xf32>
    %iota3A = tpu.iota {dimensions = array<i32: 1>} : vector<512x1024xi32>
    %eq3A_21 = vector.broadcast %broadcast_in_dim3A_20 : vector<512x1xf32> to vector<512x1024xf32>
    %eq3A_22 = arith.cmpf oeq, %max3A_18, %eq3A_21 : vector<512x1024xf32>
    %jit3A = arith.constant 1024 : i32
    %broadcast_in_dim3A_23 = vector.broadcast %jit3A : i32 to vector<512x1024xi32>
    %select_n3A = arith.select %eq3A_22, %iota3A, %broadcast_in_dim3A_23 : vector<512x1024xi1>, vector<512x1024xi32>
    %reduce_min3A_24 = arith.constant dense<2147483647> : vector<512xi32>
    %reduce_min3A_25 = vector.multi_reduction <minsi>, %select_n3A, %reduce_min3A_24 [1] : vector<512x1024xi32> to vector<512xi32>
    %broadcast_in_dim3A_26 = vector.shape_cast %reduce_min3A_25 : vector<512xi32> to vector<512x1xi32>
    %swap3A = arith.constant 0 : index
    %swap3A_27 = arith.constant 0 : index
    %swap3A_28 = vector.load %arg4[%swap3A, %swap3A_27] : memref<512x1xi32, #tpu.memory_space<vmem>>, vector<512x1xi32>
    tpu.vector_store %arg4[%swap3A, %swap3A_27], %broadcast_in_dim3A_26 {strides = array<i32>} : memref<512x1xi32, #tpu.memory_space<vmem>>, vector<512x1xi32>,
    %eq3A_29 = vector.broadcast %broadcast_in_dim3A_26 : vector<512x1xi32> to vector<512x1024xi32>
    %eq3A_30 = arith.cmpi eq, %iota3A, %eq3A_29 : vector<512x1024xi32>
    %jit3A_31 = arith.constant 1.000000e+00 : f32
    %jit3A_32 = arith.constant 0.000000e+00 : f32
    %broadcast_in_dim3A_33 = vector.broadcast %jit3A_31 : f32 to vector<512x1024xf32>
    %broadcast_in_dim3A_34 = vector.broadcast %jit3A_32 : f32 to vector<512x1024xf32>
    %select_n3A_35 = arith.select %eq3A_30, %broadcast_in_dim3A_33, %broadcast_in_dim3A_34 : vector<512x1024xi1>, vector<512x1024xf32>
    %broadcast_in_dim3A_36 = arith.constant 1.000000e+00 : f32
    %broadcast_in_dim3A_37 = vector.broadcast %broadcast_in_dim3A_36 : f32 to vector<1x512xf32>
    %get3A_38 = arith.constant 0 : index
    %get3A_39 = arith.constant 0 : index
    %get3A_40 = vector.load %arg7[%get3A_38, %get3A_39] : memref<1x1024xf32, #tpu.memory_space<vmem>>, vector<1x1024xf32>
    %dot_general3A_41 = arith.constant dense<0.000000e+00> : vector<1x1024xf32>
    %dot_general3A_42 = tpu.matmul %broadcast_in_dim3A_37, %select_n3A_35, %dot_general3A_41 {dimension_numbers = #tpu.dot_dimension_numbers<[1], [0], [0], [1], [0, 0, 1, 1], [], []>, transpose_lhs_hint = false} : vector<1x512xf32>, vector<512x1024xf32>, vector<1x1024xf32> -> vector<1x1024xf32>
    %add3A_43 = arith.addf %get3A_40, %dot_general3A_42 : vector<1x1024xf32>
    %swap3A_44 = arith.constant 0 : index
    %swap3A_45 = arith.constant 0 : index
    %swap3A_46 = vector.load %arg7[%swap3A_44, %swap3A_45] : memref<1x1024xf32, #tpu.memory_space<vmem>>, vector<1x1024xf32>
    tpu.vector_store %arg7[%swap3A_44, %swap3A_45], %add3A_43 {strides = array<i32>} : memref<1x1024xf32, #tpu.memory_space<vmem>>, vector<1x1024xf32>,
    %eq3A_47 = arith.constant 3 : i32
    %eq3A_48 = arith.cmpi eq, %arg0, %eq3A_47 : i32
    %convert_element_type3A_49 = arith.extui %eq3A_48 : i1 to i32
    %cond3A_50 = arith.constant 0 : i32
    %cond3A_51 = arith.cmpi ne, %convert_element_type3A_49, %cond3A_50 : i32
    scf.if %cond3A_51 {
      %broadcast_in_dim3A_52 = arith.constant 1.000000e+00 : f32
      %broadcast_in_dim3A_53 = vector.broadcast %broadcast_in_dim3A_52 : f32 to vector<1x1xf32>
      %get3A_54 = arith.constant 0 : index
      %get3A_55 = arith.constant 0 : index
      %get3A_56 = vector.load %arg3[%get3A_54, %get3A_55] : memref<1024x1xf32, #tpu.memory_space<vmem>>, vector<1024x1xf32>
      %get3A_57 = arith.constant 0 : index
      %get3A_58 = arith.constant 0 : index
      %get3A_59 = vector.load %arg7[%get3A_57, %get3A_58] : memref<1x1024xf32, #tpu.memory_space<vmem>>, vector<1x1024xf32>
      %dot_general3A_60 = arith.constant dense<0.000000e+00> : vector<1024x1xf32>
      %dot_general3A_61 = tpu.matmul %get3A_59, %broadcast_in_dim3A_53, %dot_general3A_60 {dimension_numbers = #tpu.dot_dimension_numbers<[0], [0], [1], [1], [0, 1, 1, 1], [], []>, transpose_lhs_hint = false} : vector<1x1024xf32>, vector<1x1xf32>, vector<1024x1xf32> -> vector<1024x1xf32>
      %add3A_62 = arith.addf %get3A_56, %dot_general3A_61 : vector<1024x1xf32>
      %swap3A_63 = arith.constant 0 : index
      %swap3A_64 = arith.constant 0 : index
      %swap3A_65 = vector.load %arg5[%swap3A_63, %swap3A_64] : memref<1024x1xf32, #tpu.memory_space<vmem>>, vector<1024x1xf32>
      tpu.vector_store %arg5[%swap3A_63, %swap3A_64], %add3A_62 {strides = array<i32>} : memref<1024x1xf32, #tpu.memory_space<vmem>>, vector<1024x1xf32>,
    } else {
    }
    return
  }
  func.func @transform_0(%arg0: i32) -> (i32, i32) {
    %c0_i32 = arith.constant 0 : i32
    %c0_i32_0 = arith.constant 0 : i32
    return %arg0, %c0_i32 : i32, i32
  }
  func.func @transform_1(%arg0: i32) -> (i32, i32) {
    %c0_i32 = arith.constant 0 : i32
    %c0_i32_0 = arith.constant 0 : i32
    %c0_i32_1 = arith.constant 0 : i32
    return %c0_i32, %c0_i32_0 : i32, i32
  }
  func.func @transform_2(%arg0: i32) -> (i32, i32) {
    %c0_i32 = arith.constant 0 : i32
    %c0_i32_0 = arith.constant 0 : i32
    %c0_i32_1 = arith.constant 0 : i32
    return %c0_i32, %c0_i32_0 : i32, i32
  }
  func.func @transform_3(%arg0: i32) -> (i32, i32) {
    %c0_i32 = arith.constant 0 : i32
    %c0_i32_0 = arith.constant 0 : i32
    return %arg0, %c0_i32 : i32, i32
  }
  func.func @transform_4(%arg0: i32) -> (i32, i32) {
    %c0_i32 = arith.constant 0 : i32
    %c0_i32_0 = arith.constant 0 : i32
    %c0_i32_1 = arith.constant 0 : i32
    return %c0_i32, %c0_i32_0 : i32, i32
  }
}

module attributes {stable_mosaic.version = 14 : i64} {
  func.func @_combine_body(%arg0: memref<8x1024x256xf32, #tpu.memory_space<vmem>>, %arg1: memref<1024x256xf32, #tpu.memory_space<vmem>>, %arg2: memref<1024x1xf32, #tpu.memory_space<vmem>>, %arg3: memref<1024x256xf32, #tpu.memory_space<vmem>>, %arg4: memref<1024x256xf32, #tpu.memory_space<vmem>>) attributes {dimension_semantics = [], scalar_prefetch = 0 : i64, scratch_operands = 0 : i64, tpu.core_type = #tpu.core_type<tc>} {
    %get3A = arith.constant 0 : index
    %get3A_0 = arith.constant 0 : index
    %get3A_1 = arith.constant 0 : index
    %get3A_2 = vector.load %arg0[%get3A, %get3A_0, %get3A_1] : memref<8x1024x256xf32, #tpu.memory_space<vmem>>, vector<1x1024x256xf32>
    %get3A_3 = vector.shape_cast %get3A_2 : vector<1x1024x256xf32> to vector<1024x256xf32>
    %get3A_4 = arith.constant 1 : index
    %get3A_5 = arith.constant 0 : index
    %get3A_6 = arith.constant 0 : index
    %get3A_7 = vector.load %arg0[%get3A_4, %get3A_5, %get3A_6] : memref<8x1024x256xf32, #tpu.memory_space<vmem>>, vector<1x1024x256xf32>
    %get3A_8 = vector.shape_cast %get3A_7 : vector<1x1024x256xf32> to vector<1024x256xf32>
    %add3A = arith.addf %get3A_3, %get3A_8 : vector<1024x256xf32>
    %get3A_9 = arith.constant 2 : index
    %get3A_10 = arith.constant 0 : index
    %get3A_11 = arith.constant 0 : index
    %get3A_12 = vector.load %arg0[%get3A_9, %get3A_10, %get3A_11] : memref<8x1024x256xf32, #tpu.memory_space<vmem>>, vector<1x1024x256xf32>
    %get3A_13 = vector.shape_cast %get3A_12 : vector<1x1024x256xf32> to vector<1024x256xf32>
    %add3A_14 = arith.addf %add3A, %get3A_13 : vector<1024x256xf32>
    %get3A_15 = arith.constant 3 : index
    %get3A_16 = arith.constant 0 : index
    %get3A_17 = arith.constant 0 : index
    %get3A_18 = vector.load %arg0[%get3A_15, %get3A_16, %get3A_17] : memref<8x1024x256xf32, #tpu.memory_space<vmem>>, vector<1x1024x256xf32>
    %get3A_19 = vector.shape_cast %get3A_18 : vector<1x1024x256xf32> to vector<1024x256xf32>
    %add3A_20 = arith.addf %add3A_14, %get3A_19 : vector<1024x256xf32>
    %get3A_21 = arith.constant 4 : index
    %get3A_22 = arith.constant 0 : index
    %get3A_23 = arith.constant 0 : index
    %get3A_24 = vector.load %arg0[%get3A_21, %get3A_22, %get3A_23] : memref<8x1024x256xf32, #tpu.memory_space<vmem>>, vector<1x1024x256xf32>
    %get3A_25 = vector.shape_cast %get3A_24 : vector<1x1024x256xf32> to vector<1024x256xf32>
    %add3A_26 = arith.addf %add3A_20, %get3A_25 : vector<1024x256xf32>
    %get3A_27 = arith.constant 5 : index
    %get3A_28 = arith.constant 0 : index
    %get3A_29 = arith.constant 0 : index
    %get3A_30 = vector.load %arg0[%get3A_27, %get3A_28, %get3A_29] : memref<8x1024x256xf32, #tpu.memory_space<vmem>>, vector<1x1024x256xf32>
    %get3A_31 = vector.shape_cast %get3A_30 : vector<1x1024x256xf32> to vector<1024x256xf32>
    %add3A_32 = arith.addf %add3A_26, %get3A_31 : vector<1024x256xf32>
    %get3A_33 = arith.constant 6 : index
    %get3A_34 = arith.constant 0 : index
    %get3A_35 = arith.constant 0 : index
    %get3A_36 = vector.load %arg0[%get3A_33, %get3A_34, %get3A_35] : memref<8x1024x256xf32, #tpu.memory_space<vmem>>, vector<1x1024x256xf32>
    %get3A_37 = vector.shape_cast %get3A_36 : vector<1x1024x256xf32> to vector<1024x256xf32>
    %add3A_38 = arith.addf %add3A_32, %get3A_37 : vector<1024x256xf32>
    %get3A_39 = arith.constant 7 : index
    %get3A_40 = arith.constant 0 : index
    %get3A_41 = arith.constant 0 : index
    %get3A_42 = vector.load %arg0[%get3A_39, %get3A_40, %get3A_41] : memref<8x1024x256xf32, #tpu.memory_space<vmem>>, vector<1x1024x256xf32>
    %get3A_43 = vector.shape_cast %get3A_42 : vector<1x1024x256xf32> to vector<1024x256xf32>
    %add3A_44 = arith.addf %add3A_38, %get3A_43 : vector<1024x256xf32>
    %get3A_45 = arith.constant 0 : index
    %get3A_46 = arith.constant 0 : index
    %get3A_47 = vector.load %arg1[%get3A_45, %get3A_46] : memref<1024x256xf32, #tpu.memory_space<vmem>>, vector<1024x256xf32>
    %add3A_48 = arith.addf %get3A_47, %add3A_44 : vector<1024x256xf32>
    %get3A_49 = arith.constant 0 : index
    %get3A_50 = arith.constant 0 : index
    %get3A_51 = vector.load %arg2[%get3A_49, %get3A_50] : memref<1024x1xf32, #tpu.memory_space<vmem>>, vector<1024x1xf32>
    %max3A = arith.constant 1.000000e+00 : f32
    %max3A_52 = vector.broadcast %max3A : f32 to vector<1024x1xf32>
    %max3A_53 = arith.maximumf %get3A_51, %max3A_52 : vector<1024x1xf32>
    %div3A = vector.broadcast %max3A_53 : vector<1024x1xf32> to vector<1024x256xf32>
    %div3A_54 = arith.divf %add3A_48, %div3A : vector<1024x256xf32>
    %swap3A = arith.constant 0 : index
    %swap3A_55 = arith.constant 0 : index
    %swap3A_56 = vector.load %arg3[%swap3A, %swap3A_55] : memref<1024x256xf32, #tpu.memory_space<vmem>>, vector<1024x256xf32>
    tpu.vector_store %arg3[%swap3A, %swap3A_55], %div3A_54 {strides = array<i32>} : memref<1024x256xf32, #tpu.memory_space<vmem>>, vector<1024x256xf32>,
    %swap3A_57 = arith.constant 0 : index
    %swap3A_58 = arith.constant 0 : index
    %swap3A_59 = vector.load %arg4[%swap3A_57, %swap3A_58] : memref<1024x256xf32, #tpu.memory_space<vmem>>, vector<1024x256xf32>
    tpu.vector_store %arg4[%swap3A_57, %swap3A_58], %add3A_48 {strides = array<i32>} : memref<1024x256xf32, #tpu.memory_space<vmem>>, vector<1024x256xf32>,
    return
  }
}

</mosaic_0001>

<sc_bundles>
// kernel: kernel.5.cloned.1.call-start
scs
__scs_entry_jumppad:
0x0: {  	(pc) =	sbr.rel $0x88, $3  }
0x1: {  	(tag) =	ssettag $0x0;
	lr =	simm.s32 $0x1  }
0x2: {  	[smem:$0x3F9D] =	sst lr;
	_ =	strace $0xD0000000  }
0x3: {  	_ = 	snop  }
0x4: {  	_ = 	snop  }
0x5: {  	_ = 	snop  }
0x6: {  	_ = 	snop  }
0x7: {  	_ = 	snop  }
__scs_overlays_trampoline_lowered:
0x8: {  	[smem:$0x3FAC] =	sst s0  }
0x9: {  	[smem:$0x3FAD] =	sst s1  }
0xa: {  	[smem:$0x3FAE] =	sst s2  }
0xb: {  	[smem:$0x3FAF] =	sst s3  }
0xc: {  	[smem:$0x3FB0] =	sst s4  }
0xd: {  	[smem:$0x3FB1] =	sst s5  }
0xe: {  	[smem:$0x3FB2] =	sst s6  }
0xf: {  	[smem:$0x3FB3] =	sst s7  }
0x10: {  	[smem:$0x3FB4] =	sst s8  }
0x11: {  	[smem:$0x3FB5] =	sst s9;
	s0 =	simm.s32 @!p0 $0x0  }
0x12: {  	s1 =	sld [smem:$0x3F9B];
	s0 =	simm.s32 @p0 $0x1  }
0x13: {  	[smem:$0x3FB6] =	sst s0;
	s0 =	simm.s32 @!p1 $0x0  }
0x14: {  	s2 =	sld [smem:$0x3F9A];
	s0 =	simm.s32 @p1 $0x1  }
0x15: {  	[smem:$0x3FB7] =	sst s0;
	s0 =	simm.s32 @!p2 $0x0  }
0x16: {  	s3 =	sld [smem:$0x3FDB];
	s0 =	simm.s32 @p2 $0x1  }
0x17: {  	s4 =	simm.s32 $0x1BF5;
	[smem:$0x3FB9] =	sst s0  }
0x18: {  	s0 =	sld [smem:$0x3F9C];
	_ =	swait.ge [sflag:s4], $0x0  }
0x19: {  	s7 =	sld [smem:$0x3F9D]  }
0x1a: {  	s8 =	sadd.s32 $0xFFFFE003, lr  }
0x1b: {  	s9 =	sadd.s32 $0xFFFFFEF7, lr;
	s5 =	simm.s32 $0xFFFFFFFF;
	p2 =	slt.u32 s8, $0xFFFFF086  }
0x1c: {  	p1 =	slt.u32 s9, $0xF7A;
	s5 =	simm.s32 @!p2 $0x0  }
0x1d: {  	s5 =	simm.s32 @p1 $0x1;
	p0 =	seq.s32 s7, s2  }
0x1e: {  	s7 =	smul.u32 @!p0 $0xF7A, s2;
	p2 =	seq.s32 @!p0 s5, $0x0  }
0x1f: {  	s9 =	smul.u32 $0xF7A, s1;
	s8 =	simm.s32 @!p0 $0x1BF5;
	p2 =	por !p2, p0  }
0x20: {  	[sflag:s8] =	ssyncset.s32 @!p0 $0xFFFFF086;
	s6 =	sadd.s32 @!p0 s3, s7;
	s7 =	simm.s32 @!p0 $0x108  }
0x21: {  	s3 =	sadd.s32 s3, s9;
	s6 =	sadd.s32 @!p0 $0x88, s6;
	s7 =	simm.s32 @p2 $0x1082  }
0x22: {  	[simem:s7], [sflag:s8] =	dma.local @!p0 [hbm:s6], $0xF7A  }
0x23: {  	s9 =	sor.u32 $0xD0000000, s2;
	s6 =	simm.s32 $0x108;
	_ =	swait.ge @!p0 [sflag:s8], $0x0  }
0x24: {  	s3 =	sadd.s32 $0x88, s3;
	s6 =	simm.s32 @!p1 $0x1082;
	[sflag:s4] =	ssyncset.s32 $0xFFFFF086  }
0x25: {  	[simem:s6], [sflag:s4] =	dma.local [hbm:s3], $0xF7A  }
0x26: {  	[smem:$0x3F9D] =	sst s1;
	(tag) =	ssettag s2;
	_ =	strace s9  }
0x27: {  	s1 =	sld [smem:$0x3FAD]  }
0x28: {  	s2 =	sld [smem:$0x3FAE]  }
0x29: {  	s4 =	sld [smem:$0x3FB0]  }
0x2a: {  	p0 =	seq.s32 s5, $0x0;
	s5 =	sld [smem:$0x3FB1]  }
0x2b: {  	s6 =	sld [smem:$0x3FB2]  }
0x2c: {  	s7 =	sld [smem:$0x3FB3]  }
0x2d: {  	s3 =	simm.s32 $0x108;
	s8 =	sld [smem:$0x3FB4]  }
0x2e: {  	s3 =	simm.s32 @!p0 $0x1082;
	s9 =	sld [smem:$0x3FB5]  }
0x2f: {  	lr =	sadd.s32 s0, s3;
	s0 =	sld [smem:$0x3FAC]  }
0x30: {  	s3 =	sld [smem:$0x3FAF]  }
0x31: {  	[smem:$0x3FB8] =	sst s10  }
0x32: {  	s10 =	sld [smem:$0x3FB6];
	_ =	sdelay $0x3  }
0x33: {  	p0 =	seq.s32 s10, $0x1;
	s10 =	sld [smem:$0x3FB8];
	_ =	sdelay $0x3  }
0x34: {  	[smem:$0x3FB8] =	sst s10  }
0x35: {  	s10 =	sld [smem:$0x3FB7];
	_ =	sdelay $0x3  }
0x36: {  	p1 =	seq.s32 s10, $0x1;
	s10 =	sld [smem:$0x3FB8];
	_ =	sdelay $0x3  }
0x37: {  	[smem:$0x3FB8] =	sst s10  }
0x38: {  	s10 =	sld [smem:$0x3FB9]  }
0x39: {  	_ = 	snop;
	(pc) =	sbr.ind lr, $3  }
0x3a: {  	_ = 	snop  }
0x3b: {  	_ = 	snop  }
0x3c: {  	p2 =	seq.s32 s10, $0x1;
	s10 =	sld [smem:$0x3FB8]  }
0x3d: {  	_ =	shalt  }
0x3e: {  	_ =	shalt  }
0x3f: {  	_ =	shalt  }
0x40: {  	_ =	shalt  }
0x41: {  	_ =	shalt  }
0x42: {  	_ =	shalt  }
0x43: {  	_ =	shalt  }
0x44: {  	_ =	shalt  }
0x45: {  	_ =	shalt  }
0x46: {  	_ =	shalt  }
0x47: {  	_ =	shalt  }
0x48: {  	_ =	shalt  }
0x49: {  	_ =	shalt  }
0x4a: {  	_ =	shalt  }
0x4b: {  	_ =	shalt  }
0x4c: {  	_ =	shalt  }
0x4d: {  	_ =	shalt  }
0x4e: {  	_ =	shalt  }
0x4f: {  	_ =	shalt  }
0x50: {  	_ =	shalt  }
0x51: {  	_ =	shalt  }
0x52: {  	_ =	shalt  }
0x53: {  	_ =	shalt  }
0x54: {  	_ =	shalt  }
0x55: {  	_ =	shalt  }
0x56: {  	_ =	shalt  }
0x57: {  	_ =	shalt  }
0x58: {  	_ =	shalt  }
0x59: {  	_ =	shalt  }
0x5a: {  	_ =	shalt  }
0x5b: {  	_ =	shalt  }
0x5c: {  	_ =	shalt  }
0x5d: {  	_ =	shalt  }
0x5e: {  	_ =	shalt  }
0x5f: {  	_ =	shalt  }
0x60: {  	_ =	shalt  }
0x61: {  	_ =	shalt  }
0x62: {  	_ =	shalt  }
0x63: {  	_ =	shalt  }
0x64: {  	_ =	shalt  }
0x65: {  	_ =	shalt  }
0x66: {  	_ =	shalt  }
0x67: {  	_ =	shalt  }
0x68: {  	_ =	shalt  }
0x69: {  	_ =	shalt  }
0x6a: {  	_ =	shalt  }
0x6b: {  	_ =	shalt  }
0x6c: {  	_ =	shalt  }
0x6d: {  	_ =	shalt  }
0x6e: {  	_ =	shalt  }
0x6f: {  	_ =	shalt  }
0x70: {  	_ =	shalt  }
0x71: {  	_ =	shalt  }
0x72: {  	_ =	shalt  }
0x73: {  	_ =	shalt  }
0x74: {  	_ =	shalt  }
0x75: {  	_ =	shalt  }
0x76: {  	_ =	shalt  }
0x77: {  	_ =	shalt  }
0x78: {  	_ =	shalt  }
0x79: {  	_ =	shalt  }
0x7a: {  	_ =	shalt  }
0x7b: {  	_ =	shalt  }
0x7c: {  	_ =	shalt  }
0x7d: {  	_ =	shalt  }
0x7e: {  	_ =	shalt  }
0x7f: {  	_ =	shalt  }
0x80: {  	_ =	shalt  }
0x81: {  	_ =	shalt  }
0x82: {  	_ =	shalt  }
0x83: {  	_ =	shalt  }
0x84: {  	_ =	shalt  }
0x85: {  	_ =	shalt  }
0x86: {  	_ =	shalt  }
0x87: {  	_ =	shalt  }
.Lfunc_end0:
.L_simem_size_0:
called_computation_lowered:
.L_overlay_start_0:
0x88: {  	s2 =	sld [smem:$0x3FD9]  }
0x89: {  	s3 =	sld [smem:$0x3FFE];
	_ =	sdelay $0x1  }
0x8a: {  	s1 =	srdreg.scid  }
0x8b: {  	s0 =	sand.u32 $0x1, s1  }
0x8c: {  	s14 =	sshll.u32 s0, $0xA;
	s2 =	sadd.s32 s3, s2  }
0x8d: {  	s2 =	sadd.s32 s2, s14  }
0x8e: {  	[smem:$0x3FC4] =	sst s2  }
0x8f: {  	_ = 	snop  }
0x90: {  	s2 =	sld [smem:$0x3FD0];
	_ =	sdelay $0x2  }
0x91: {  	s4 =	simm.s32 $0xA;
	s5 =	simm.s32 $0x10;
	s15 =	sld [smem:$0x3FC9]  }
0x92: {  	[smem:s5], [sflag:s4] =	dma.local [hbm:s2], $0x1  }
0x93: {  	_ =	swait.eq [sflag:s4], $0x1  }
0x94: {  	[sflag:s4] =	ssyncset.done $0x0  }
0x95: {  	[sflag:s4] =	ssyncadd.s32 $0xFFFFFFFF  }
0x96: {  	s16 =	sld [smem:$0x11];
	(tm) =	ssettm $0x1  }
0x97: {  	s17 =	sld [smem:$0x3FFB];
	_ =	sdelay $0x3  }
0x98: {  	_ =	strace s17  }
0x99: {  	s4 =	sld [smem:$0x3FFC];
	_ =	sdelay $0x3  }
0x9a: {  	_ =	strace s4  }
0x9b: {  	s4 =	sld [smem:$0x3FFD];
	_ =	sdelay $0x3  }
0x9c: {  	_ =	strace s4  }
0x9d: {  	_ =	strace $0x8FFFFFFF  }
0x9e: {  	s18 =	sld [smem:$0x3FDB];
	_ =	sdelay $0x1  }
0x9f: {  	s19 =	simm.s32 $_scs_section_size  }
0xa0: {  	s6 =	simm.s32 $_size__tile_overlayer_lowered;
	s7 =	simm.s32 $_tile_overlayer_lowered  }
0xa1: {  	s22 =	simm.s32 $0x1BFF;
	s21 =	sshll.u32 s7, $0x1;
	s4 =	sadd.s32 s19, s18  }
0xa2: {  	s8 =	simm.s32 $0x0;
	s20 =	sshll.u32 s6, $0x1;
	s6 =	sadd.s32 s21, s4  }
0xa3: {  	[timem:s8], [sflag:s22] =	dma.local [hbm:s6], s20  }
0xa4: {  	_ =	swait.ge [sflag:s22], s20  }
0xa5: {  	s5 =	ssub.s32 $0x0, s20;
	[sflag:s22] =	ssyncset.done $0x0  }
0xa6: {  	[sflag:s22] =	ssyncadd.s32 s5;
	_ =	sdelay $0x1  }
0xa7: {  	s23 =	simm.s32 $0x1B8B  }
0xa8: {  	_ =	swait.ge [sflag:s23], $0x1  }
0xa9: {  	[sflag:s23] =	ssyncset.done $0x0  }
0xaa: {  	s25 =	simm.s32 $0x1B8E;
	s24 =	sld [smem:$0x3FFE];
	[sflag:s23] =	ssyncadd.s32 $0xFFFFFFFF  }
0xab: {  	s26 =	simm.s32 $execute0_lowered;
	[smem:$0x3FD2] =	sst s25  }
0xac: {  	s6 =	sshll.u32 s26, $0x1;
	_ =	strace $0x80000046;
	[dreg:$0x1] =	wrdreg $0xFFFFFFFF  }
0xad: {  	s28 =	simm.s32 $_size_execute0_lowered;
	s4 =	sadd.s32 s4, s6;
	[dreg:$0x0] =	wrdreg $0x0  }
0xae: {  	s6 =	sshll.u32 s28, $0x1;
	[dreg:$0x2] =	wrdreg s4  }
0xaf: {  	[dreg:$0x3] =	wrdreg s6  }
0xb0: {  	[dreg:$0x4] =	wrdreg $0xC0  }
0xb1: {  	_ =	task [dreg:s8], $0x5FFFF  }
0xb2: {  	[dreg:$0x1] =	wrdreg $0xFFFFFFFF  }
0xb3: {  	[dreg:$0x0] =	wrdreg $0x60  }
0xb4: {  	[dreg:$0x2] =	wrdreg s15  }
0xb5: {  	[dreg:$0x3] =	wrdreg s16  }
0xb6: {  	[dreg:$0x4] =	wrdreg s24  }
0xb7: {  	[dreg:$0x5] =	wrdreg $0x9  }
0xb8: {  	_ =	task.clear_ibuf [dreg:s8], $0x6FFFF;
	_ =	strace $0x90000046  }
0xb9: {  	s29 =	simm.s32 $0x9;
	_ =	strace $0x80000048  }
0xba: {  	_ =	swait.ge [sflag:s29], $0x1  }
0xbb: {  	[sflag:s29] =	ssyncadd.s32 $0xFFFFFFFF  }
0xbc: {  	_ =	strace $0x90000048  }
0xbd: {  	_ =	sfence  }
0xbe: {  	s30 =	sld [smem:$0x0];
	_ =	sdelay $0x2  }
0xbf: {  	s31 =	sshll.u32 s1, $0xD;
	s1 =	sshrl.u32 s1, $0x2  }
0xc0: {  	s3 =	sand.u32 $0x4000, s31;
	s1 =	sadd.s32 s1, s30  }
0xc1: {  	s0 =	sor.u32 s3, s0;
	s1 =	sshll.u32 s1, $0x11  }
0xc2: {  	s0 =	sor.u32 s1, s0  }
0xc3: {  	s0 =	sadd.s32 $0x8F2B, s0  }
0xc4: {  	[sflag:s0] =	ssyncadd.remote.s32 $0x1  }
0xc5: {  	_ =	sfence.sel $0xFFFF  }
0xc6: {  	[dreg:$0x0] =	wrdreg $0xFFFFFFFF;
	(pc) =	sbr.abs _section_cstart, $3  }
0xc7: {  	[dreg:$0x1] =	wrdreg $0xFFFFFFFF  }
0xc8: {  	_ =	task.clear_ibuf [dreg:s8], $0x2FFFF;
	_ =	strace $0x9FFFFFFF  }
0xc9: {  	(tm) =	ssettm $0x7FFFFFFF  }
tec
execute0_lowered:
.L_overlay_start_1:
0x0: {  	(tag) =	ssettag $0x1  }
0x1: {  	s3 =	rddreg [dreg:$0x0]  }
0x2: {  	s0 =	stileid.u32;
	s4 =	rddreg [dreg:$0x1]  }
0x3: {  	s2 =	srdreg.scid;
	s7 =	rddreg [dreg:$0x2];
	s10 =	simm.s32 $0x2  }
0x4: {  	s12 =	simm.s32 $0x8000;
	s13 =	simm.s32 $0x0;
	s1 =	sshll.u32 s0, $0x9  }
0x5: {  	s5 =	sshrl.u32 s0, $0x1;
	s6 =	sand.u32 $0x1, s2;
	s2 =	simm.s32 $0x0  }
0x6: {  	s30 =	sshll.u32 s0, $0x4;
	s11 =	sand.u32 $0x200, s1;
	s1 =	rddreg [dreg:$0x3]  }
0x7: {  	s28 =	sshll.u32 s5, $0x12;
	s8 =	sshll.u32 s6, $0xA;
	[smem:$0x7FF] =	sst s2  }
0x8: {  	s5 =	sshll.u32 s5, $0x10;
	s6 =	ssub.s32 $0x2, s6;
	s29 =	sshll.u32 s11, $0x8  }
0x9: {  	_ =	strace $0x80000047;
	s5 =	sor.u32 s8, s5;
	s31 =	sshrl.u32 s6, $0x1  }
0xa: {  	v0 =	vmov s11;
	s11 =	simm.s32 $0x1;
	s9 =	sor.u32 s28, s29;
	s5 =	sshrl.u32 s5, $0x3  }
0xb: {  	s6 =	ssub.s32 s6, s31;
	s9 =	sor.u32 s8, s9;
	s8 =	sand.u32 $0xE0, s30  }
0xc: {  	s3 =	sadd.s32 s3, s5;
	s6 =	smax.u32 s6, $0x1;
	s9 =	sshrl.u32 s9, $0x3  }
0xd: {  	s4 =	sadd.s32 s4, s8;
	s8 =	simm.s32 $0x800;
	s7 =	sadd.s32 s9, s7  }
0xe: {  	v1 =	vimm.f32 $0.0e+00;
	s9 =	simm.s32 $0x18400;
	s5 =	sadd.s32 $0x600, s7;
	s7 =	simm.s32 $0x400  }
.LBB2_1:
0xf: {  	[tilespmem:s2], [sflag:$0x1] =	stream.strided.gather [hbm4b:s3+s7], $0x8000, s8, s7, $0x38;
	[tilespmem:$0x18500] =	vst v63  }
0x10: {  	_ = 	snop  }
0x11: {  	[tilespmem:s9], [sflag:$0x2] =	stream.linear.gather [hbm4b:s4+s2], $0x100, $0x38;
	[tilespmem:$0x18500] =	vst v63  }
0x12: {  	_ =	swait.ge [sflag:s10], $0x100  }
0x13: {  	[sflag:s10] =	ssyncset.done $0x0  }
0x14: {  	s14 =	simm.s32 $0x0;
	s15 =	simm.s32 $0x200;
	[sflag:s10] =	ssyncadd.s32 $0xFFFFFF00  }
.LBB2_2:
0x15: {  	p0 =	sne.s32 s15, $0x3FE00;
	[tilespmem:s14+$0x8070] =	vst v1  }
0x16: {  	[tilespmem:s14+$0x8000] =	vst v1  }
0x17: {  	[tilespmem:s14+$0x8010] =	vst v1  }
.Ltmp0:
0x18: {  	[tilespmem:s14+$0x8020] =	vst v1;
	(pc) =	sbr.rel @p0 .LBB2_2-.Ltmp0, $4  }
0x19: {  	[tilespmem:s14+$0x8030] =	vst v1  }
0x1a: {  	[tilespmem:s14+$0x8040] =	vst v1  }
0x1b: {  	[tilespmem:s14+$0x8050] =	vst v1  }
0x1c: {  	[tilespmem:s14+$0x8060] =	vst v1;
	s14 =	sshra.s32 s15, $0x2;
	s15 =	sadd.s32 $0x200, s15  }
0x1d: {  	[tilespmem:s14+$0x8070] =	vst v1  }
0x1e: {  	[tilespmem:s14+$0x8000] =	vst v1  }
0x1f: {  	[tilespmem:s14+$0x8010] =	vst v1  }
0x20: {  	[tilespmem:s14+$0x8020] =	vst v1  }
0x21: {  	[tilespmem:s14+$0x8030] =	vst v1  }
0x22: {  	[tilespmem:s14+$0x8040] =	vst v1  }
0x23: {  	[tilespmem:s14+$0x8050] =	vst v1  }
0x24: {  	[tilespmem:s14+$0x8060] =	vst v1  }
0x25: {  	_ =	swait.ge [sflag:s11], $0x8000  }
0x26: {  	[sflag:s11] =	ssyncset.done $0x0  }
0x27: {  	s29 =	simm.s32 $0x0;
	[sflag:s11] =	ssyncadd.s32 $0xFFFF8000  }
0x28: {  	v2 =	vld [tilespmem:s29+$0x18400];
	_ =	sdelay $0x4  }
0x29: {  	v2 =	vsub.s32 v2, v0  }
0x2a: {  	v2 =	vmin.u32 v2, $0x200  }
0x2b: {  	v5 =	vshll.u32 v2, $0x7  }
0x2c: {  	(v2sf) =	vpush v5, $0x0;
	_ =	sdelay $0x9  }
0x2d: {  	s16 =	simm.s32 $0x400  }
0x2e: {  	v2 =	vld [tilespmem:s16+$0xFFFFFC00];
	_ =	sdelay $0x3  }
0x2f: {  	s30 =	spop (v2sf)  }
0x30: {  	[tilespmem:s30+$0x8000] =	vst.add.f32.msk $0xffff, v2  }
0x31: {  	v2 =	vld [tilespmem:s16+$0xFFFFFC10];
	_ =	sdelay $0x4  }
0x32: {  	[tilespmem:s30+$0x8010] =	vst.add.f32.msk $0xffff, v2  }
0x33: {  	v2 =	vld [tilespmem:s16+$0xFFFFFC20];
	_ =	sdelay $0x4  }
0x34: {  	[tilespmem:s30+$0x8020] =	vst.add.f32.msk $0xffff, v2  }
0x35: {  	v2 =	vld [tilespmem:s16+$0xFFFFFC30];
	_ =	sdelay $0x4  }
0x36: {  	[tilespmem:s30+$0x8030] =	vst.add.f32.msk $0xffff, v2  }
0x37: {  	v2 =	vld [tilespmem:s16+$0xFFFFFC40];
	_ =	sdelay $0x4  }
0x38: {  	[tilespmem:s30+$0x8040] =	vst.add.f32.msk $0xffff, v2  }
0x39: {  	v2 =	vld [tilespmem:s16+$0xFFFFFC50];
	_ =	sdelay $0x4  }
0x3a: {  	[tilespmem:s30+$0x8050] =	vst.add.f32.msk $0xffff, v2  }
0x3b: {  	v2 =	vld [tilespmem:s16+$0xFFFFFC60]  }
0x3c: {  	(v2sf) =	vpush v5, $0x1;
	_ =	sdelay $0x3  }
0x3d: {  	[tilespmem:s30+$0x8060] =	vst.add.f32.msk $0xffff, v2  }
0x3e: {  	v2 =	vld [tilespmem:s16+$0xFFFFFC70];
	_ =	sdelay $0x4  }
0x3f: {  	[tilespmem:s30+$0x8070] =	vst.add.f32.msk $0xffff, v2  }
0x40: {  	v2 =	vld [tilespmem:s16+$0xFFFFFC80];
	_ =	sdelay $0x3  }
0x41: {  	s31 =	spop (v2sf)  }
0x42: {  	[tilespmem:s31+$0x8000] =	vst.add.f32.msk $0xffff, v2  }
0x43: {  	v2 =	vld [tilespmem:s16+$0xFFFFFC90];
	_ =	sdelay $0x4  }
0x44: {  	[tilespmem:s31+$0x8010] =	vst.add.f32.msk $0xffff, v2  }
0x45: {  	v2 =	vld [tilespmem:s16+$0xFFFFFCA0];
	_ =	sdelay $0x4  }
0x46: {  	[tilespmem:s31+$0x8020] =	vst.add.f32.msk $0xffff, v2  }
0x47: {  	v2 =	vld [tilespmem:s16+$0xFFFFFCB0];
	_ =	sdelay $0x4  }
0x48: {  	[tilespmem:s31+$0x8030] =	vst.add.f32.msk $0xffff, v2  }
0x49: {  	v2 =	vld [tilespmem:s16+$0xFFFFFCC0];
	_ =	sdelay $0x4  }
0x4a: {  	[tilespmem:s31+$0x8040] =	vst.add.f32.msk $0xffff, v2  }
0x4b: {  	v2 =	vld [tilespmem:s16+$0xFFFFFCD0];
	_ =	sdelay $0x4  }
0x4c: {  	[tilespmem:s31+$0x8050] =	vst.add.f32.msk $0xffff, v2  }
0x4d: {  	v2 =	vld [tilespmem:s16+$0xFFFFFCE0]  }
0x4e: {  	(v2sf) =	vpush v5, $0x2;
	_ =	sdelay $0x3  }
0x4f: {  	[tilespmem:s31+$0x8060] =	vst.add.f32.msk $0xffff, v2  }
0x50: {  	v2 =	vld [tilespmem:s16+$0xFFFFFCF0];
	_ =	sdelay $0x4  }
0x51: {  	[tilespmem:s31+$0x8070] =	vst.add.f32.msk $0xffff, v2  }
0x52: {  	v2 =	vld [tilespmem:s16+$0xFFFFFD00];
	_ =	sdelay $0x3  }
0x53: {  	s15 =	spop (v2sf)  }
0x54: {  	[tilespmem:s15+$0x8000] =	vst.add.f32.msk $0xffff, v2  }
0x55: {  	v2 =	vld [tilespmem:s16+$0xFFFFFD10];
	_ =	sdelay $0x4  }
0x56: {  	[tilespmem:s15+$0x8010] =	vst.add.f32.msk $0xffff, v2  }
0x57: {  	v2 =	vld [tilespmem:s16+$0xFFFFFD20];
	_ =	sdelay $0x4  }
0x58: {  	[tilespmem:s15+$0x8020] =	vst.add.f32.msk $0xffff, v2  }
0x59: {  	v2 =	vld [tilespmem:s16+$0xFFFFFD30];
	_ =	sdelay $0x4  }
0x5a: {  	[tilespmem:s15+$0x8030] =	vst.add.f32.msk $0xffff, v2  }
0x5b: {  	v2 =	vld [tilespmem:s16+$0xFFFFFD40];
	_ =	sdelay $0x4  }
0x5c: {  	[tilespmem:s15+$0x8040] =	vst.add.f32.msk $0xffff, v2  }
0x5d: {  	v2 =	vld [tilespmem:s16+$0xFFFFFD50];
	_ =	sdelay $0x4  }
0x5e: {  	[tilespmem:s15+$0x8050] =	vst.add.f32.msk $0xffff, v2  }
0x5f: {  	v2 =	vld [tilespmem:s16+$0xFFFFFD60]  }
0x60: {  	(v2sf) =	vpush v5, $0x3;
	_ =	sdelay $0x3  }
0x61: {  	[tilespmem:s15+$0x8060] =	vst.add.f32.msk $0xffff, v2  }
0x62: {  	v2 =	vld [tilespmem:s16+$0xFFFFFD70];
	_ =	sdelay $0x4  }
0x63: {  	[tilespmem:s15+$0x8070] =	vst.add.f32.msk $0xffff, v2  }
0x64: {  	v2 =	vld [tilespmem:s16+$0xFFFFFD80];
	_ =	sdelay $0x3  }
0x65: {  	s17 =	spop (v2sf)  }
0x66: {  	[tilespmem:s17+$0x8000] =	vst.add.f32.msk $0xffff, v2  }
0x67: {  	v2 =	vld [tilespmem:s16+$0xFFFFFD90];
	_ =	sdelay $0x4  }
0x68: {  	[tilespmem:s17+$0x8010] =	vst.add.f32.msk $0xffff, v2  }
0x69: {  	v2 =	vld [tilespmem:s16+$0xFFFFFDA0];
	_ =	sdelay $0x4  }
0x6a: {  	[tilespmem:s17+$0x8020] =	vst.add.f32.msk $0xffff, v2  }
0x6b: {  	v2 =	vld [tilespmem:s16+$0xFFFFFDB0];
	_ =	sdelay $0x2  }
0x6c: {  	s15 =	simm.s32 $0x10  }
0x6d: {  	v3 =	vld [tilespmem:s15+$0x18400]  }
0x6e: {  	[tilespmem:s17+$0x8030] =	vst.add.f32.msk $0xffff, v2  }
0x6f: {  	v2 =	vld [tilespmem:s16+$0xFFFFFDC0];
	_ =	sdelay $0x4  }
0x70: {  	[tilespmem:s17+$0x8040] =	vst.add.f32.msk $0xffff, v2  }
0x71: {  	v2 =	vld [tilespmem:s16+$0xFFFFFDD0];
	_ =	sdelay $0x4  }
0x72: {  	[tilespmem:s17+$0x8050] =	vst.add.f32.msk $0xffff, v2  }
0x73: {  	v2 =	vld [tilespmem:s16+$0xFFFFFDE0]  }
0x74: {  	(v2sf) =	vpush v5, $0x4;
	_ =	sdelay $0x3  }
0x75: {  	[tilespmem:s17+$0x8060] =	vst.add.f32.msk $0xffff, v2  }
0x76: {  	v2 =	vld [tilespmem:s16+$0xFFFFFDF0];
	_ =	sdelay $0x4  }
0x77: {  	[tilespmem:s17+$0x8070] =	vst.add.f32.msk $0xffff, v2  }
0x78: {  	v2 =	vld [tilespmem:s16+$0xFFFFFE00];
	_ =	sdelay $0x3  }
0x79: {  	s18 =	spop (v2sf)  }
0x7a: {  	[tilespmem:s18+$0x8000] =	vst.add.f32.msk $0xffff, v2  }
0x7b: {  	v2 =	vld [tilespmem:s16+$0xFFFFFE10];
	_ =	sdelay $0x4  }
0x7c: {  	[tilespmem:s18+$0x8010] =	vst.add.f32.msk $0xffff, v2  }
0x7d: {  	v2 =	vld [tilespmem:s16+$0xFFFFFE20];
	_ =	sdelay $0x4  }
0x7e: {  	[tilespmem:s18+$0x8020] =	vst.add.f32.msk $0xffff, v2  }
0x7f: {  	v2 =	vld [tilespmem:s16+$0xFFFFFE30];
	_ =	sdelay $0x4  }
0x80: {  	[tilespmem:s18+$0x8030] =	vst.add.f32.msk $0xffff, v2  }
0x81: {  	v2 =	vld [tilespmem:s16+$0xFFFFFE40];
	_ =	sdelay $0x4  }
0x82: {  	[tilespmem:s18+$0x8040] =	vst.add.f32.msk $0xffff, v2  }
0x83: {  	v2 =	vld [tilespmem:s16+$0xFFFFFE50];
	_ =	sdelay $0x4  }
0x84: {  	[tilespmem:s18+$0x8050] =	vst.add.f32.msk $0xffff, v2  }
0x85: {  	v2 =	vld [tilespmem:s16+$0xFFFFFE60]  }
0x86: {  	(v2sf) =	vpush v5, $0x5;
	_ =	sdelay $0x3  }
0x87: {  	[tilespmem:s18+$0x8060] =	vst.add.f32.msk $0xffff, v2  }
0x88: {  	v2 =	vld [tilespmem:s16+$0xFFFFFE70];
	_ =	sdelay $0x4  }
0x89: {  	[tilespmem:s18+$0x8070] =	vst.add.f32.msk $0xffff, v2  }
0x8a: {  	v4 =	vld [tilespmem:s16+$0xFFFFFE80];
	_ =	sdelay $0x1  }
0x8b: {  	v2 =	vsub.s32 v3, v0  }
0x8c: {  	v2 =	vmin.u32 v2, $0x200  }
0x8d: {  	s19 =	spop (v2sf);
	v2 =	vshll.u32 v2, $0x7  }
0x8e: {  	(v2sf) =	vpush v2, $0x0;
	[tilespmem:s19+$0x8000] =	vst.add.f32.msk $0xffff, v4  }
0x8f: {  	v3 =	vld [tilespmem:s16+$0xFFFFFE90];
	_ =	sdelay $0x4  }
0x90: {  	[tilespmem:s19+$0x8010] =	vst.add.f32.msk $0xffff, v3  }
0x91: {  	v3 =	vld [tilespmem:s16+$0xFFFFFEA0];
	_ =	sdelay $0x2  }
0x92: {  	s14 =	simm.s32 $0xC00  }
0x93: {  	v4 =	vld [tilespmem:s14+$0xFFFFFC00]  }
0x94: {  	[tilespmem:s19+$0x8020] =	vst.add.f32.msk $0xffff, v3  }
0x95: {  	v3 =	vld [tilespmem:s16+$0xFFFFFEB0];
	_ =	sdelay $0x1  }
0x96: {  	s17 =	spop (v2sf)  }
0x97: {  	[tilespmem:s17+$0x8000] =	vst.add.f32.msk $0xffff, v4  }
0x98: {  	v4 =	vld [tilespmem:s14+$0xFFFFFC10]  }
0x99: {  	[tilespmem:s19+$0x8030] =	vst.add.f32.msk $0xffff, v3  }
0x9a: {  	v3 =	vld [tilespmem:s16+$0xFFFFFEC0];
	_ =	sdelay $0x2  }
0x9b: {  	[tilespmem:s17+$0x8010] =	vst.add.f32.msk $0xffff, v4  }
0x9c: {  	v4 =	vld [tilespmem:s14+$0xFFFFFC20]  }
0x9d: {  	[tilespmem:s19+$0x8040] =	vst.add.f32.msk $0xffff, v3  }
0x9e: {  	v3 =	vld [tilespmem:s16+$0xFFFFFED0];
	_ =	sdelay $0x2  }
0x9f: {  	[tilespmem:s17+$0x8020] =	vst.add.f32.msk $0xffff, v4  }
0xa0: {  	v4 =	vld [tilespmem:s14+$0xFFFFFC30]  }
0xa1: {  	[tilespmem:s19+$0x8050] =	vst.add.f32.msk $0xffff, v3  }
0xa2: {  	v3 =	vld [tilespmem:s16+$0xFFFFFEE0]  }
0xa3: {  	(v2sf) =	vpush v5, $0x6;
	_ =	sdelay $0x1  }
0xa4: {  	[tilespmem:s17+$0x8030] =	vst.add.f32.msk $0xffff, v4  }
0xa5: {  	v4 =	vld [tilespmem:s14+$0xFFFFFC40]  }
0xa6: {  	[tilespmem:s19+$0x8060] =	vst.add.f32.msk $0xffff, v3  }
0xa7: {  	v3 =	vld [tilespmem:s16+$0xFFFFFEF0];
	_ =	sdelay $0x2  }
0xa8: {  	[tilespmem:s17+$0x8040] =	vst.add.f32.msk $0xffff, v4  }
0xa9: {  	v4 =	vld [tilespmem:s14+$0xFFFFFC50]  }
0xaa: {  	[tilespmem:s19+$0x8070] =	vst.add.f32.msk $0xffff, v3  }
0xab: {  	v3 =	vld [tilespmem:s16+$0xFFFFFF00];
	_ =	sdelay $0x2  }
0xac: {  	[tilespmem:s17+$0x8050] =	vst.add.f32.msk $0xffff, v4  }
0xad: {  	s20 =	spop (v2sf);
	v4 =	vld [tilespmem:s14+$0xFFFFFC60]  }
0xae: {  	(v2sf) =	vpush v2, $0x1;
	[tilespmem:s20+$0x8000] =	vst.add.f32.msk $0xffff, v3  }
0xaf: {  	v3 =	vld [tilespmem:s16+$0xFFFFFF10];
	_ =	sdelay $0x2  }
0xb0: {  	[tilespmem:s17+$0x8060] =	vst.add.f32.msk $0xffff, v4  }
0xb1: {  	v4 =	vld [tilespmem:s14+$0xFFFFFC70]  }
0xb2: {  	[tilespmem:s20+$0x8010] =	vst.add.f32.msk $0xffff, v3  }
0xb3: {  	v3 =	vld [tilespmem:s16+$0xFFFFFF20];
	_ =	sdelay $0x2  }
0xb4: {  	[tilespmem:s17+$0x8070] =	vst.add.f32.msk $0xffff, v4  }
0xb5: {  	v4 =	vld [tilespmem:s14+$0xFFFFFC80]  }
0xb6: {  	[tilespmem:s20+$0x8020] =	vst.add.f32.msk $0xffff, v3  }
0xb7: {  	v3 =	vld [tilespmem:s16+$0xFFFFFF30];
	_ =	sdelay $0x1  }
0xb8: {  	s21 =	spop (v2sf)  }
0xb9: {  	[tilespmem:s21+$0x8000] =	vst.add.f32.msk $0xffff, v4  }
0xba: {  	v4 =	vld [tilespmem:s14+$0xFFFFFC90]  }
0xbb: {  	[tilespmem:s20+$0x8030] =	vst.add.f32.msk $0xffff, v3  }
0xbc: {  	v3 =	vld [tilespmem:s16+$0xFFFFFF40];
	_ =	sdelay $0x2  }
0xbd: {  	[tilespmem:s21+$0x8010] =	vst.add.f32.msk $0xffff, v4  }
0xbe: {  	v4 =	vld [tilespmem:s14+$0xFFFFFCA0]  }
0xbf: {  	[tilespmem:s20+$0x8040] =	vst.add.f32.msk $0xffff, v3  }
0xc0: {  	v3 =	vld [tilespmem:s16+$0xFFFFFF50];
	_ =	sdelay $0x2  }
0xc1: {  	[tilespmem:s21+$0x8020] =	vst.add.f32.msk $0xffff, v4  }
0xc2: {  	v4 =	vld [tilespmem:s14+$0xFFFFFCB0]  }
0xc3: {  	[tilespmem:s20+$0x8050] =	vst.add.f32.msk $0xffff, v3  }
0xc4: {  	v3 =	vld [tilespmem:s16+$0xFFFFFF60]  }
0xc5: {  	(v2sf) =	vpush v5, $0x7;
	_ =	sdelay $0x1  }
0xc6: {  	[tilespmem:s21+$0x8030] =	vst.add.f32.msk $0xffff, v4  }
0xc7: {  	v4 =	vld [tilespmem:s14+$0xFFFFFCC0]  }
0xc8: {  	[tilespmem:s20+$0x8060] =	vst.add.f32.msk $0xffff, v3  }
0xc9: {  	v3 =	vld [tilespmem:s16+$0xFFFFFF70];
	_ =	sdelay $0x2  }
0xca: {  	[tilespmem:s21+$0x8040] =	vst.add.f32.msk $0xffff, v4  }
0xcb: {  	v4 =	vld [tilespmem:s14+$0xFFFFFCD0]  }
0xcc: {  	[tilespmem:s20+$0x8070] =	vst.add.f32.msk $0xffff, v3  }
0xcd: {  	v3 =	vld [tilespmem:s16+$0xFFFFFF80];
	_ =	sdelay $0x2  }
0xce: {  	[tilespmem:s21+$0x8050] =	vst.add.f32.msk $0xffff, v4  }
0xcf: {  	s22 =	spop (v2sf);
	v4 =	vld [tilespmem:s14+$0xFFFFFCE0]  }
0xd0: {  	(v2sf) =	vpush v2, $0x2;
	[tilespmem:s22+$0x8000] =	vst.add.f32.msk $0xffff, v3  }
0xd1: {  	v3 =	vld [tilespmem:s16+$0xFFFFFF90];
	_ =	sdelay $0x2  }
0xd2: {  	[tilespmem:s21+$0x8060] =	vst.add.f32.msk $0xffff, v4  }
0xd3: {  	v4 =	vld [tilespmem:s14+$0xFFFFFCF0]  }
0xd4: {  	[tilespmem:s22+$0x8010] =	vst.add.f32.msk $0xffff, v3  }
0xd5: {  	v3 =	vld [tilespmem:s16+$0xFFFFFFA0];
	_ =	sdelay $0x2  }
0xd6: {  	[tilespmem:s21+$0x8070] =	vst.add.f32.msk $0xffff, v4  }
0xd7: {  	v4 =	vld [tilespmem:s14+$0xFFFFFD00]  }
0xd8: {  	[tilespmem:s22+$0x8020] =	vst.add.f32.msk $0xffff, v3  }
0xd9: {  	v3 =	vld [tilespmem:s16+$0xFFFFFFB0];
	_ =	sdelay $0x1  }
0xda: {  	s23 =	spop (v2sf)  }
0xdb: {  	[tilespmem:s23+$0x8000] =	vst.add.f32.msk $0xffff, v4  }
0xdc: {  	v4 =	vld [tilespmem:s14+$0xFFFFFD10]  }
0xdd: {  	[tilespmem:s22+$0x8030] =	vst.add.f32.msk $0xffff, v3  }
0xde: {  	v3 =	vld [tilespmem:s16+$0xFFFFFFC0];
	_ =	sdelay $0x2  }
0xdf: {  	[tilespmem:s23+$0x8010] =	vst.add.f32.msk $0xffff, v4  }
0xe0: {  	v4 =	vld [tilespmem:s14+$0xFFFFFD20]  }
0xe1: {  	[tilespmem:s22+$0x8040] =	vst.add.f32.msk $0xffff, v3  }
0xe2: {  	v3 =	vld [tilespmem:s16+$0xFFFFFFD0];
	_ =	sdelay $0x2  }
0xe3: {  	[tilespmem:s23+$0x8020] =	vst.add.f32.msk $0xffff, v4  }
0xe4: {  	v4 =	vld [tilespmem:s14+$0xFFFFFD30]  }
0xe5: {  	[tilespmem:s22+$0x8050] =	vst.add.f32.msk $0xffff, v3  }
0xe6: {  	v3 =	vld [tilespmem:s16+$0xFFFFFFE0]  }
0xe7: {  	(v2sf) =	vpush v5, $0x8;
	_ =	sdelay $0x1  }
0xe8: {  	[tilespmem:s23+$0x8030] =	vst.add.f32.msk $0xffff, v4  }
0xe9: {  	v4 =	vld [tilespmem:s14+$0xFFFFFD40]  }
0xea: {  	[tilespmem:s22+$0x8060] =	vst.add.f32.msk $0xffff, v3  }
0xeb: {  	v3 =	vld [tilespmem:s16+$0xFFFFFFF0];
	_ =	sdelay $0x2  }
0xec: {  	[tilespmem:s23+$0x8040] =	vst.add.f32.msk $0xffff, v4  }
0xed: {  	v4 =	vld [tilespmem:s14+$0xFFFFFD50]  }
0xee: {  	[tilespmem:s22+$0x8070] =	vst.add.f32.msk $0xffff, v3  }
0xef: {  	v3 =	vld [tilespmem:s16+$0x0];
	_ =	sdelay $0x2  }
0xf0: {  	[tilespmem:s23+$0x8050] =	vst.add.f32.msk $0xffff, v4  }
0xf1: {  	s24 =	spop (v2sf);
	v4 =	vld [tilespmem:s14+$0xFFFFFD60]  }
0xf2: {  	(v2sf) =	vpush v2, $0x3;
	[tilespmem:s24+$0x8000] =	vst.add.f32.msk $0xffff, v3  }
0xf3: {  	v3 =	vld [tilespmem:s16+$0x10];
	_ =	sdelay $0x2  }
0xf4: {  	[tilespmem:s23+$0x8060] =	vst.add.f32.msk $0xffff, v4  }
0xf5: {  	v4 =	vld [tilespmem:s14+$0xFFFFFD70]  }
0xf6: {  	[tilespmem:s24+$0x8010] =	vst.add.f32.msk $0xffff, v3  }
0xf7: {  	v3 =	vld [tilespmem:s16+$0x20];
	_ =	sdelay $0x2  }
0xf8: {  	[tilespmem:s23+$0x8070] =	vst.add.f32.msk $0xffff, v4  }
0xf9: {  	v4 =	vld [tilespmem:s14+$0xFFFFFD80]  }
0xfa: {  	[tilespmem:s24+$0x8020] =	vst.add.f32.msk $0xffff, v3  }
0xfb: {  	v3 =	vld [tilespmem:s16+$0x30];
	_ =	sdelay $0x1  }
0xfc: {  	s25 =	spop (v2sf)  }
0xfd: {  	[tilespmem:s25+$0x8000] =	vst.add.f32.msk $0xffff, v4  }
0xfe: {  	v4 =	vld [tilespmem:s14+$0xFFFFFD90]  }
0xff: {  	[tilespmem:s24+$0x8030] =	vst.add.f32.msk $0xffff, v3  }
0x100: {  	v3 =	vld [tilespmem:s16+$0x40];
	_ =	sdelay $0x2  }
0x101: {  	[tilespmem:s25+$0x8010] =	vst.add.f32.msk $0xffff, v4  }
0x102: {  	v4 =	vld [tilespmem:s14+$0xFFFFFDA0]  }
0x103: {  	[tilespmem:s24+$0x8040] =	vst.add.f32.msk $0xffff, v3  }
0x104: {  	v3 =	vld [tilespmem:s16+$0x50];
	_ =	sdelay $0x2  }
0x105: {  	[tilespmem:s25+$0x8020] =	vst.add.f32.msk $0xffff, v4  }
0x106: {  	v4 =	vld [tilespmem:s14+$0xFFFFFDB0]  }
0x107: {  	[tilespmem:s24+$0x8050] =	vst.add.f32.msk $0xffff, v3  }
0x108: {  	v3 =	vld [tilespmem:s16+$0x60]  }
0x109: {  	(v2sf) =	vpush v5, $0x9;
	_ =	sdelay $0x1  }
0x10a: {  	[tilespmem:s25+$0x8030] =	vst.add.f32.msk $0xffff, v4  }
0x10b: {  	v4 =	vld [tilespmem:s14+$0xFFFFFDC0]  }
0x10c: {  	[tilespmem:s24+$0x8060] =	vst.add.f32.msk $0xffff, v3  }
0x10d: {  	v3 =	vld [tilespmem:s16+$0x70];
	_ =	sdelay $0x2  }
0x10e: {  	[tilespmem:s25+$0x8040] =	vst.add.f32.msk $0xffff, v4  }
0x10f: {  	v4 =	vld [tilespmem:s14+$0xFFFFFDD0]  }
0x110: {  	[tilespmem:s24+$0x8070] =	vst.add.f32.msk $0xffff, v3  }
0x111: {  	v3 =	vld [tilespmem:s16+$0x80];
	_ =	sdelay $0x2  }
0x112: {  	[tilespmem:s25+$0x8050] =	vst.add.f32.msk $0xffff, v4  }
0x113: {  	s26 =	spop (v2sf);
	v4 =	vld [tilespmem:s14+$0xFFFFFDE0]  }
0x114: {  	(v2sf) =	vpush v2, $0x4;
	[tilespmem:s26+$0x8000] =	vst.add.f32.msk $0xffff, v3  }
0x115: {  	v3 =	vld [tilespmem:s16+$0x90];
	_ =	sdelay $0x2  }
0x116: {  	[tilespmem:s25+$0x8060] =	vst.add.f32.msk $0xffff, v4  }
0x117: {  	v4 =	vld [tilespmem:s14+$0xFFFFFDF0]  }
0x118: {  	[tilespmem:s26+$0x8010] =	vst.add.f32.msk $0xffff, v3  }
0x119: {  	v3 =	vld [tilespmem:s16+$0xA0];
	_ =	sdelay $0x2  }
0x11a: {  	[tilespmem:s25+$0x8070] =	vst.add.f32.msk $0xffff, v4  }
0x11b: {  	v4 =	vld [tilespmem:s14+$0xFFFFFE00]  }
0x11c: {  	[tilespmem:s26+$0x8020] =	vst.add.f32.msk $0xffff, v3  }
0x11d: {  	v3 =	vld [tilespmem:s16+$0xB0];
	_ =	sdelay $0x1  }
0x11e: {  	s28 =	spop (v2sf)  }
0x11f: {  	[tilespmem:s28+$0x8000] =	vst.add.f32.msk $0xffff, v4  }
0x120: {  	v4 =	vld [tilespmem:s14+$0xFFFFFE10]  }
0x121: {  	[tilespmem:s26+$0x8030] =	vst.add.f32.msk $0xffff, v3  }
0x122: {  	v3 =	vld [tilespmem:s16+$0xC0];
	_ =	sdelay $0x2  }
0x123: {  	[tilespmem:s28+$0x8010] =	vst.add.f32.msk $0xffff, v4  }
0x124: {  	v4 =	vld [tilespmem:s14+$0xFFFFFE20]  }
0x125: {  	[tilespmem:s26+$0x8040] =	vst.add.f32.msk $0xffff, v3  }
0x126: {  	v3 =	vld [tilespmem:s16+$0xD0];
	_ =	sdelay $0x2  }
0x127: {  	[tilespmem:s28+$0x8020] =	vst.add.f32.msk $0xffff, v4  }
0x128: {  	v4 =	vld [tilespmem:s14+$0xFFFFFE30]  }
0x129: {  	[tilespmem:s26+$0x8050] =	vst.add.f32.msk $0xffff, v3  }
0x12a: {  	v3 =	vld [tilespmem:s16+$0xE0]  }
0x12b: {  	(v2sf) =	vpush v5, $0xA;
	_ =	sdelay $0x1  }
0x12c: {  	[tilespmem:s28+$0x8030] =	vst.add.f32.msk $0xffff, v4  }
0x12d: {  	v4 =	vld [tilespmem:s14+$0xFFFFFE40]  }
0x12e: {  	[tilespmem:s26+$0x8060] =	vst.add.f32.msk $0xffff, v3  }
0x12f: {  	v3 =	vld [tilespmem:s16+$0xF0];
	_ =	sdelay $0x2  }
0x130: {  	[tilespmem:s28+$0x8040] =	vst.add.f32.msk $0xffff, v4  }
0x131: {  	v4 =	vld [tilespmem:s14+$0xFFFFFE50]  }
0x132: {  	[tilespmem:s26+$0x8070] =	vst.add.f32.msk $0xffff, v3  }
0x133: {  	v3 =	vld [tilespmem:s16+$0x100];
	_ =	sdelay $0x2  }
0x134: {  	[tilespmem:s28+$0x8050] =	vst.add.f32.msk $0xffff, v4  }
0x135: {  	s18 =	spop (v2sf);
	v4 =	vld [tilespmem:s14+$0xFFFFFE60]  }
0x136: {  	(v2sf) =	vpush v2, $0x5;
	[tilespmem:s18+$0x8000] =	vst.add.f32.msk $0xffff, v3  }
0x137: {  	v3 =	vld [tilespmem:s16+$0x110];
	_ =	sdelay $0x2  }
0x138: {  	[tilespmem:s28+$0x8060] =	vst.add.f32.msk $0xffff, v4  }
0x139: {  	v4 =	vld [tilespmem:s14+$0xFFFFFE70]  }
0x13a: {  	[tilespmem:s18+$0x8010] =	vst.add.f32.msk $0xffff, v3  }
0x13b: {  	s29 =	simm.s32 $0x20;
	v3 =	vld [tilespmem:s16+$0x120]  }
0x13c: {  	v6 =	vld [tilespmem:s29+$0x18400];
	_ =	sdelay $0x1  }
0x13d: {  	[tilespmem:s28+$0x8070] =	vst.add.f32.msk $0xffff, v4  }
0x13e: {  	v4 =	vld [tilespmem:s14+$0xFFFFFE80]  }
0x13f: {  	[tilespmem:s18+$0x8020] =	vst.add.f32.msk $0xffff, v3  }
0x140: {  	v3 =	vsub.s32 v6, v0;
	v7 =	vld [tilespmem:s16+$0x130]  }
0x141: {  	v3 =	vmin.u32 v3, $0x200  }
0x142: {  	s30 =	spop (v2sf);
	v3 =	vshll.u32 v3, $0x7  }
0x143: {  	[tilespmem:s30+$0x8000] =	vst.add.f32.msk $0xffff, v4;
	(v2sf) =	vpush v3, $0x0  }
0x144: {  	v4 =	vld [tilespmem:s14+$0xFFFFFE90]  }
0x145: {  	[tilespmem:s18+$0x8030] =	vst.add.f32.msk $0xffff, v7  }
0x146: {  	v6 =	vld [tilespmem:s16+$0x140];
	_ =	sdelay $0x2  }
0x147: {  	[tilespmem:s30+$0x8010] =	vst.add.f32.msk $0xffff, v4  }
0x148: {  	v7 =	vld [tilespmem:s14+$0xFFFFFEA0]  }
0x149: {  	[tilespmem:s18+$0x8040] =	vst.add.f32.msk $0xffff, v6  }
0x14a: {  	s15 =	simm.s32 $0x1400;
	v6 =	vld [tilespmem:s16+$0x150]  }
0x14b: {  	v8 =	vld [tilespmem:s15+$0xFFFFFC00];
	s19 =	simm.s32 $0x30  }
0x14c: {  	v4 =	vld [tilespmem:s19+$0x18400]  }
0x14d: {  	[tilespmem:s30+$0x8020] =	vst.add.f32.msk $0xffff, v7  }
0x14e: {  	v7 =	vld [tilespmem:s14+$0xFFFFFEB0]  }
0x14f: {  	[tilespmem:s18+$0x8050] =	vst.add.f32.msk $0xffff, v6  }
0x150: {  	s31 =	spop (v2sf);
	v6 =	vld [tilespmem:s16+$0x160]  }
0x151: {  	(v2sf) =	vpush v5, $0xB;
	[tilespmem:s31+$0x8000] =	vst.add.f32.msk $0xffff, v8  }
0x152: {  	v8 =	vld [tilespmem:s15+$0xFFFFFC10]  }
0x153: {  	[tilespmem:s30+$0x8030] =	vst.add.f32.msk $0xffff, v7  }
0x154: {  	v7 =	vld [tilespmem:s14+$0xFFFFFEC0]  }
0x155: {  	[tilespmem:s18+$0x8060] =	vst.add.f32.msk $0xffff, v6  }
0x156: {  	v6 =	vld [tilespmem:s16+$0x170]  }
0x157: {  	[tilespmem:s31+$0x8010] =	vst.add.f32.msk $0xffff, v8  }
0x158: {  	v8 =	vld [tilespmem:s15+$0xFFFFFC20]  }
0x159: {  	[tilespmem:s30+$0x8040] =	vst.add.f32.msk $0xffff, v7  }
0x15a: {  	v7 =	vld [tilespmem:s14+$0xFFFFFED0]  }
0x15b: {  	[tilespmem:s18+$0x8070] =	vst.add.f32.msk $0xffff, v6  }
0x15c: {  	v6 =	vld [tilespmem:s16+$0x180]  }
0x15d: {  	[tilespmem:s31+$0x8020] =	vst.add.f32.msk $0xffff, v8  }
0x15e: {  	v8 =	vld [tilespmem:s15+$0xFFFFFC30]  }
0x15f: {  	[tilespmem:s30+$0x8050] =	vst.add.f32.msk $0xffff, v7  }
0x160: {  	v7 =	vld [tilespmem:s14+$0xFFFFFEE0];
	s20 =	spop (v2sf)  }
0x161: {  	(v2sf) =	vpush v2, $0x6;
	[tilespmem:s20+$0x8000] =	vst.add.f32.msk $0xffff, v6  }
0x162: {  	v6 =	vld [tilespmem:s16+$0x190]  }
0x163: {  	[tilespmem:s31+$0x8030] =	vst.add.f32.msk $0xffff, v8  }
0x164: {  	v8 =	vld [tilespmem:s15+$0xFFFFFC40]  }
0x165: {  	[tilespmem:s30+$0x8060] =	vst.add.f32.msk $0xffff, v7  }
0x166: {  	v7 =	vld [tilespmem:s14+$0xFFFFFEF0]  }
0x167: {  	[tilespmem:s20+$0x8010] =	vst.add.f32.msk $0xffff, v6  }
0x168: {  	v6 =	vld [tilespmem:s16+$0x1A0]  }
0x169: {  	[tilespmem:s31+$0x8040] =	vst.add.f32.msk $0xffff, v8  }
0x16a: {  	v8 =	vld [tilespmem:s15+$0xFFFFFC50]  }
0x16b: {  	[tilespmem:s30+$0x8070] =	vst.add.f32.msk $0xffff, v7  }
0x16c: {  	v7 =	vld [tilespmem:s14+$0xFFFFFF00]  }
0x16d: {  	[tilespmem:s20+$0x8020] =	vst.add.f32.msk $0xffff, v6  }
0x16e: {  	v6 =	vld [tilespmem:s16+$0x1B0]  }
0x16f: {  	[tilespmem:s31+$0x8050] =	vst.add.f32.msk $0xffff, v8  }
0x170: {  	s21 =	spop (v2sf);
	v8 =	vld [tilespmem:s15+$0xFFFFFC60]  }
0x171: {  	(v2sf) =	vpush v3, $0x1;
	[tilespmem:s21+$0x8000] =	vst.add.f32.msk $0xffff, v7  }
0x172: {  	v7 =	vld [tilespmem:s14+$0xFFFFFF10]  }
0x173: {  	[tilespmem:s20+$0x8030] =	vst.add.f32.msk $0xffff, v6  }
0x174: {  	v6 =	vld [tilespmem:s16+$0x1C0]  }
0x175: {  	[tilespmem:s31+$0x8060] =	vst.add.f32.msk $0xffff, v8  }
0x176: {  	v8 =	vld [tilespmem:s15+$0xFFFFFC70]  }
0x177: {  	[tilespmem:s21+$0x8010] =	vst.add.f32.msk $0xffff, v7  }
0x178: {  	v7 =	vld [tilespmem:s14+$0xFFFFFF20]  }
0x179: {  	[tilespmem:s20+$0x8040] =	vst.add.f32.msk $0xffff, v6  }
0x17a: {  	v6 =	vld [tilespmem:s16+$0x1D0]  }
0x17b: {  	[tilespmem:s31+$0x8070] =	vst.add.f32.msk $0xffff, v8  }
0x17c: {  	v8 =	vld [tilespmem:s15+$0xFFFFFC80]  }
0x17d: {  	[tilespmem:s21+$0x8020] =	vst.add.f32.msk $0xffff, v7  }
0x17e: {  	v7 =	vld [tilespmem:s14+$0xFFFFFF30]  }
0x17f: {  	[tilespmem:s20+$0x8050] =	vst.add.f32.msk $0xffff, v6  }
0x180: {  	s22 =	spop (v2sf);
	v6 =	vld [tilespmem:s16+$0x1E0]  }
0x181: {  	(v2sf) =	vpush v5, $0xC;
	[tilespmem:s22+$0x8000] =	vst.add.f32.msk $0xffff, v8  }
0x182: {  	v8 =	vld [tilespmem:s15+$0xFFFFFC90]  }
0x183: {  	[tilespmem:s21+$0x8030] =	vst.add.f32.msk $0xffff, v7  }
0x184: {  	v7 =	vld [tilespmem:s14+$0xFFFFFF40]  }
0x185: {  	[tilespmem:s20+$0x8060] =	vst.add.f32.msk $0xffff, v6  }
0x186: {  	v6 =	vld [tilespmem:s16+$0x1F0]  }
0x187: {  	[tilespmem:s22+$0x8010] =	vst.add.f32.msk $0xffff, v8  }
0x188: {  	v8 =	vld [tilespmem:s15+$0xFFFFFCA0]  }
0x189: {  	[tilespmem:s21+$0x8040] =	vst.add.f32.msk $0xffff, v7  }
0x18a: {  	v7 =	vld [tilespmem:s14+$0xFFFFFF50]  }
0x18b: {  	[tilespmem:s20+$0x8070] =	vst.add.f32.msk $0xffff, v6  }
0x18c: {  	v6 =	vld [tilespmem:s16+$0x200]  }
0x18d: {  	[tilespmem:s22+$0x8020] =	vst.add.f32.msk $0xffff, v8  }
0x18e: {  	v8 =	vld [tilespmem:s15+$0xFFFFFCB0]  }
0x18f: {  	[tilespmem:s21+$0x8050] =	vst.add.f32.msk $0xffff, v7  }
0x190: {  	s23 =	spop (v2sf);
	v7 =	vld [tilespmem:s14+$0xFFFFFF60]  }
0x191: {  	(v2sf) =	vpush v2, $0x7;
	[tilespmem:s23+$0x8000] =	vst.add.f32.msk $0xffff, v6  }
0x192: {  	v6 =	vld [tilespmem:s16+$0x210]  }
0x193: {  	[tilespmem:s22+$0x8030] =	vst.add.f32.msk $0xffff, v8  }
0x194: {  	v8 =	vld [tilespmem:s15+$0xFFFFFCC0]  }
0x195: {  	[tilespmem:s21+$0x8060] =	vst.add.f32.msk $0xffff, v7  }
0x196: {  	v7 =	vld [tilespmem:s14+$0xFFFFFF70]  }
0x197: {  	[tilespmem:s23+$0x8010] =	vst.add.f32.msk $0xffff, v6  }
0x198: {  	v6 =	vld [tilespmem:s16+$0x220]  }
0x199: {  	[tilespmem:s22+$0x8040] =	vst.add.f32.msk $0xffff, v8  }
0x19a: {  	v8 =	vld [tilespmem:s15+$0xFFFFFCD0]  }
0x19b: {  	[tilespmem:s21+$0x8070] =	vst.add.f32.msk $0xffff, v7  }
0x19c: {  	v7 =	vld [tilespmem:s14+$0xFFFFFF80]  }
0x19d: {  	[tilespmem:s23+$0x8020] =	vst.add.f32.msk $0xffff, v6  }
0x19e: {  	v6 =	vld [tilespmem:s16+$0x230]  }
0x19f: {  	[tilespmem:s22+$0x8050] =	vst.add.f32.msk $0xffff, v8  }
0x1a0: {  	s24 =	spop (v2sf);
	v8 =	vld [tilespmem:s15+$0xFFFFFCE0]  }
0x1a1: {  	(v2sf) =	vpush v3, $0x2;
	[tilespmem:s24+$0x8000] =	vst.add.f32.msk $0xffff, v7  }
0x1a2: {  	v7 =	vld [tilespmem:s14+$0xFFFFFF90]  }
0x1a3: {  	[tilespmem:s23+$0x8030] =	vst.add.f32.msk $0xffff, v6  }
0x1a4: {  	v6 =	vld [tilespmem:s16+$0x240]  }
0x1a5: {  	[tilespmem:s22+$0x8060] =	vst.add.f32.msk $0xffff, v8  }
0x1a6: {  	v8 =	vld [tilespmem:s15+$0xFFFFFCF0]  }
0x1a7: {  	[tilespmem:s24+$0x8010] =	vst.add.f32.msk $0xffff, v7  }
0x1a8: {  	v7 =	vld [tilespmem:s14+$0xFFFFFFA0]  }
0x1a9: {  	[tilespmem:s23+$0x8040] =	vst.add.f32.msk $0xffff, v6  }
0x1aa: {  	v6 =	vld [tilespmem:s16+$0x250]  }
0x1ab: {  	[tilespmem:s22+$0x8070] =	vst.add.f32.msk $0xffff, v8  }
0x1ac: {  	v8 =	vld [tilespmem:s15+$0xFFFFFD00]  }
0x1ad: {  	[tilespmem:s24+$0x8020] =	vst.add.f32.msk $0xffff, v7  }
0x1ae: {  	v7 =	vld [tilespmem:s14+$0xFFFFFFB0]  }
0x1af: {  	[tilespmem:s23+$0x8050] =	vst.add.f32.msk $0xffff, v6  }
0x1b0: {  	s25 =	spop (v2sf);
	v6 =	vld [tilespmem:s16+$0x260]  }
0x1b1: {  	(v2sf) =	vpush v5, $0xD;
	[tilespmem:s25+$0x8000] =	vst.add.f32.msk $0xffff, v8  }
0x1b2: {  	v8 =	vld [tilespmem:s15+$0xFFFFFD10]  }
0x1b3: {  	[tilespmem:s24+$0x8030] =	vst.add.f32.msk $0xffff, v7  }
0x1b4: {  	v7 =	vld [tilespmem:s14+$0xFFFFFFC0]  }
0x1b5: {  	[tilespmem:s23+$0x8060] =	vst.add.f32.msk $0xffff, v6  }
0x1b6: {  	v6 =	vld [tilespmem:s16+$0x270]  }
0x1b7: {  	[tilespmem:s25+$0x8010] =	vst.add.f32.msk $0xffff, v8  }
0x1b8: {  	v8 =	vld [tilespmem:s15+$0xFFFFFD20]  }
0x1b9: {  	[tilespmem:s24+$0x8040] =	vst.add.f32.msk $0xffff, v7  }
0x1ba: {  	v7 =	vld [tilespmem:s14+$0xFFFFFFD0]  }
0x1bb: {  	[tilespmem:s23+$0x8070] =	vst.add.f32.msk $0xffff, v6  }
0x1bc: {  	v6 =	vld [tilespmem:s16+$0x280]  }
0x1bd: {  	[tilespmem:s25+$0x8020] =	vst.add.f32.msk $0xffff, v8  }
0x1be: {  	v8 =	vld [tilespmem:s15+$0xFFFFFD30]  }
0x1bf: {  	[tilespmem:s24+$0x8050] =	vst.add.f32.msk $0xffff, v7  }
0x1c0: {  	s26 =	spop (v2sf);
	v7 =	vld [tilespmem:s14+$0xFFFFFFE0]  }
0x1c1: {  	(v2sf) =	vpush v2, $0x8;
	[tilespmem:s26+$0x8000] =	vst.add.f32.msk $0xffff, v6  }
0x1c2: {  	v6 =	vld [tilespmem:s16+$0x290]  }
0x1c3: {  	[tilespmem:s25+$0x8030] =	vst.add.f32.msk $0xffff, v8  }
0x1c4: {  	v8 =	vld [tilespmem:s15+$0xFFFFFD40]  }
0x1c5: {  	[tilespmem:s24+$0x8060] =	vst.add.f32.msk $0xffff, v7  }
0x1c6: {  	v7 =	vld [tilespmem:s14+$0xFFFFFFF0]  }
0x1c7: {  	[tilespmem:s26+$0x8010] =	vst.add.f32.msk $0xffff, v6  }
0x1c8: {  	v6 =	vld [tilespmem:s16+$0x2A0]  }
0x1c9: {  	[tilespmem:s25+$0x8040] =	vst.add.f32.msk $0xffff, v8  }
0x1ca: {  	v8 =	vld [tilespmem:s15+$0xFFFFFD50]  }
0x1cb: {  	[tilespmem:s24+$0x8070] =	vst.add.f32.msk $0xffff, v7  }
0x1cc: {  	v7 =	vld [tilespmem:s14+$0x0]  }
0x1cd: {  	[tilespmem:s26+$0x8020] =	vst.add.f32.msk $0xffff, v6  }
0x1ce: {  	v6 =	vld [tilespmem:s16+$0x2B0]  }
0x1cf: {  	[tilespmem:s25+$0x8050] =	vst.add.f32.msk $0xffff, v8  }
0x1d0: {  	s28 =	spop (v2sf);
	v8 =	vld [tilespmem:s15+$0xFFFFFD60]  }
0x1d1: {  	(v2sf) =	vpush v3, $0x3;
	[tilespmem:s28+$0x8000] =	vst.add.f32.msk $0xffff, v7  }
0x1d2: {  	v7 =	vld [tilespmem:s14+$0x10]  }
0x1d3: {  	[tilespmem:s26+$0x8030] =	vst.add.f32.msk $0xffff, v6  }
0x1d4: {  	v6 =	vld [tilespmem:s16+$0x2C0]  }
0x1d5: {  	[tilespmem:s25+$0x8060] =	vst.add.f32.msk $0xffff, v8  }
0x1d6: {  	v8 =	vld [tilespmem:s15+$0xFFFFFD70]  }
0x1d7: {  	[tilespmem:s28+$0x8010] =	vst.add.f32.msk $0xffff, v7  }
0x1d8: {  	v7 =	vld [tilespmem:s14+$0x20]  }
0x1d9: {  	[tilespmem:s26+$0x8040] =	vst.add.f32.msk $0xffff, v6  }
0x1da: {  	v6 =	vld [tilespmem:s16+$0x2D0]  }
0x1db: {  	[tilespmem:s25+$0x8070] =	vst.add.f32.msk $0xffff, v8  }
0x1dc: {  	v8 =	vld [tilespmem:s15+$0xFFFFFD80]  }
0x1dd: {  	[tilespmem:s28+$0x8020] =	vst.add.f32.msk $0xffff, v7  }
0x1de: {  	v7 =	vld [tilespmem:s14+$0x30]  }
0x1df: {  	[tilespmem:s26+$0x8050] =	vst.add.f32.msk $0xffff, v6  }
0x1e0: {  	s29 =	spop (v2sf);
	v6 =	vld [tilespmem:s16+$0x2E0]  }
0x1e1: {  	(v2sf) =	vpush v5, $0xE;
	[tilespmem:s29+$0x8000] =	vst.add.f32.msk $0xffff, v8  }
0x1e2: {  	v8 =	vld [tilespmem:s15+$0xFFFFFD90]  }
0x1e3: {  	[tilespmem:s28+$0x8030] =	vst.add.f32.msk $0xffff, v7  }
0x1e4: {  	v7 =	vld [tilespmem:s14+$0x40]  }
0x1e5: {  	[tilespmem:s26+$0x8060] =	vst.add.f32.msk $0xffff, v6  }
0x1e6: {  	v6 =	vld [tilespmem:s16+$0x2F0]  }
0x1e7: {  	[tilespmem:s29+$0x8010] =	vst.add.f32.msk $0xffff, v8  }
0x1e8: {  	v8 =	vld [tilespmem:s15+$0xFFFFFDA0]  }
0x1e9: {  	[tilespmem:s28+$0x8040] =	vst.add.f32.msk $0xffff, v7  }
0x1ea: {  	v7 =	vld [tilespmem:s14+$0x50]  }
0x1eb: {  	[tilespmem:s26+$0x8070] =	vst.add.f32.msk $0xffff, v6  }
0x1ec: {  	v6 =	vld [tilespmem:s16+$0x300]  }
0x1ed: {  	[tilespmem:s29+$0x8020] =	vst.add.f32.msk $0xffff, v8  }
0x1ee: {  	v8 =	vld [tilespmem:s15+$0xFFFFFDB0]  }
0x1ef: {  	[tilespmem:s28+$0x8050] =	vst.add.f32.msk $0xffff, v7  }
0x1f0: {  	s30 =	spop (v2sf);
	v7 =	vld [tilespmem:s14+$0x60]  }
0x1f1: {  	(v2sf) =	vpush v2, $0x9;
	[tilespmem:s30+$0x8000] =	vst.add.f32.msk $0xffff, v6  }
0x1f2: {  	v6 =	vld [tilespmem:s16+$0x310]  }
0x1f3: {  	[tilespmem:s29+$0x8030] =	vst.add.f32.msk $0xffff, v8  }
0x1f4: {  	v8 =	vld [tilespmem:s15+$0xFFFFFDC0]  }
0x1f5: {  	[tilespmem:s28+$0x8060] =	vst.add.f32.msk $0xffff, v7  }
0x1f6: {  	v7 =	vld [tilespmem:s14+$0x70]  }
0x1f7: {  	[tilespmem:s30+$0x8010] =	vst.add.f32.msk $0xffff, v6  }
0x1f8: {  	v6 =	vld [tilespmem:s16+$0x320]  }
0x1f9: {  	[tilespmem:s29+$0x8040] =	vst.add.f32.msk $0xffff, v8  }
0x1fa: {  	v8 =	vld [tilespmem:s15+$0xFFFFFDD0]  }
0x1fb: {  	[tilespmem:s28+$0x8070] =	vst.add.f32.msk $0xffff, v7  }
0x1fc: {  	v7 =	vld [tilespmem:s14+$0x80]  }
0x1fd: {  	[tilespmem:s30+$0x8020] =	vst.add.f32.msk $0xffff, v6  }
0x1fe: {  	v6 =	vld [tilespmem:s16+$0x330]  }
0x1ff: {  	[tilespmem:s29+$0x8050] =	vst.add.f32.msk $0xffff, v8  }
0x200: {  	s31 =	spop (v2sf);
	v8 =	vld [tilespmem:s15+$0xFFFFFDE0]  }
0x201: {  	(v2sf) =	vpush v3, $0x4;
	[tilespmem:s31+$0x8000] =	vst.add.f32.msk $0xffff, v7  }
0x202: {  	v7 =	vld [tilespmem:s14+$0x90]  }
0x203: {  	[tilespmem:s30+$0x8030] =	vst.add.f32.msk $0xffff, v6  }
0x204: {  	v6 =	vld [tilespmem:s16+$0x340]  }
0x205: {  	[tilespmem:s29+$0x8060] =	vst.add.f32.msk $0xffff, v8  }
0x206: {  	v8 =	vld [tilespmem:s15+$0xFFFFFDF0]  }
0x207: {  	[tilespmem:s31+$0x8010] =	vst.add.f32.msk $0xffff, v7  }
0x208: {  	v7 =	vld [tilespmem:s14+$0xA0]  }
0x209: {  	[tilespmem:s30+$0x8040] =	vst.add.f32.msk $0xffff, v6  }
0x20a: {  	v6 =	vld [tilespmem:s16+$0x350]  }
0x20b: {  	[tilespmem:s29+$0x8070] =	vst.add.f32.msk $0xffff, v8  }
0x20c: {  	v8 =	vld [tilespmem:s15+$0xFFFFFE00]  }
0x20d: {  	[tilespmem:s31+$0x8020] =	vst.add.f32.msk $0xffff, v7  }
0x20e: {  	v7 =	vld [tilespmem:s14+$0xB0]  }
0x20f: {  	[tilespmem:s30+$0x8050] =	vst.add.f32.msk $0xffff, v6  }
0x210: {  	s20 =	spop (v2sf);
	v6 =	vld [tilespmem:s16+$0x360]  }
0x211: {  	(v2sf) =	vpush v5, $0xF;
	[tilespmem:s20+$0x8000] =	vst.add.f32.msk $0xffff, v8  }
0x212: {  	v5 =	vld [tilespmem:s15+$0xFFFFFE10]  }
0x213: {  	[tilespmem:s31+$0x8030] =	vst.add.f32.msk $0xffff, v7  }
0x214: {  	v7 =	vld [tilespmem:s14+$0xC0]  }
0x215: {  	[tilespmem:s30+$0x8060] =	vst.add.f32.msk $0xffff, v6  }
0x216: {  	v6 =	vld [tilespmem:s16+$0x370]  }
0x217: {  	[tilespmem:s20+$0x8010] =	vst.add.f32.msk $0xffff, v5  }
0x218: {  	v5 =	vld [tilespmem:s15+$0xFFFFFE20]  }
0x219: {  	[tilespmem:s31+$0x8040] =	vst.add.f32.msk $0xffff, v7  }
0x21a: {  	v7 =	vld [tilespmem:s14+$0xD0]  }
0x21b: {  	[tilespmem:s30+$0x8070] =	vst.add.f32.msk $0xffff, v6  }
0x21c: {  	v6 =	vld [tilespmem:s16+$0x380]  }
0x21d: {  	[tilespmem:s20+$0x8020] =	vst.add.f32.msk $0xffff, v5  }
0x21e: {  	v5 =	vld [tilespmem:s15+$0xFFFFFE30]  }
0x21f: {  	[tilespmem:s31+$0x8050] =	vst.add.f32.msk $0xffff, v7  }
0x220: {  	s19 =	spop (v2sf);
	v7 =	vld [tilespmem:s14+$0xE0]  }
0x221: {  	(v2sf) =	vpush v2, $0xA;
	[tilespmem:s19+$0x8000] =	vst.add.f32.msk $0xffff, v6  }
0x222: {  	v6 =	vld [tilespmem:s16+$0x390]  }
0x223: {  	[tilespmem:s20+$0x8030] =	vst.add.f32.msk $0xffff, v5  }
0x224: {  	v5 =	vld [tilespmem:s15+$0xFFFFFE40]  }
0x225: {  	[tilespmem:s31+$0x8060] =	vst.add.f32.msk $0xffff, v7  }
0x226: {  	v7 =	vld [tilespmem:s14+$0xF0]  }
0x227: {  	[tilespmem:s19+$0x8010] =	vst.add.f32.msk $0xffff, v6  }
0x228: {  	v6 =	vld [tilespmem:s16+$0x3A0]  }
0x229: {  	[tilespmem:s20+$0x8040] =	vst.add.f32.msk $0xffff, v5  }
0x22a: {  	v5 =	vld [tilespmem:s15+$0xFFFFFE50]  }
0x22b: {  	[tilespmem:s31+$0x8070] =	vst.add.f32.msk $0xffff, v7  }
0x22c: {  	v7 =	vld [tilespmem:s14+$0x100]  }
0x22d: {  	[tilespmem:s19+$0x8020] =	vst.add.f32.msk $0xffff, v6  }
0x22e: {  	v6 =	vld [tilespmem:s16+$0x3B0]  }
0x22f: {  	[tilespmem:s20+$0x8050] =	vst.add.f32.msk $0xffff, v5  }
0x230: {  	s18 =	spop (v2sf);
	v5 =	vld [tilespmem:s15+$0xFFFFFE60]  }
0x231: {  	(v2sf) =	vpush v3, $0x5;
	[tilespmem:s18+$0x8000] =	vst.add.f32.msk $0xffff, v7  }
0x232: {  	v7 =	vld [tilespmem:s14+$0x110]  }
0x233: {  	[tilespmem:s19+$0x8030] =	vst.add.f32.msk $0xffff, v6  }
0x234: {  	v8 =	vld [tilespmem:s16+$0x3C0]  }
0x235: {  	[tilespmem:s20+$0x8060] =	vst.add.f32.msk $0xffff, v5  }
0x236: {  	v9 =	vld [tilespmem:s15+$0xFFFFFE70]  }
0x237: {  	[tilespmem:s18+$0x8010] =	vst.add.f32.msk $0xffff, v7  }
0x238: {  	v6 =	vld [tilespmem:s14+$0x120]  }
0x239: {  	[tilespmem:s19+$0x8040] =	vst.add.f32.msk $0xffff, v8  }
0x23a: {  	v5 =	vld [tilespmem:s16+$0x3D0]  }
0x23b: {  	s17 =	simm.s32 $0x100;
	[tilespmem:s20+$0x8070] =	vst.add.f32.msk $0xffff, v9  }
.LBB2_4:
0x23c: {  	p0 =	sne.s32 s17, $0x3C0;
	v7 =	vld [tilespmem:s15+$0xFFFFFE80]  }
0x23d: {  	[tilespmem:s18+$0x8020] =	vst.add.f32.msk $0xffff, v6  }
0x23e: {  	v6 =	vld [tilespmem:s14+$0x130]  }
0x23f: {  	v4 =	vsub.s32 v4, v0;
	[tilespmem:s19+$0x8050] =	vst.add.f32.msk $0xffff, v5  }
0x240: {  	v4 =	vmin.u32 v4, $0x200;
	s20 =	spop (v2sf);
	v8 =	vld [tilespmem:s16+$0x3E0]  }
0x241: {  	v5 =	vshll.u32 v4, $0x7;
	[tilespmem:s20+$0x8000] =	vst.add.f32.msk $0xffff, v7  }
0x242: {  	(v2sf) =	vpush v5, $0x0;
	v4 =	vld [tilespmem:s15+$0xFFFFFE90]  }
0x243: {  	[tilespmem:s18+$0x8030] =	vst.add.f32.msk $0xffff, v6  }
0x244: {  	v6 =	vld [tilespmem:s14+$0x140]  }
0x245: {  	[tilespmem:s19+$0x8060] =	vst.add.f32.msk $0xffff, v8  }
0x246: {  	v7 =	vld [tilespmem:s16+$0x3F0];
	s16 =	smov.u32 s14;
	s14 =	smov.u32 s15  }
0x247: {  	[tilespmem:s20+$0x8010] =	vst.add.f32.msk $0xffff, v4  }
0x248: {  	v8 =	vld [tilespmem:s15+$0xFFFFFEA0]  }
0x249: {  	[tilespmem:s18+$0x8040] =	vst.add.f32.msk $0xffff, v6  }
0x24a: {  	v6 =	vld [tilespmem:s16+$0x150]  }
0x24b: {  	s15 =	sadd.s32 $0x800, s15;
	[tilespmem:s19+$0x8070] =	vst.add.f32.msk $0xffff, v7  }
0x24c: {  	s19 =	sshra.s32 s17, $0x2;
	v7 =	vld [tilespmem:s15+$0xFFFFFC00]  }
0x24d: {  	v4 =	vld [tilespmem:s19+$0x18400]  }
0x24e: {  	[tilespmem:s20+$0x8020] =	vst.add.f32.msk $0xffff, v8  }
0x24f: {  	v8 =	vld [tilespmem:s14+$0xFFFFFEB0]  }
0x250: {  	[tilespmem:s18+$0x8050] =	vst.add.f32.msk $0xffff, v6  }
0x251: {  	s19 =	spop (v2sf);
	v6 =	vld [tilespmem:s16+$0x160]  }
0x252: {  	[tilespmem:s19+$0x8000] =	vst.add.f32.msk $0xffff, v7;
	(v2sf) =	vpush v2, $0xB  }
0x253: {  	v7 =	vld [tilespmem:s15+$0xFFFFFC10]  }
0x254: {  	[tilespmem:s20+$0x8030] =	vst.add.f32.msk $0xffff, v8  }
0x255: {  	v8 =	vld [tilespmem:s14+$0xFFFFFEC0]  }
0x256: {  	[tilespmem:s18+$0x8060] =	vst.add.f32.msk $0xffff, v6  }
0x257: {  	v6 =	vld [tilespmem:s16+$0x170]  }
0x258: {  	[tilespmem:s19+$0x8010] =	vst.add.f32.msk $0xffff, v7  }
0x259: {  	v7 =	vld [tilespmem:s15+$0xFFFFFC20]  }
0x25a: {  	[tilespmem:s20+$0x8040] =	vst.add.f32.msk $0xffff, v8  }
0x25b: {  	v8 =	vld [tilespmem:s14+$0xFFFFFED0]  }
0x25c: {  	[tilespmem:s18+$0x8070] =	vst.add.f32.msk $0xffff, v6  }
0x25d: {  	v6 =	vld [tilespmem:s16+$0x180]  }
0x25e: {  	[tilespmem:s19+$0x8020] =	vst.add.f32.msk $0xffff, v7  }
0x25f: {  	v7 =	vld [tilespmem:s15+$0xFFFFFC30]  }
0x260: {  	[tilespmem:s20+$0x8050] =	vst.add.f32.msk $0xffff, v8  }
0x261: {  	v8 =	vld [tilespmem:s14+$0xFFFFFEE0];
	s21 =	spop (v2sf)  }
0x262: {  	(v2sf) =	vpush v3, $0x6;
	[tilespmem:s21+$0x8000] =	vst.add.f32.msk $0xffff, v6  }
0x263: {  	v6 =	vld [tilespmem:s16+$0x190]  }
0x264: {  	[tilespmem:s19+$0x8030] =	vst.add.f32.msk $0xffff, v7  }
0x265: {  	v7 =	vld [tilespmem:s15+$0xFFFFFC40]  }
0x266: {  	[tilespmem:s20+$0x8060] =	vst.add.f32.msk $0xffff, v8  }
0x267: {  	v8 =	vld [tilespmem:s14+$0xFFFFFEF0]  }
0x268: {  	[tilespmem:s21+$0x8010] =	vst.add.f32.msk $0xffff, v6  }
0x269: {  	v6 =	vld [tilespmem:s16+$0x1A0]  }
0x26a: {  	[tilespmem:s19+$0x8040] =	vst.add.f32.msk $0xffff, v7  }
0x26b: {  	v7 =	vld [tilespmem:s15+$0xFFFFFC50]  }
0x26c: {  	[tilespmem:s20+$0x8070] =	vst.add.f32.msk $0xffff, v8  }
0x26d: {  	v8 =	vld [tilespmem:s14+$0xFFFFFF00]  }
0x26e: {  	[tilespmem:s21+$0x8020] =	vst.add.f32.msk $0xffff, v6  }
0x26f: {  	v6 =	vld [tilespmem:s16+$0x1B0]  }
0x270: {  	[tilespmem:s19+$0x8050] =	vst.add.f32.msk $0xffff, v7  }
0x271: {  	v7 =	vld [tilespmem:s15+$0xFFFFFC60];
	s20 =	spop (v2sf)  }
0x272: {  	(v2sf) =	vpush v5, $0x1;
	[tilespmem:s20+$0x8000] =	vst.add.f32.msk $0xffff, v8  }
0x273: {  	v8 =	vld [tilespmem:s14+$0xFFFFFF10]  }
0x274: {  	[tilespmem:s21+$0x8030] =	vst.add.f32.msk $0xffff, v6  }
0x275: {  	v6 =	vld [tilespmem:s16+$0x1C0]  }
0x276: {  	[tilespmem:s19+$0x8060] =	vst.add.f32.msk $0xffff, v7  }
0x277: {  	v7 =	vld [tilespmem:s15+$0xFFFFFC70]  }
0x278: {  	[tilespmem:s20+$0x8010] =	vst.add.f32.msk $0xffff, v8  }
0x279: {  	v8 =	vld [tilespmem:s14+$0xFFFFFF20]  }
0x27a: {  	[tilespmem:s21+$0x8040] =	vst.add.f32.msk $0xffff, v6  }
0x27b: {  	v6 =	vld [tilespmem:s16+$0x1D0]  }
0x27c: {  	[tilespmem:s19+$0x8070] =	vst.add.f32.msk $0xffff, v7  }
0x27d: {  	v7 =	vld [tilespmem:s15+$0xFFFFFC80]  }
0x27e: {  	[tilespmem:s20+$0x8020] =	vst.add.f32.msk $0xffff, v8  }
0x27f: {  	v8 =	vld [tilespmem:s14+$0xFFFFFF30]  }
0x280: {  	[tilespmem:s21+$0x8050] =	vst.add.f32.msk $0xffff, v6  }
0x281: {  	s18 =	spop (v2sf);
	v6 =	vld [tilespmem:s16+$0x1E0]  }
0x282: {  	[tilespmem:s18+$0x8000] =	vst.add.f32.msk $0xffff, v7;
	(v2sf) =	vpush v2, $0xC  }
0x283: {  	v7 =	vld [tilespmem:s15+$0xFFFFFC90]  }
0x284: {  	[tilespmem:s20+$0x8030] =	vst.add.f32.msk $0xffff, v8  }
0x285: {  	v8 =	vld [tilespmem:s14+$0xFFFFFF40]  }
0x286: {  	[tilespmem:s21+$0x8060] =	vst.add.f32.msk $0xffff, v6  }
0x287: {  	v6 =	vld [tilespmem:s16+$0x1F0]  }
0x288: {  	[tilespmem:s18+$0x8010] =	vst.add.f32.msk $0xffff, v7  }
0x289: {  	v7 =	vld [tilespmem:s15+$0xFFFFFCA0]  }
0x28a: {  	[tilespmem:s20+$0x8040] =	vst.add.f32.msk $0xffff, v8  }
0x28b: {  	v8 =	vld [tilespmem:s14+$0xFFFFFF50]  }
0x28c: {  	[tilespmem:s21+$0x8070] =	vst.add.f32.msk $0xffff, v6  }
0x28d: {  	v6 =	vld [tilespmem:s16+$0x200]  }
0x28e: {  	[tilespmem:s18+$0x8020] =	vst.add.f32.msk $0xffff, v7  }
0x28f: {  	v7 =	vld [tilespmem:s15+$0xFFFFFCB0]  }
0x290: {  	[tilespmem:s20+$0x8050] =	vst.add.f32.msk $0xffff, v8  }
0x291: {  	v8 =	vld [tilespmem:s14+$0xFFFFFF60];
	s21 =	spop (v2sf)  }
0x292: {  	(v2sf) =	vpush v3, $0x7;
	[tilespmem:s21+$0x8000] =	vst.add.f32.msk $0xffff, v6  }
0x293: {  	v6 =	vld [tilespmem:s16+$0x210]  }
0x294: {  	[tilespmem:s18+$0x8030] =	vst.add.f32.msk $0xffff, v7  }
0x295: {  	v7 =	vld [tilespmem:s15+$0xFFFFFCC0]  }
0x296: {  	[tilespmem:s20+$0x8060] =	vst.add.f32.msk $0xffff, v8  }
0x297: {  	v8 =	vld [tilespmem:s14+$0xFFFFFF70]  }
0x298: {  	[tilespmem:s21+$0x8010] =	vst.add.f32.msk $0xffff, v6  }
0x299: {  	v6 =	vld [tilespmem:s16+$0x220]  }
0x29a: {  	[tilespmem:s18+$0x8040] =	vst.add.f32.msk $0xffff, v7  }
0x29b: {  	v7 =	vld [tilespmem:s15+$0xFFFFFCD0]  }
0x29c: {  	[tilespmem:s20+$0x8070] =	vst.add.f32.msk $0xffff, v8  }
0x29d: {  	v8 =	vld [tilespmem:s14+$0xFFFFFF80]  }
0x29e: {  	[tilespmem:s21+$0x8020] =	vst.add.f32.msk $0xffff, v6  }
0x29f: {  	v6 =	vld [tilespmem:s16+$0x230]  }
0x2a0: {  	[tilespmem:s18+$0x8050] =	vst.add.f32.msk $0xffff, v7  }
0x2a1: {  	v7 =	vld [tilespmem:s15+$0xFFFFFCE0];
	s19 =	spop (v2sf)  }
0x2a2: {  	(v2sf) =	vpush v5, $0x2;
	[tilespmem:s19+$0x8000] =	vst.add.f32.msk $0xffff, v8  }
0x2a3: {  	v8 =	vld [tilespmem:s14+$0xFFFFFF90]  }
0x2a4: {  	[tilespmem:s21+$0x8030] =	vst.add.f32.msk $0xffff, v6  }
0x2a5: {  	v6 =	vld [tilespmem:s16+$0x240]  }
0x2a6: {  	[tilespmem:s18+$0x8060] =	vst.add.f32.msk $0xffff, v7  }
0x2a7: {  	v7 =	vld [tilespmem:s15+$0xFFFFFCF0]  }
0x2a8: {  	[tilespmem:s19+$0x8010] =	vst.add.f32.msk $0xffff, v8  }
0x2a9: {  	v8 =	vld [tilespmem:s14+$0xFFFFFFA0]  }
0x2aa: {  	[tilespmem:s21+$0x8040] =	vst.add.f32.msk $0xffff, v6  }
0x2ab: {  	v6 =	vld [tilespmem:s16+$0x250]  }
0x2ac: {  	[tilespmem:s18+$0x8070] =	vst.add.f32.msk $0xffff, v7  }
0x2ad: {  	v7 =	vld [tilespmem:s15+$0xFFFFFD00]  }
0x2ae: {  	[tilespmem:s19+$0x8020] =	vst.add.f32.msk $0xffff, v8  }
0x2af: {  	v8 =	vld [tilespmem:s14+$0xFFFFFFB0]  }
0x2b0: {  	[tilespmem:s21+$0x8050] =	vst.add.f32.msk $0xffff, v6  }
0x2b1: {  	s18 =	spop (v2sf);
	v6 =	vld [tilespmem:s16+$0x260]  }
0x2b2: {  	[tilespmem:s18+$0x8000] =	vst.add.f32.msk $0xffff, v7;
	(v2sf) =	vpush v2, $0xD  }
0x2b3: {  	v7 =	vld [tilespmem:s15+$0xFFFFFD10]  }
0x2b4: {  	[tilespmem:s19+$0x8030] =	vst.add.f32.msk $0xffff, v8  }
0x2b5: {  	v8 =	vld [tilespmem:s14+$0xFFFFFFC0]  }
0x2b6: {  	[tilespmem:s21+$0x8060] =	vst.add.f32.msk $0xffff, v6  }
0x2b7: {  	v6 =	vld [tilespmem:s16+$0x270]  }
0x2b8: {  	[tilespmem:s18+$0x8010] =	vst.add.f32.msk $0xffff, v7  }
0x2b9: {  	v7 =	vld [tilespmem:s15+$0xFFFFFD20]  }
0x2ba: {  	[tilespmem:s19+$0x8040] =	vst.add.f32.msk $0xffff, v8  }
0x2bb: {  	v8 =	vld [tilespmem:s14+$0xFFFFFFD0]  }
0x2bc: {  	[tilespmem:s21+$0x8070] =	vst.add.f32.msk $0xffff, v6  }
0x2bd: {  	v6 =	vld [tilespmem:s16+$0x280]  }
0x2be: {  	[tilespmem:s18+$0x8020] =	vst.add.f32.msk $0xffff, v7  }
0x2bf: {  	v7 =	vld [tilespmem:s15+$0xFFFFFD30]  }
0x2c0: {  	[tilespmem:s19+$0x8050] =	vst.add.f32.msk $0xffff, v8  }
0x2c1: {  	v8 =	vld [tilespmem:s14+$0xFFFFFFE0];
	s22 =	spop (v2sf)  }
0x2c2: {  	(v2sf) =	vpush v3, $0x8;
	[tilespmem:s22+$0x8000] =	vst.add.f32.msk $0xffff, v6  }
0x2c3: {  	v6 =	vld [tilespmem:s16+$0x290]  }
0x2c4: {  	[tilespmem:s18+$0x8030] =	vst.add.f32.msk $0xffff, v7  }
0x2c5: {  	v7 =	vld [tilespmem:s15+$0xFFFFFD40]  }
0x2c6: {  	[tilespmem:s19+$0x8060] =	vst.add.f32.msk $0xffff, v8  }
0x2c7: {  	v8 =	vld [tilespmem:s14+$0xFFFFFFF0]  }
0x2c8: {  	[tilespmem:s22+$0x8010] =	vst.add.f32.msk $0xffff, v6  }
0x2c9: {  	v6 =	vld [tilespmem:s16+$0x2A0]  }
0x2ca: {  	[tilespmem:s18+$0x8040] =	vst.add.f32.msk $0xffff, v7  }
0x2cb: {  	v7 =	vld [tilespmem:s15+$0xFFFFFD50]  }
0x2cc: {  	[tilespmem:s19+$0x8070] =	vst.add.f32.msk $0xffff, v8  }
0x2cd: {  	v8 =	vld [tilespmem:s14+$0x0]  }
0x2ce: {  	[tilespmem:s22+$0x8020] =	vst.add.f32.msk $0xffff, v6  }
0x2cf: {  	v6 =	vld [tilespmem:s16+$0x2B0]  }
0x2d0: {  	[tilespmem:s18+$0x8050] =	vst.add.f32.msk $0xffff, v7  }
0x2d1: {  	v7 =	vld [tilespmem:s15+$0xFFFFFD60];
	s21 =	spop (v2sf)  }
0x2d2: {  	(v2sf) =	vpush v5, $0x3;
	[tilespmem:s21+$0x8000] =	vst.add.f32.msk $0xffff, v8  }
0x2d3: {  	v8 =	vld [tilespmem:s14+$0x10]  }
0x2d4: {  	[tilespmem:s22+$0x8030] =	vst.add.f32.msk $0xffff, v6  }
0x2d5: {  	v6 =	vld [tilespmem:s16+$0x2C0]  }
0x2d6: {  	[tilespmem:s18+$0x8060] =	vst.add.f32.msk $0xffff, v7  }
0x2d7: {  	v7 =	vld [tilespmem:s15+$0xFFFFFD70]  }
0x2d8: {  	[tilespmem:s21+$0x8010] =	vst.add.f32.msk $0xffff, v8  }
0x2d9: {  	v8 =	vld [tilespmem:s14+$0x20]  }
0x2da: {  	[tilespmem:s22+$0x8040] =	vst.add.f32.msk $0xffff, v6  }
0x2db: {  	v6 =	vld [tilespmem:s16+$0x2D0]  }
0x2dc: {  	[tilespmem:s18+$0x8070] =	vst.add.f32.msk $0xffff, v7  }
0x2dd: {  	v7 =	vld [tilespmem:s15+$0xFFFFFD80]  }
0x2de: {  	[tilespmem:s21+$0x8020] =	vst.add.f32.msk $0xffff, v8  }
0x2df: {  	v8 =	vld [tilespmem:s14+$0x30]  }
0x2e0: {  	[tilespmem:s22+$0x8050] =	vst.add.f32.msk $0xffff, v6  }
0x2e1: {  	s20 =	spop (v2sf);
	v6 =	vld [tilespmem:s16+$0x2E0]  }
0x2e2: {  	[tilespmem:s20+$0x8000] =	vst.add.f32.msk $0xffff, v7;
	(v2sf) =	vpush v2, $0xE  }
0x2e3: {  	v7 =	vld [tilespmem:s15+$0xFFFFFD90]  }
0x2e4: {  	[tilespmem:s21+$0x8030] =	vst.add.f32.msk $0xffff, v8  }
0x2e5: {  	v8 =	vld [tilespmem:s14+$0x40]  }
0x2e6: {  	[tilespmem:s22+$0x8060] =	vst.add.f32.msk $0xffff, v6  }
0x2e7: {  	v6 =	vld [tilespmem:s16+$0x2F0]  }
0x2e8: {  	[tilespmem:s20+$0x8010] =	vst.add.f32.msk $0xffff, v7  }
0x2e9: {  	v7 =	vld [tilespmem:s15+$0xFFFFFDA0]  }
0x2ea: {  	[tilespmem:s21+$0x8040] =	vst.add.f32.msk $0xffff, v8  }
0x2eb: {  	v8 =	vld [tilespmem:s14+$0x50]  }
0x2ec: {  	[tilespmem:s22+$0x8070] =	vst.add.f32.msk $0xffff, v6  }
0x2ed: {  	v6 =	vld [tilespmem:s16+$0x300]  }
0x2ee: {  	[tilespmem:s20+$0x8020] =	vst.add.f32.msk $0xffff, v7  }
0x2ef: {  	v7 =	vld [tilespmem:s15+$0xFFFFFDB0]  }
0x2f0: {  	[tilespmem:s21+$0x8050] =	vst.add.f32.msk $0xffff, v8  }
0x2f1: {  	v8 =	vld [tilespmem:s14+$0x60];
	s19 =	spop (v2sf)  }
0x2f2: {  	(v2sf) =	vpush v3, $0x9;
	[tilespmem:s19+$0x8000] =	vst.add.f32.msk $0xffff, v6  }
0x2f3: {  	v6 =	vld [tilespmem:s16+$0x310]  }
0x2f4: {  	[tilespmem:s20+$0x8030] =	vst.add.f32.msk $0xffff, v7  }
0x2f5: {  	v7 =	vld [tilespmem:s15+$0xFFFFFDC0]  }
0x2f6: {  	[tilespmem:s21+$0x8060] =	vst.add.f32.msk $0xffff, v8  }
0x2f7: {  	v8 =	vld [tilespmem:s14+$0x70]  }
0x2f8: {  	[tilespmem:s19+$0x8010] =	vst.add.f32.msk $0xffff, v6  }
0x2f9: {  	v6 =	vld [tilespmem:s16+$0x320]  }
0x2fa: {  	[tilespmem:s20+$0x8040] =	vst.add.f32.msk $0xffff, v7  }
0x2fb: {  	v7 =	vld [tilespmem:s15+$0xFFFFFDD0]  }
0x2fc: {  	[tilespmem:s21+$0x8070] =	vst.add.f32.msk $0xffff, v8  }
0x2fd: {  	v8 =	vld [tilespmem:s14+$0x80]  }
0x2fe: {  	[tilespmem:s19+$0x8020] =	vst.add.f32.msk $0xffff, v6  }
0x2ff: {  	v6 =	vld [tilespmem:s16+$0x330]  }
0x300: {  	[tilespmem:s20+$0x8050] =	vst.add.f32.msk $0xffff, v7  }
0x301: {  	v7 =	vld [tilespmem:s15+$0xFFFFFDE0];
	s18 =	spop (v2sf)  }
0x302: {  	(v2sf) =	vpush v5, $0x4;
	[tilespmem:s18+$0x8000] =	vst.add.f32.msk $0xffff, v8  }
0x303: {  	v8 =	vld [tilespmem:s14+$0x90]  }
0x304: {  	[tilespmem:s19+$0x8030] =	vst.add.f32.msk $0xffff, v6  }
0x305: {  	v6 =	vld [tilespmem:s16+$0x340]  }
0x306: {  	[tilespmem:s20+$0x8060] =	vst.add.f32.msk $0xffff, v7  }
0x307: {  	v7 =	vld [tilespmem:s15+$0xFFFFFDF0]  }
0x308: {  	[tilespmem:s18+$0x8010] =	vst.add.f32.msk $0xffff, v8  }
0x309: {  	v8 =	vld [tilespmem:s14+$0xA0]  }
0x30a: {  	[tilespmem:s19+$0x8040] =	vst.add.f32.msk $0xffff, v6  }
0x30b: {  	v6 =	vld [tilespmem:s16+$0x350]  }
0x30c: {  	[tilespmem:s20+$0x8070] =	vst.add.f32.msk $0xffff, v7  }
0x30d: {  	v7 =	vld [tilespmem:s15+$0xFFFFFE00]  }
0x30e: {  	[tilespmem:s18+$0x8020] =	vst.add.f32.msk $0xffff, v8  }
0x30f: {  	v8 =	vld [tilespmem:s14+$0xB0]  }
0x310: {  	[tilespmem:s19+$0x8050] =	vst.add.f32.msk $0xffff, v6  }
0x311: {  	s20 =	spop (v2sf);
	v6 =	vld [tilespmem:s16+$0x360]  }
0x312: {  	[tilespmem:s20+$0x8000] =	vst.add.f32.msk $0xffff, v7;
	(v2sf) =	vpush v2, $0xF;
	v2 =	vmov v3;
	v3 =	vmov v5  }
0x313: {  	v5 =	vld [tilespmem:s15+$0xFFFFFE10]  }
0x314: {  	[tilespmem:s18+$0x8030] =	vst.add.f32.msk $0xffff, v8  }
0x315: {  	v7 =	vld [tilespmem:s14+$0xC0]  }
0x316: {  	[tilespmem:s19+$0x8060] =	vst.add.f32.msk $0xffff, v6  }
0x317: {  	v6 =	vld [tilespmem:s16+$0x370]  }
0x318: {  	[tilespmem:s20+$0x8010] =	vst.add.f32.msk $0xffff, v5  }
0x319: {  	v5 =	vld [tilespmem:s15+$0xFFFFFE20]  }
0x31a: {  	[tilespmem:s18+$0x8040] =	vst.add.f32.msk $0xffff, v7  }
0x31b: {  	v7 =	vld [tilespmem:s14+$0xD0]  }
0x31c: {  	[tilespmem:s19+$0x8070] =	vst.add.f32.msk $0xffff, v6  }
0x31d: {  	v6 =	vld [tilespmem:s16+$0x380]  }
0x31e: {  	[tilespmem:s20+$0x8020] =	vst.add.f32.msk $0xffff, v5  }
0x31f: {  	v5 =	vld [tilespmem:s15+$0xFFFFFE30]  }
0x320: {  	[tilespmem:s18+$0x8050] =	vst.add.f32.msk $0xffff, v7  }
0x321: {  	v7 =	vld [tilespmem:s14+$0xE0];
	s19 =	spop (v2sf)  }
0x322: {  	(v2sf) =	vpush v2, $0xA;
	[tilespmem:s19+$0x8000] =	vst.add.f32.msk $0xffff, v6  }
0x323: {  	v6 =	vld [tilespmem:s16+$0x390]  }
0x324: {  	[tilespmem:s20+$0x8030] =	vst.add.f32.msk $0xffff, v5  }
0x325: {  	v5 =	vld [tilespmem:s15+$0xFFFFFE40]  }
0x326: {  	[tilespmem:s18+$0x8060] =	vst.add.f32.msk $0xffff, v7  }
0x327: {  	v7 =	vld [tilespmem:s14+$0xF0]  }
0x328: {  	[tilespmem:s19+$0x8010] =	vst.add.f32.msk $0xffff, v6  }
0x329: {  	v6 =	vld [tilespmem:s16+$0x3A0]  }
0x32a: {  	[tilespmem:s20+$0x8040] =	vst.add.f32.msk $0xffff, v5  }
0x32b: {  	v5 =	vld [tilespmem:s15+$0xFFFFFE50]  }
0x32c: {  	[tilespmem:s18+$0x8070] =	vst.add.f32.msk $0xffff, v7  }
0x32d: {  	v7 =	vld [tilespmem:s14+$0x100]  }
0x32e: {  	[tilespmem:s19+$0x8020] =	vst.add.f32.msk $0xffff, v6  }
0x32f: {  	v6 =	vld [tilespmem:s16+$0x3B0]  }
0x330: {  	[tilespmem:s20+$0x8050] =	vst.add.f32.msk $0xffff, v5  }
0x331: {  	v5 =	vld [tilespmem:s15+$0xFFFFFE60];
	s18 =	spop (v2sf)  }
0x332: {  	(v2sf) =	vpush v3, $0x5;
	[tilespmem:s18+$0x8000] =	vst.add.f32.msk $0xffff, v7  }
0x333: {  	v7 =	vld [tilespmem:s14+$0x110]  }
0x334: {  	[tilespmem:s19+$0x8030] =	vst.add.f32.msk $0xffff, v6  }
0x335: {  	v8 =	vld [tilespmem:s16+$0x3C0]  }
0x336: {  	[tilespmem:s20+$0x8060] =	vst.add.f32.msk $0xffff, v5  }
0x337: {  	v9 =	vld [tilespmem:s15+$0xFFFFFE70]  }
.Ltmp1:
0x338: {  	[tilespmem:s18+$0x8010] =	vst.add.f32.msk $0xffff, v7;
	(pc) =	sbr.rel @p0 .LBB2_4-.Ltmp1, $4  }
0x339: {  	v6 =	vld [tilespmem:s14+$0x120]  }
0x33a: {  	[tilespmem:s19+$0x8040] =	vst.add.f32.msk $0xffff, v8  }
0x33b: {  	v5 =	vld [tilespmem:s16+$0x3D0]  }
0x33c: {  	s17 =	sadd.s32 $0x40, s17;
	[tilespmem:s20+$0x8070] =	vst.add.f32.msk $0xffff, v9  }
0x33d: {  	v7 =	vld [tilespmem:s15+$0xFFFFFE80];
	v4 =	vsub.s32 v4, v0  }
0x33e: {  	[tilespmem:s18+$0x8020] =	vst.add.f32.msk $0xffff, v6;
	v4 =	vmin.u32 v4, $0x200  }
0x33f: {  	v6 =	vld [tilespmem:s14+$0x130];
	v4 =	vshll.u32 v4, $0x7  }
0x340: {  	[tilespmem:s19+$0x8050] =	vst.add.f32.msk $0xffff, v5;
	(v2sf) =	vpush v4, $0x0  }
0x341: {  	s17 =	spop (v2sf);
	v5 =	vld [tilespmem:s16+$0x3E0]  }
0x342: {  	[tilespmem:s17+$0x8000] =	vst.add.f32.msk $0xffff, v7  }
0x343: {  	v7 =	vld [tilespmem:s15+$0xFFFFFE90]  }
0x344: {  	[tilespmem:s18+$0x8030] =	vst.add.f32.msk $0xffff, v6  }
0x345: {  	v6 =	vld [tilespmem:s14+$0x140]  }
0x346: {  	[tilespmem:s19+$0x8060] =	vst.add.f32.msk $0xffff, v5  }
0x347: {  	v5 =	vld [tilespmem:s16+$0x3F0]  }
0x348: {  	[tilespmem:s17+$0x8010] =	vst.add.f32.msk $0xffff, v7  }
0x349: {  	s16 =	sadd.s32 $0x800, s15;
	v7 =	vld [tilespmem:s15+$0xFFFFFEA0]  }
0x34a: {  	v60 =	vld [tilespmem:s16+$0xFFFFFC00]  }
0x34b: {  	[tilespmem:s18+$0x8040] =	vst.add.f32.msk $0xffff, v6  }
0x34c: {  	v61 =	vld [tilespmem:s14+$0x150]  }
0x34d: {  	[tilespmem:s19+$0x8070] =	vst.add.f32.msk $0xffff, v5  }
0x34e: {  	[tilespmem:s17+$0x8020] =	vst.add.f32.msk $0xffff, v7  }
0x34f: {  	v7 =	vld [tilespmem:s15+$0xFFFFFEB0];
	s20 =	spop (v2sf)  }
0x350: {  	[tilespmem:s20+$0x8000] =	vst.add.f32.msk $0xffff, v60  }
0x351: {  	v6 =	vld [tilespmem:s16+$0xFFFFFC10]  }
0x352: {  	[tilespmem:s18+$0x8050] =	vst.add.f32.msk $0xffff, v61  }
0x353: {  	v5 =	vld [tilespmem:s14+$0x160]  }
0x354: {  	(v2sf) =	vpush v2, $0xB;
	[tilespmem:s17+$0x8030] =	vst.add.f32.msk $0xffff, v7  }
0x355: {  	v7 =	vld [tilespmem:s15+$0xFFFFFEC0]  }
0x356: {  	[tilespmem:s20+$0x8010] =	vst.add.f32.msk $0xffff, v6  }
0x357: {  	v6 =	vld [tilespmem:s16+$0xFFFFFC20]  }
0x358: {  	[tilespmem:s18+$0x8060] =	vst.add.f32.msk $0xffff, v5  }
0x359: {  	v5 =	vld [tilespmem:s14+$0x170]  }
0x35a: {  	[tilespmem:s17+$0x8040] =	vst.add.f32.msk $0xffff, v7  }
0x35b: {  	v7 =	vld [tilespmem:s15+$0xFFFFFED0]  }
0x35c: {  	[tilespmem:s20+$0x8020] =	vst.add.f32.msk $0xffff, v6  }
0x35d: {  	v6 =	vld [tilespmem:s16+$0xFFFFFC30]  }
0x35e: {  	[tilespmem:s18+$0x8070] =	vst.add.f32.msk $0xffff, v5  }
0x35f: {  	v5 =	vld [tilespmem:s14+$0x180]  }
0x360: {  	[tilespmem:s17+$0x8050] =	vst.add.f32.msk $0xffff, v7  }
0x361: {  	v7 =	vld [tilespmem:s15+$0xFFFFFEE0]  }
0x362: {  	(v2sf) =	vpush v3, $0x6;
	[tilespmem:s20+$0x8030] =	vst.add.f32.msk $0xffff, v6  }
0x363: {  	s21 =	spop (v2sf);
	v6 =	vld [tilespmem:s16+$0xFFFFFC40]  }
0x364: {  	[tilespmem:s21+$0x8000] =	vst.add.f32.msk $0xffff, v5  }
0x365: {  	v5 =	vld [tilespmem:s14+$0x190]  }
0x366: {  	[tilespmem:s17+$0x8060] =	vst.add.f32.msk $0xffff, v7  }
0x367: {  	v7 =	vld [tilespmem:s15+$0xFFFFFEF0]  }
0x368: {  	[tilespmem:s20+$0x8040] =	vst.add.f32.msk $0xffff, v6  }
0x369: {  	v6 =	vld [tilespmem:s16+$0xFFFFFC50]  }
0x36a: {  	[tilespmem:s21+$0x8010] =	vst.add.f32.msk $0xffff, v5  }
0x36b: {  	v5 =	vld [tilespmem:s14+$0x1A0]  }
0x36c: {  	[tilespmem:s17+$0x8070] =	vst.add.f32.msk $0xffff, v7  }
0x36d: {  	v7 =	vld [tilespmem:s15+$0xFFFFFF00]  }
0x36e: {  	[tilespmem:s20+$0x8050] =	vst.add.f32.msk $0xffff, v6  }
0x36f: {  	v6 =	vld [tilespmem:s16+$0xFFFFFC60]  }
0x370: {  	(v2sf) =	vpush v4, $0x1;
	[tilespmem:s21+$0x8020] =	vst.add.f32.msk $0xffff, v5  }
0x371: {  	s23 =	spop (v2sf);
	v5 =	vld [tilespmem:s14+$0x1B0]  }
0x372: {  	[tilespmem:s23+$0x8000] =	vst.add.f32.msk $0xffff, v7  }
0x373: {  	v7 =	vld [tilespmem:s15+$0xFFFFFF10]  }
0x374: {  	[tilespmem:s20+$0x8060] =	vst.add.f32.msk $0xffff, v6  }
0x375: {  	v6 =	vld [tilespmem:s16+$0xFFFFFC70]  }
0x376: {  	[tilespmem:s21+$0x8030] =	vst.add.f32.msk $0xffff, v5  }
0x377: {  	v5 =	vld [tilespmem:s14+$0x1C0]  }
0x378: {  	[tilespmem:s23+$0x8010] =	vst.add.f32.msk $0xffff, v7  }
0x379: {  	v7 =	vld [tilespmem:s15+$0xFFFFFF20]  }
0x37a: {  	[tilespmem:s20+$0x8070] =	vst.add.f32.msk $0xffff, v6  }
0x37b: {  	v6 =	vld [tilespmem:s16+$0xFFFFFC80]  }
0x37c: {  	[tilespmem:s21+$0x8040] =	vst.add.f32.msk $0xffff, v5  }
0x37d: {  	v5 =	vld [tilespmem:s14+$0x1D0]  }
0x37e: {  	[tilespmem:s23+$0x8020] =	vst.add.f32.msk $0xffff, v7  }
0x37f: {  	s22 =	spop (v2sf);
	v7 =	vld [tilespmem:s15+$0xFFFFFF30]  }
0x380: {  	[tilespmem:s22+$0x8000] =	vst.add.f32.msk $0xffff, v6  }
0x381: {  	v6 =	vld [tilespmem:s16+$0xFFFFFC90]  }
0x382: {  	[tilespmem:s21+$0x8050] =	vst.add.f32.msk $0xffff, v5  }
0x383: {  	v5 =	vld [tilespmem:s14+$0x1E0]  }
0x384: {  	[tilespmem:s23+$0x8030] =	vst.add.f32.msk $0xffff, v7  }
0x385: {  	v7 =	vld [tilespmem:s15+$0xFFFFFF40]  }
0x386: {  	[tilespmem:s22+$0x8010] =	vst.add.f32.msk $0xffff, v6  }
0x387: {  	v6 =	vld [tilespmem:s16+$0xFFFFFCA0]  }
0x388: {  	[tilespmem:s21+$0x8060] =	vst.add.f32.msk $0xffff, v5  }
0x389: {  	v5 =	vld [tilespmem:s14+$0x1F0]  }
0x38a: {  	[tilespmem:s23+$0x8040] =	vst.add.f32.msk $0xffff, v7  }
0x38b: {  	v7 =	vld [tilespmem:s15+$0xFFFFFF50]  }
0x38c: {  	[tilespmem:s22+$0x8020] =	vst.add.f32.msk $0xffff, v6  }
0x38d: {  	v6 =	vld [tilespmem:s16+$0xFFFFFCB0]  }
0x38e: {  	[tilespmem:s21+$0x8070] =	vst.add.f32.msk $0xffff, v5  }
0x38f: {  	v5 =	vld [tilespmem:s14+$0x200]  }
0x390: {  	(v2sf) =	vpush v2, $0xC;
	[tilespmem:s23+$0x8050] =	vst.add.f32.msk $0xffff, v7  }
0x391: {  	v7 =	vld [tilespmem:s15+$0xFFFFFF60]  }
0x392: {  	[tilespmem:s22+$0x8030] =	vst.add.f32.msk $0xffff, v6  }
0x393: {  	v6 =	vld [tilespmem:s16+$0xFFFFFCC0];
	_ =	sdelay $0x4  }
0x394: {  	[tilespmem:s22+$0x8040] =	vst.add.f32.msk $0xffff, v6  }
0x395: {  	v6 =	vld [tilespmem:s16+$0xFFFFFCD0];
	_ =	sdelay $0x4  }
0x396: {  	[tilespmem:s22+$0x8050] =	vst.add.f32.msk $0xffff, v6  }
0x397: {  	(v2sf) =	vpush v3, $0x7;
	v6 =	vld [tilespmem:s16+$0xFFFFFCE0]  }
0x398: {  	(v2sf) =	vpush v4, $0x2;
	_ =	sdelay $0x3  }
0x399: {  	[tilespmem:s22+$0x8060] =	vst.add.f32.msk $0xffff, v6  }
0x39a: {  	v6 =	vld [tilespmem:s16+$0xFFFFFCF0];
	_ =	sdelay $0x4  }
0x39b: {  	[tilespmem:s22+$0x8070] =	vst.add.f32.msk $0xffff, v6  }
0x39c: {  	v6 =	vld [tilespmem:s16+$0xFFFFFD00];
	_ =	sdelay $0x1  }
0x39d: {  	s20 =	spop (v2sf)  }
0x39e: {  	s28 =	spop (v2sf)  }
0x39f: {  	s24 =	spop (v2sf)  }
0x3a0: {  	[tilespmem:s24+$0x8000] =	vst.add.f32.msk $0xffff, v6  }
0x3a1: {  	v6 =	vld [tilespmem:s16+$0xFFFFFD10];
	_ =	sdelay $0x4  }
0x3a2: {  	[tilespmem:s24+$0x8010] =	vst.add.f32.msk $0xffff, v6  }
0x3a3: {  	v6 =	vld [tilespmem:s16+$0xFFFFFD20];
	_ =	sdelay $0x4  }
0x3a4: {  	[tilespmem:s24+$0x8020] =	vst.add.f32.msk $0xffff, v6  }
0x3a5: {  	v6 =	vld [tilespmem:s16+$0xFFFFFD30];
	_ =	sdelay $0x4  }
0x3a6: {  	[tilespmem:s24+$0x8030] =	vst.add.f32.msk $0xffff, v6  }
0x3a7: {  	v6 =	vld [tilespmem:s16+$0xFFFFFD40];
	_ =	sdelay $0x4  }
0x3a8: {  	[tilespmem:s24+$0x8040] =	vst.add.f32.msk $0xffff, v6  }
0x3a9: {  	v6 =	vld [tilespmem:s16+$0xFFFFFD50];
	_ =	sdelay $0x4  }
0x3aa: {  	(v2sf) =	vpush v2, $0xD;
	[tilespmem:s24+$0x8050] =	vst.add.f32.msk $0xffff, v6  }
0x3ab: {  	(v2sf) =	vpush v3, $0x8;
	v6 =	vld [tilespmem:s16+$0xFFFFFD60]  }
0x3ac: {  	(v2sf) =	vpush v4, $0x3;
	_ =	sdelay $0x3  }
0x3ad: {  	[tilespmem:s24+$0x8060] =	vst.add.f32.msk $0xffff, v6  }
0x3ae: {  	v6 =	vld [tilespmem:s16+$0xFFFFFD70];
	_ =	sdelay $0x4  }
0x3af: {  	[tilespmem:s24+$0x8070] =	vst.add.f32.msk $0xffff, v6  }
0x3b0: {  	v6 =	vld [tilespmem:s16+$0xFFFFFD80];
	_ =	sdelay $0x1  }
0x3b1: {  	s19 =	spop (v2sf)  }
0x3b2: {  	s22 =	spop (v2sf)  }
0x3b3: {  	s25 =	spop (v2sf)  }
0x3b4: {  	[tilespmem:s25+$0x8000] =	vst.add.f32.msk $0xffff, v6  }
0x3b5: {  	v6 =	vld [tilespmem:s16+$0xFFFFFD90];
	_ =	sdelay $0x4  }
0x3b6: {  	[tilespmem:s25+$0x8010] =	vst.add.f32.msk $0xffff, v6  }
0x3b7: {  	v6 =	vld [tilespmem:s16+$0xFFFFFDA0];
	_ =	sdelay $0x4  }
0x3b8: {  	[tilespmem:s25+$0x8020] =	vst.add.f32.msk $0xffff, v6  }
0x3b9: {  	v6 =	vld [tilespmem:s16+$0xFFFFFDB0];
	_ =	sdelay $0x4  }
0x3ba: {  	[tilespmem:s25+$0x8030] =	vst.add.f32.msk $0xffff, v6  }
0x3bb: {  	v6 =	vld [tilespmem:s16+$0xFFFFFDC0];
	_ =	sdelay $0x4  }
0x3bc: {  	[tilespmem:s25+$0x8040] =	vst.add.f32.msk $0xffff, v6  }
0x3bd: {  	v6 =	vld [tilespmem:s16+$0xFFFFFDD0];
	_ =	sdelay $0x4  }
0x3be: {  	(v2sf) =	vpush v2, $0xE;
	[tilespmem:s25+$0x8050] =	vst.add.f32.msk $0xffff, v6  }
0x3bf: {  	(v2sf) =	vpush v3, $0x9;
	v6 =	vld [tilespmem:s16+$0xFFFFFDE0]  }
0x3c0: {  	(v2sf) =	vpush v4, $0x4;
	_ =	sdelay $0x3  }
0x3c1: {  	[tilespmem:s25+$0x8060] =	vst.add.f32.msk $0xffff, v6  }
0x3c2: {  	v6 =	vld [tilespmem:s16+$0xFFFFFDF0];
	_ =	sdelay $0x4  }
0x3c3: {  	[tilespmem:s25+$0x8070] =	vst.add.f32.msk $0xffff, v6  }
0x3c4: {  	v6 =	vld [tilespmem:s16+$0xFFFFFE00];
	_ =	sdelay $0x1  }
0x3c5: {  	s18 =	spop (v2sf)  }
0x3c6: {  	s21 =	spop (v2sf)  }
0x3c7: {  	s26 =	spop (v2sf)  }
0x3c8: {  	[tilespmem:s26+$0x8000] =	vst.add.f32.msk $0xffff, v6  }
0x3c9: {  	v6 =	vld [tilespmem:s16+$0xFFFFFE10];
	_ =	sdelay $0x4  }
0x3ca: {  	[tilespmem:s26+$0x8010] =	vst.add.f32.msk $0xffff, v6  }
0x3cb: {  	v6 =	vld [tilespmem:s16+$0xFFFFFE20];
	_ =	sdelay $0x4  }
0x3cc: {  	[tilespmem:s26+$0x8020] =	vst.add.f32.msk $0xffff, v6  }
0x3cd: {  	v6 =	vld [tilespmem:s16+$0xFFFFFE30];
	_ =	sdelay $0x4  }
0x3ce: {  	[tilespmem:s26+$0x8030] =	vst.add.f32.msk $0xffff, v6  }
0x3cf: {  	v6 =	vld [tilespmem:s16+$0xFFFFFE40];
	_ =	sdelay $0x4  }
0x3d0: {  	[tilespmem:s26+$0x8040] =	vst.add.f32.msk $0xffff, v6  }
0x3d1: {  	v6 =	vld [tilespmem:s16+$0xFFFFFE50];
	_ =	sdelay $0x4  }
0x3d2: {  	(v2sf) =	vpush v2, $0xF;
	[tilespmem:s26+$0x8050] =	vst.add.f32.msk $0xffff, v6  }
0x3d3: {  	(v2sf) =	vpush v3, $0xA;
	v2 =	vld [tilespmem:s16+$0xFFFFFE60]  }
0x3d4: {  	(v2sf) =	vpush v4, $0x5;
	_ =	sdelay $0x3  }
0x3d5: {  	[tilespmem:s26+$0x8060] =	vst.add.f32.msk $0xffff, v2  }
0x3d6: {  	v2 =	vld [tilespmem:s16+$0xFFFFFE70];
	_ =	sdelay $0x4  }
0x3d7: {  	[tilespmem:s26+$0x8070] =	vst.add.f32.msk $0xffff, v2  }
0x3d8: {  	v2 =	vld [tilespmem:s16+$0xFFFFFE80];
	_ =	sdelay $0x1  }
0x3d9: {  	s17 =	spop (v2sf)  }
0x3da: {  	s26 =	spop (v2sf)  }
0x3db: {  	s24 =	spop (v2sf)  }
0x3dc: {  	[tilespmem:s24+$0x8000] =	vst.add.f32.msk $0xffff, v2  }
0x3dd: {  	v2 =	vld [tilespmem:s16+$0xFFFFFE90];
	_ =	sdelay $0x4  }
0x3de: {  	[tilespmem:s24+$0x8010] =	vst.add.f32.msk $0xffff, v2  }
0x3df: {  	v2 =	vld [tilespmem:s16+$0xFFFFFEA0];
	_ =	sdelay $0x4  }
0x3e0: {  	[tilespmem:s24+$0x8020] =	vst.add.f32.msk $0xffff, v2  }
0x3e1: {  	v2 =	vld [tilespmem:s16+$0xFFFFFEB0];
	_ =	sdelay $0x4  }
0x3e2: {  	[tilespmem:s24+$0x8030] =	vst.add.f32.msk $0xffff, v2  }
0x3e3: {  	v2 =	vld [tilespmem:s16+$0xFFFFFEC0];
	_ =	sdelay $0x4  }
0x3e4: {  	[tilespmem:s24+$0x8040] =	vst.add.f32.msk $0xffff, v2  }
0x3e5: {  	v2 =	vld [tilespmem:s16+$0xFFFFFED0];
	_ =	sdelay $0x4  }
0x3e6: {  	[tilespmem:s24+$0x8050] =	vst.add.f32.msk $0xffff, v2  }
0x3e7: {  	(v2sf) =	vpush v3, $0xB;
	v2 =	vld [tilespmem:s16+$0xFFFFFEE0]  }
0x3e8: {  	(v2sf) =	vpush v4, $0x6;
	_ =	sdelay $0x3  }
0x3e9: {  	[tilespmem:s24+$0x8060] =	vst.add.f32.msk $0xffff, v2  }
0x3ea: {  	v2 =	vld [tilespmem:s16+$0xFFFFFEF0];
	_ =	sdelay $0x4  }
0x3eb: {  	[tilespmem:s24+$0x8070] =	vst.add.f32.msk $0xffff, v2  }
0x3ec: {  	v2 =	vld [tilespmem:s16+$0xFFFFFF00];
	_ =	sdelay $0x2  }
0x3ed: {  	s25 =	spop (v2sf)  }
0x3ee: {  	s29 =	spop (v2sf)  }
0x3ef: {  	[tilespmem:s29+$0x8000] =	vst.add.f32.msk $0xffff, v2  }
0x3f0: {  	v2 =	vld [tilespmem:s16+$0xFFFFFF10];
	_ =	sdelay $0x4  }
0x3f1: {  	[tilespmem:s29+$0x8010] =	vst.add.f32.msk $0xffff, v2  }
0x3f2: {  	v2 =	vld [tilespmem:s16+$0xFFFFFF20];
	_ =	sdelay $0x4  }
0x3f3: {  	[tilespmem:s29+$0x8020] =	vst.add.f32.msk $0xffff, v2  }
0x3f4: {  	v2 =	vld [tilespmem:s16+$0xFFFFFF30];
	_ =	sdelay $0x4  }
0x3f5: {  	[tilespmem:s29+$0x8030] =	vst.add.f32.msk $0xffff, v2  }
0x3f6: {  	v2 =	vld [tilespmem:s16+$0xFFFFFF40];
	_ =	sdelay $0x4  }
0x3f7: {  	[tilespmem:s29+$0x8040] =	vst.add.f32.msk $0xffff, v2  }
0x3f8: {  	v2 =	vld [tilespmem:s16+$0xFFFFFF50];
	_ =	sdelay $0x4  }
0x3f9: {  	[tilespmem:s29+$0x8050] =	vst.add.f32.msk $0xffff, v2  }
0x3fa: {  	(v2sf) =	vpush v3, $0xC;
	v2 =	vld [tilespmem:s16+$0xFFFFFF60]  }
0x3fb: {  	(v2sf) =	vpush v4, $0x7;
	_ =	sdelay $0x1  }
0x3fc: {  	[tilespmem:s23+$0x8060] =	vst.add.f32.msk $0xffff, v7  }
0x3fd: {  	v62 =	vld [tilespmem:s15+$0xFFFFFF70]  }
0x3fe: {  	[tilespmem:s29+$0x8060] =	vst.add.f32.msk $0xffff, v2  }
0x3ff: {  	v2 =	vld [tilespmem:s16+$0xFFFFFF70];
	_ =	sdelay $0x2  }
0x400: {  	[tilespmem:s23+$0x8070] =	vst.add.f32.msk $0xffff, v62  }
0x401: {  	v6 =	vld [tilespmem:s15+$0xFFFFFF80]  }
0x402: {  	[tilespmem:s29+$0x8070] =	vst.add.f32.msk $0xffff, v2  }
0x403: {  	v2 =	vld [tilespmem:s16+$0xFFFFFF80];
	_ =	sdelay $0x2  }
0x404: {  	[tilespmem:s28+$0x8000] =	vst.add.f32.msk $0xffff, v6;
	s24 =	spop (v2sf)  }
0x405: {  	v6 =	vld [tilespmem:s15+$0xFFFFFF90];
	s30 =	spop (v2sf)  }
0x406: {  	[tilespmem:s30+$0x8000] =	vst.add.f32.msk $0xffff, v2  }
0x407: {  	v2 =	vld [tilespmem:s16+$0xFFFFFF90];
	_ =	sdelay $0x2  }
0x408: {  	[tilespmem:s28+$0x8010] =	vst.add.f32.msk $0xffff, v6  }
0x409: {  	v6 =	vld [tilespmem:s15+$0xFFFFFFA0]  }
0x40a: {  	[tilespmem:s30+$0x8010] =	vst.add.f32.msk $0xffff, v2  }
0x40b: {  	v2 =	vld [tilespmem:s16+$0xFFFFFFA0];
	_ =	sdelay $0x2  }
0x40c: {  	[tilespmem:s28+$0x8020] =	vst.add.f32.msk $0xffff, v6  }
0x40d: {  	v6 =	vld [tilespmem:s15+$0xFFFFFFB0]  }
0x40e: {  	[tilespmem:s30+$0x8020] =	vst.add.f32.msk $0xffff, v2  }
0x40f: {  	v2 =	vld [tilespmem:s16+$0xFFFFFFB0];
	_ =	sdelay $0x2  }
0x410: {  	[tilespmem:s28+$0x8030] =	vst.add.f32.msk $0xffff, v6  }
0x411: {  	v6 =	vld [tilespmem:s15+$0xFFFFFFC0]  }
0x412: {  	[tilespmem:s30+$0x8030] =	vst.add.f32.msk $0xffff, v2  }
0x413: {  	v2 =	vld [tilespmem:s16+$0xFFFFFFC0];
	_ =	sdelay $0x2  }
0x414: {  	[tilespmem:s28+$0x8040] =	vst.add.f32.msk $0xffff, v6  }
0x415: {  	v6 =	vld [tilespmem:s15+$0xFFFFFFD0]  }
0x416: {  	[tilespmem:s30+$0x8040] =	vst.add.f32.msk $0xffff, v2  }
0x417: {  	v2 =	vld [tilespmem:s16+$0xFFFFFFD0];
	_ =	sdelay $0x2  }
0x418: {  	[tilespmem:s28+$0x8050] =	vst.add.f32.msk $0xffff, v6  }
0x419: {  	v6 =	vld [tilespmem:s15+$0xFFFFFFE0]  }
0x41a: {  	[tilespmem:s30+$0x8050] =	vst.add.f32.msk $0xffff, v2  }
0x41b: {  	(v2sf) =	vpush v3, $0xD;
	v2 =	vld [tilespmem:s16+$0xFFFFFFE0]  }
0x41c: {  	(v2sf) =	vpush v4, $0x8;
	_ =	sdelay $0x1  }
0x41d: {  	[tilespmem:s28+$0x8060] =	vst.add.f32.msk $0xffff, v6  }
0x41e: {  	v6 =	vld [tilespmem:s15+$0xFFFFFFF0]  }
0x41f: {  	[tilespmem:s30+$0x8060] =	vst.add.f32.msk $0xffff, v2  }
0x420: {  	v2 =	vld [tilespmem:s16+$0xFFFFFFF0];
	_ =	sdelay $0x2  }
0x421: {  	[tilespmem:s28+$0x8070] =	vst.add.f32.msk $0xffff, v6  }
0x422: {  	v6 =	vld [tilespmem:s15+$0x0]  }
0x423: {  	[tilespmem:s30+$0x8070] =	vst.add.f32.msk $0xffff, v2  }
0x424: {  	v2 =	vld [tilespmem:s16+$0x0];
	_ =	sdelay $0x2  }
0x425: {  	[tilespmem:s22+$0x8000] =	vst.add.f32.msk $0xffff, v6;
	s23 =	spop (v2sf)  }
0x426: {  	v6 =	vld [tilespmem:s15+$0x10];
	s31 =	spop (v2sf)  }
0x427: {  	[tilespmem:s31+$0x8000] =	vst.add.f32.msk $0xffff, v2  }
0x428: {  	v2 =	vld [tilespmem:s16+$0x10];
	_ =	sdelay $0x2  }
0x429: {  	[tilespmem:s22+$0x8010] =	vst.add.f32.msk $0xffff, v6  }
0x42a: {  	v6 =	vld [tilespmem:s15+$0x20]  }
0x42b: {  	[tilespmem:s31+$0x8010] =	vst.add.f32.msk $0xffff, v2  }
0x42c: {  	v2 =	vld [tilespmem:s16+$0x20];
	_ =	sdelay $0x2  }
0x42d: {  	[tilespmem:s22+$0x8020] =	vst.add.f32.msk $0xffff, v6  }
0x42e: {  	v6 =	vld [tilespmem:s15+$0x30]  }
0x42f: {  	[tilespmem:s31+$0x8020] =	vst.add.f32.msk $0xffff, v2  }
0x430: {  	v2 =	vld [tilespmem:s16+$0x30];
	_ =	sdelay $0x2  }
0x431: {  	[tilespmem:s22+$0x8030] =	vst.add.f32.msk $0xffff, v6  }
0x432: {  	v6 =	vld [tilespmem:s15+$0x40]  }
0x433: {  	[tilespmem:s31+$0x8030] =	vst.add.f32.msk $0xffff, v2  }
0x434: {  	v2 =	vld [tilespmem:s16+$0x40];
	_ =	sdelay $0x2  }
0x435: {  	[tilespmem:s22+$0x8040] =	vst.add.f32.msk $0xffff, v6  }
0x436: {  	v6 =	vld [tilespmem:s15+$0x50]  }
0x437: {  	[tilespmem:s31+$0x8040] =	vst.add.f32.msk $0xffff, v2  }
0x438: {  	v2 =	vld [tilespmem:s16+$0x50];
	_ =	sdelay $0x2  }
0x439: {  	[tilespmem:s22+$0x8050] =	vst.add.f32.msk $0xffff, v6  }
0x43a: {  	v6 =	vld [tilespmem:s15+$0x60]  }
0x43b: {  	[tilespmem:s31+$0x8050] =	vst.add.f32.msk $0xffff, v2  }
0x43c: {  	(v2sf) =	vpush v3, $0xE;
	v2 =	vld [tilespmem:s16+$0x60]  }
0x43d: {  	(v2sf) =	vpush v4, $0x9;
	_ =	sdelay $0x1  }
0x43e: {  	[tilespmem:s22+$0x8060] =	vst.add.f32.msk $0xffff, v6  }
0x43f: {  	v6 =	vld [tilespmem:s15+$0x70]  }
0x440: {  	[tilespmem:s31+$0x8060] =	vst.add.f32.msk $0xffff, v2  }
0x441: {  	v2 =	vld [tilespmem:s16+$0x70];
	_ =	sdelay $0x2  }
0x442: {  	[tilespmem:s22+$0x8070] =	vst.add.f32.msk $0xffff, v6  }
0x443: {  	v6 =	vld [tilespmem:s15+$0x80]  }
0x444: {  	[tilespmem:s31+$0x8070] =	vst.add.f32.msk $0xffff, v2  }
0x445: {  	v2 =	vld [tilespmem:s16+$0x80];
	_ =	sdelay $0x2  }
0x446: {  	s22 =	spop (v2sf);
	[tilespmem:s21+$0x8000] =	vst.add.f32.msk $0xffff, v6  }
0x447: {  	v6 =	vld [tilespmem:s15+$0x90];
	s29 =	spop (v2sf)  }
0x448: {  	[tilespmem:s29+$0x8000] =	vst.add.f32.msk $0xffff, v2  }
0x449: {  	v2 =	vld [tilespmem:s16+$0x90];
	_ =	sdelay $0x2  }
0x44a: {  	[tilespmem:s21+$0x8010] =	vst.add.f32.msk $0xffff, v6  }
0x44b: {  	v6 =	vld [tilespmem:s15+$0xA0]  }
0x44c: {  	[tilespmem:s29+$0x8010] =	vst.add.f32.msk $0xffff, v2  }
0x44d: {  	v2 =	vld [tilespmem:s16+$0xA0];
	_ =	sdelay $0x2  }
0x44e: {  	[tilespmem:s21+$0x8020] =	vst.add.f32.msk $0xffff, v6  }
0x44f: {  	v6 =	vld [tilespmem:s15+$0xB0]  }
0x450: {  	[tilespmem:s29+$0x8020] =	vst.add.f32.msk $0xffff, v2  }
0x451: {  	v2 =	vld [tilespmem:s16+$0xB0];
	_ =	sdelay $0x2  }
0x452: {  	[tilespmem:s21+$0x8030] =	vst.add.f32.msk $0xffff, v6  }
0x453: {  	v6 =	vld [tilespmem:s15+$0xC0]  }
0x454: {  	[tilespmem:s29+$0x8030] =	vst.add.f32.msk $0xffff, v2  }
0x455: {  	v2 =	vld [tilespmem:s16+$0xC0];
	_ =	sdelay $0x2  }
0x456: {  	[tilespmem:s21+$0x8040] =	vst.add.f32.msk $0xffff, v6  }
0x457: {  	v6 =	vld [tilespmem:s15+$0xD0]  }
0x458: {  	[tilespmem:s29+$0x8040] =	vst.add.f32.msk $0xffff, v2  }
0x459: {  	v2 =	vld [tilespmem:s16+$0xD0];
	_ =	sdelay $0x2  }
0x45a: {  	[tilespmem:s21+$0x8050] =	vst.add.f32.msk $0xffff, v6  }
0x45b: {  	v6 =	vld [tilespmem:s15+$0xE0]  }
0x45c: {  	[tilespmem:s29+$0x8050] =	vst.add.f32.msk $0xffff, v2  }
0x45d: {  	(v2sf) =	vpush v3, $0xF;
	v2 =	vld [tilespmem:s16+$0xE0]  }
0x45e: {  	(v2sf) =	vpush v4, $0xA;
	_ =	sdelay $0x1  }
0x45f: {  	[tilespmem:s21+$0x8060] =	vst.add.f32.msk $0xffff, v6  }
0x460: {  	v3 =	vld [tilespmem:s15+$0xF0]  }
0x461: {  	[tilespmem:s29+$0x8060] =	vst.add.f32.msk $0xffff, v2  }
0x462: {  	v2 =	vld [tilespmem:s16+$0xF0];
	_ =	sdelay $0x2  }
0x463: {  	[tilespmem:s21+$0x8070] =	vst.add.f32.msk $0xffff, v3  }
0x464: {  	v3 =	vld [tilespmem:s15+$0x100]  }
0x465: {  	[tilespmem:s29+$0x8070] =	vst.add.f32.msk $0xffff, v2  }
0x466: {  	v2 =	vld [tilespmem:s16+$0x100];
	_ =	sdelay $0x2  }
0x467: {  	s21 =	spop (v2sf);
	[tilespmem:s26+$0x8000] =	vst.add.f32.msk $0xffff, v3  }
0x468: {  	v3 =	vld [tilespmem:s15+$0x110];
	s30 =	spop (v2sf)  }
0x469: {  	[tilespmem:s30+$0x8000] =	vst.add.f32.msk $0xffff, v2  }
0x46a: {  	v2 =	vld [tilespmem:s16+$0x110];
	_ =	sdelay $0x2  }
0x46b: {  	[tilespmem:s26+$0x8010] =	vst.add.f32.msk $0xffff, v3  }
0x46c: {  	v3 =	vld [tilespmem:s15+$0x120]  }
0x46d: {  	[tilespmem:s30+$0x8010] =	vst.add.f32.msk $0xffff, v2  }
0x46e: {  	v2 =	vld [tilespmem:s16+$0x120];
	_ =	sdelay $0x2  }
0x46f: {  	[tilespmem:s26+$0x8020] =	vst.add.f32.msk $0xffff, v3  }
0x470: {  	v3 =	vld [tilespmem:s15+$0x130]  }
0x471: {  	[tilespmem:s30+$0x8020] =	vst.add.f32.msk $0xffff, v2  }
0x472: {  	v2 =	vld [tilespmem:s16+$0x130];
	_ =	sdelay $0x2  }
0x473: {  	[tilespmem:s26+$0x8030] =	vst.add.f32.msk $0xffff, v3  }
0x474: {  	v3 =	vld [tilespmem:s15+$0x140]  }
0x475: {  	[tilespmem:s30+$0x8030] =	vst.add.f32.msk $0xffff, v2  }
0x476: {  	v2 =	vld [tilespmem:s16+$0x140];
	_ =	sdelay $0x2  }
0x477: {  	[tilespmem:s26+$0x8040] =	vst.add.f32.msk $0xffff, v3  }
0x478: {  	v3 =	vld [tilespmem:s15+$0x150]  }
0x479: {  	[tilespmem:s30+$0x8040] =	vst.add.f32.msk $0xffff, v2  }
0x47a: {  	v2 =	vld [tilespmem:s16+$0x150];
	_ =	sdelay $0x2  }
0x47b: {  	[tilespmem:s26+$0x8050] =	vst.add.f32.msk $0xffff, v3  }
0x47c: {  	v3 =	vld [tilespmem:s15+$0x160]  }
0x47d: {  	[tilespmem:s30+$0x8050] =	vst.add.f32.msk $0xffff, v2  }
0x47e: {  	v2 =	vld [tilespmem:s16+$0x160]  }
0x47f: {  	(v2sf) =	vpush v4, $0xB;
	_ =	sdelay $0x1  }
0x480: {  	[tilespmem:s26+$0x8060] =	vst.add.f32.msk $0xffff, v3  }
0x481: {  	v3 =	vld [tilespmem:s15+$0x170]  }
0x482: {  	[tilespmem:s30+$0x8060] =	vst.add.f32.msk $0xffff, v2  }
0x483: {  	v2 =	vld [tilespmem:s16+$0x170];
	_ =	sdelay $0x2  }
0x484: {  	[tilespmem:s26+$0x8070] =	vst.add.f32.msk $0xffff, v3  }
0x485: {  	v3 =	vld [tilespmem:s15+$0x180]  }
0x486: {  	[tilespmem:s30+$0x8070] =	vst.add.f32.msk $0xffff, v2  }
0x487: {  	v2 =	vld [tilespmem:s16+$0x180];
	_ =	sdelay $0x2  }
0x488: {  	[tilespmem:s25+$0x8000] =	vst.add.f32.msk $0xffff, v3  }
0x489: {  	v3 =	vld [tilespmem:s15+$0x190];
	s31 =	spop (v2sf)  }
0x48a: {  	[tilespmem:s31+$0x8000] =	vst.add.f32.msk $0xffff, v2  }
0x48b: {  	v2 =	vld [tilespmem:s16+$0x190];
	_ =	sdelay $0x2  }
0x48c: {  	[tilespmem:s25+$0x8010] =	vst.add.f32.msk $0xffff, v3  }
0x48d: {  	v3 =	vld [tilespmem:s15+$0x1A0]  }
0x48e: {  	[tilespmem:s31+$0x8010] =	vst.add.f32.msk $0xffff, v2  }
0x48f: {  	v2 =	vld [tilespmem:s16+$0x1A0];
	_ =	sdelay $0x2  }
0x490: {  	[tilespmem:s25+$0x8020] =	vst.add.f32.msk $0xffff, v3  }
0x491: {  	v3 =	vld [tilespmem:s15+$0x1B0]  }
0x492: {  	[tilespmem:s31+$0x8020] =	vst.add.f32.msk $0xffff, v2  }
0x493: {  	v2 =	vld [tilespmem:s16+$0x1B0];
	_ =	sdelay $0x2  }
0x494: {  	[tilespmem:s25+$0x8030] =	vst.add.f32.msk $0xffff, v3  }
0x495: {  	v3 =	vld [tilespmem:s15+$0x1C0]  }
0x496: {  	[tilespmem:s31+$0x8030] =	vst.add.f32.msk $0xffff, v2  }
0x497: {  	v2 =	vld [tilespmem:s16+$0x1C0];
	_ =	sdelay $0x2  }
0x498: {  	[tilespmem:s25+$0x8040] =	vst.add.f32.msk $0xffff, v3  }
0x499: {  	v3 =	vld [tilespmem:s15+$0x1D0]  }
0x49a: {  	[tilespmem:s31+$0x8040] =	vst.add.f32.msk $0xffff, v2  }
0x49b: {  	v2 =	vld [tilespmem:s16+$0x1D0];
	_ =	sdelay $0x2  }
0x49c: {  	[tilespmem:s25+$0x8050] =	vst.add.f32.msk $0xffff, v3  }
0x49d: {  	v3 =	vld [tilespmem:s15+$0x1E0]  }
0x49e: {  	[tilespmem:s31+$0x8050] =	vst.add.f32.msk $0xffff, v2  }
0x49f: {  	v2 =	vld [tilespmem:s16+$0x1E0]  }
0x4a0: {  	(v2sf) =	vpush v4, $0xC;
	_ =	sdelay $0x1  }
0x4a1: {  	[tilespmem:s25+$0x8060] =	vst.add.f32.msk $0xffff, v3  }
0x4a2: {  	v3 =	vld [tilespmem:s15+$0x1F0]  }
0x4a3: {  	[tilespmem:s31+$0x8060] =	vst.add.f32.msk $0xffff, v2  }
0x4a4: {  	v2 =	vld [tilespmem:s16+$0x1F0];
	_ =	sdelay $0x2  }
0x4a5: {  	[tilespmem:s25+$0x8070] =	vst.add.f32.msk $0xffff, v3  }
0x4a6: {  	v3 =	vld [tilespmem:s15+$0x200]  }
0x4a7: {  	[tilespmem:s31+$0x8070] =	vst.add.f32.msk $0xffff, v2  }
0x4a8: {  	v2 =	vld [tilespmem:s16+$0x200]  }
0x4a9: {  	[tilespmem:s20+$0x8000] =	vst.add.f32.msk $0xffff, v5  }
0x4aa: {  	v5 =	vld [tilespmem:s14+$0x210]  }
0x4ab: {  	[tilespmem:s24+$0x8000] =	vst.add.f32.msk $0xffff, v3  }
0x4ac: {  	s28 =	spop (v2sf);
	v3 =	vld [tilespmem:s15+$0x210]  }
0x4ad: {  	[tilespmem:s28+$0x8000] =	vst.add.f32.msk $0xffff, v2  }
0x4ae: {  	v2 =	vld [tilespmem:s16+$0x210]  }
0x4af: {  	[tilespmem:s20+$0x8010] =	vst.add.f32.msk $0xffff, v5  }
0x4b0: {  	v5 =	vld [tilespmem:s14+$0x220]  }
0x4b1: {  	[tilespmem:s24+$0x8010] =	vst.add.f32.msk $0xffff, v3  }
0x4b2: {  	v3 =	vld [tilespmem:s15+$0x220]  }
0x4b3: {  	[tilespmem:s28+$0x8010] =	vst.add.f32.msk $0xffff, v2  }
0x4b4: {  	v2 =	vld [tilespmem:s16+$0x220]  }
0x4b5: {  	[tilespmem:s20+$0x8020] =	vst.add.f32.msk $0xffff, v5  }
0x4b6: {  	v5 =	vld [tilespmem:s14+$0x230]  }
0x4b7: {  	[tilespmem:s24+$0x8020] =	vst.add.f32.msk $0xffff, v3  }
0x4b8: {  	v3 =	vld [tilespmem:s15+$0x230]  }
0x4b9: {  	[tilespmem:s28+$0x8020] =	vst.add.f32.msk $0xffff, v2  }
0x4ba: {  	v2 =	vld [tilespmem:s16+$0x230]  }
0x4bb: {  	[tilespmem:s20+$0x8030] =	vst.add.f32.msk $0xffff, v5  }
0x4bc: {  	v5 =	vld [tilespmem:s14+$0x240]  }
0x4bd: {  	[tilespmem:s24+$0x8030] =	vst.add.f32.msk $0xffff, v3  }
0x4be: {  	v3 =	vld [tilespmem:s15+$0x240]  }
0x4bf: {  	[tilespmem:s28+$0x8030] =	vst.add.f32.msk $0xffff, v2  }
0x4c0: {  	v2 =	vld [tilespmem:s16+$0x240]  }
0x4c1: {  	[tilespmem:s20+$0x8040] =	vst.add.f32.msk $0xffff, v5  }
0x4c2: {  	v5 =	vld [tilespmem:s14+$0x250]  }
0x4c3: {  	[tilespmem:s24+$0x8040] =	vst.add.f32.msk $0xffff, v3  }
0x4c4: {  	v3 =	vld [tilespmem:s15+$0x250]  }
0x4c5: {  	[tilespmem:s28+$0x8040] =	vst.add.f32.msk $0xffff, v2  }
0x4c6: {  	v2 =	vld [tilespmem:s16+$0x250]  }
0x4c7: {  	[tilespmem:s20+$0x8050] =	vst.add.f32.msk $0xffff, v5  }
0x4c8: {  	v5 =	vld [tilespmem:s14+$0x260]  }
0x4c9: {  	[tilespmem:s24+$0x8050] =	vst.add.f32.msk $0xffff, v3  }
0x4ca: {  	v3 =	vld [tilespmem:s15+$0x260]  }
0x4cb: {  	[tilespmem:s28+$0x8050] =	vst.add.f32.msk $0xffff, v2  }
0x4cc: {  	v2 =	vld [tilespmem:s16+$0x260]  }
0x4cd: {  	[tilespmem:s20+$0x8060] =	vst.add.f32.msk $0xffff, v5;
	(v2sf) =	vpush v4, $0xD  }
0x4ce: {  	v5 =	vld [tilespmem:s14+$0x270]  }
0x4cf: {  	[tilespmem:s24+$0x8060] =	vst.add.f32.msk $0xffff, v3  }
0x4d0: {  	v3 =	vld [tilespmem:s15+$0x270]  }
0x4d1: {  	[tilespmem:s28+$0x8060] =	vst.add.f32.msk $0xffff, v2  }
0x4d2: {  	v2 =	vld [tilespmem:s16+$0x270]  }
0x4d3: {  	[tilespmem:s20+$0x8070] =	vst.add.f32.msk $0xffff, v5  }
0x4d4: {  	v5 =	vld [tilespmem:s14+$0x280]  }
0x4d5: {  	[tilespmem:s24+$0x8070] =	vst.add.f32.msk $0xffff, v3  }
0x4d6: {  	v3 =	vld [tilespmem:s15+$0x280]  }
0x4d7: {  	[tilespmem:s28+$0x8070] =	vst.add.f32.msk $0xffff, v2  }
0x4d8: {  	v2 =	vld [tilespmem:s16+$0x280]  }
0x4d9: {  	[tilespmem:s19+$0x8000] =	vst.add.f32.msk $0xffff, v5  }
0x4da: {  	v5 =	vld [tilespmem:s14+$0x290]  }
0x4db: {  	[tilespmem:s23+$0x8000] =	vst.add.f32.msk $0xffff, v3  }
0x4dc: {  	s29 =	spop (v2sf);
	v3 =	vld [tilespmem:s15+$0x290]  }
0x4dd: {  	[tilespmem:s29+$0x8000] =	vst.add.f32.msk $0xffff, v2  }
0x4de: {  	v2 =	vld [tilespmem:s16+$0x290]  }
0x4df: {  	[tilespmem:s19+$0x8010] =	vst.add.f32.msk $0xffff, v5  }
0x4e0: {  	v5 =	vld [tilespmem:s14+$0x2A0]  }
0x4e1: {  	[tilespmem:s23+$0x8010] =	vst.add.f32.msk $0xffff, v3  }
0x4e2: {  	v3 =	vld [tilespmem:s15+$0x2A0]  }
0x4e3: {  	[tilespmem:s29+$0x8010] =	vst.add.f32.msk $0xffff, v2  }
0x4e4: {  	v2 =	vld [tilespmem:s16+$0x2A0]  }
0x4e5: {  	[tilespmem:s19+$0x8020] =	vst.add.f32.msk $0xffff, v5  }
0x4e6: {  	v5 =	vld [tilespmem:s14+$0x2B0]  }
0x4e7: {  	[tilespmem:s23+$0x8020] =	vst.add.f32.msk $0xffff, v3  }
0x4e8: {  	v3 =	vld [tilespmem:s15+$0x2B0]  }
0x4e9: {  	[tilespmem:s29+$0x8020] =	vst.add.f32.msk $0xffff, v2  }
0x4ea: {  	v2 =	vld [tilespmem:s16+$0x2B0]  }
0x4eb: {  	[tilespmem:s19+$0x8030] =	vst.add.f32.msk $0xffff, v5  }
0x4ec: {  	v5 =	vld [tilespmem:s14+$0x2C0]  }
0x4ed: {  	[tilespmem:s23+$0x8030] =	vst.add.f32.msk $0xffff, v3  }
0x4ee: {  	v3 =	vld [tilespmem:s15+$0x2C0]  }
0x4ef: {  	[tilespmem:s29+$0x8030] =	vst.add.f32.msk $0xffff, v2  }
0x4f0: {  	v2 =	vld [tilespmem:s16+$0x2C0]  }
0x4f1: {  	[tilespmem:s19+$0x8040] =	vst.add.f32.msk $0xffff, v5  }
0x4f2: {  	v5 =	vld [tilespmem:s14+$0x2D0]  }
0x4f3: {  	[tilespmem:s23+$0x8040] =	vst.add.f32.msk $0xffff, v3  }
0x4f4: {  	v3 =	vld [tilespmem:s15+$0x2D0]  }
0x4f5: {  	[tilespmem:s29+$0x8040] =	vst.add.f32.msk $0xffff, v2  }
0x4f6: {  	v2 =	vld [tilespmem:s16+$0x2D0]  }
0x4f7: {  	[tilespmem:s19+$0x8050] =	vst.add.f32.msk $0xffff, v5  }
0x4f8: {  	v5 =	vld [tilespmem:s14+$0x2E0]  }
0x4f9: {  	[tilespmem:s23+$0x8050] =	vst.add.f32.msk $0xffff, v3  }
0x4fa: {  	v3 =	vld [tilespmem:s15+$0x2E0]  }
0x4fb: {  	[tilespmem:s29+$0x8050] =	vst.add.f32.msk $0xffff, v2  }
0x4fc: {  	v2 =	vld [tilespmem:s16+$0x2E0]  }
0x4fd: {  	[tilespmem:s19+$0x8060] =	vst.add.f32.msk $0xffff, v5;
	(v2sf) =	vpush v4, $0xE  }
0x4fe: {  	v5 =	vld [tilespmem:s14+$0x2F0]  }
0x4ff: {  	[tilespmem:s23+$0x8060] =	vst.add.f32.msk $0xffff, v3  }
0x500: {  	v3 =	vld [tilespmem:s15+$0x2F0]  }
0x501: {  	[tilespmem:s29+$0x8060] =	vst.add.f32.msk $0xffff, v2  }
0x502: {  	v2 =	vld [tilespmem:s16+$0x2F0]  }
0x503: {  	[tilespmem:s19+$0x8070] =	vst.add.f32.msk $0xffff, v5  }
0x504: {  	v5 =	vld [tilespmem:s14+$0x300]  }
0x505: {  	[tilespmem:s23+$0x8070] =	vst.add.f32.msk $0xffff, v3  }
0x506: {  	v3 =	vld [tilespmem:s15+$0x300]  }
0x507: {  	[tilespmem:s29+$0x8070] =	vst.add.f32.msk $0xffff, v2  }
0x508: {  	v2 =	vld [tilespmem:s16+$0x300]  }
0x509: {  	[tilespmem:s18+$0x8000] =	vst.add.f32.msk $0xffff, v5  }
0x50a: {  	v5 =	vld [tilespmem:s14+$0x310]  }
0x50b: {  	[tilespmem:s22+$0x8000] =	vst.add.f32.msk $0xffff, v3  }
0x50c: {  	s30 =	spop (v2sf);
	v3 =	vld [tilespmem:s15+$0x310]  }
0x50d: {  	[tilespmem:s30+$0x8000] =	vst.add.f32.msk $0xffff, v2  }
0x50e: {  	v2 =	vld [tilespmem:s16+$0x310]  }
0x50f: {  	[tilespmem:s18+$0x8010] =	vst.add.f32.msk $0xffff, v5  }
0x510: {  	v5 =	vld [tilespmem:s14+$0x320]  }
0x511: {  	[tilespmem:s22+$0x8010] =	vst.add.f32.msk $0xffff, v3  }
0x512: {  	v3 =	vld [tilespmem:s15+$0x320]  }
0x513: {  	[tilespmem:s30+$0x8010] =	vst.add.f32.msk $0xffff, v2  }
0x514: {  	v2 =	vld [tilespmem:s16+$0x320]  }
0x515: {  	[tilespmem:s18+$0x8020] =	vst.add.f32.msk $0xffff, v5  }
0x516: {  	v5 =	vld [tilespmem:s14+$0x330]  }
0x517: {  	[tilespmem:s22+$0x8020] =	vst.add.f32.msk $0xffff, v3  }
0x518: {  	v3 =	vld [tilespmem:s15+$0x330]  }
0x519: {  	[tilespmem:s30+$0x8020] =	vst.add.f32.msk $0xffff, v2  }
0x51a: {  	v2 =	vld [tilespmem:s16+$0x330]  }
0x51b: {  	[tilespmem:s18+$0x8030] =	vst.add.f32.msk $0xffff, v5  }
0x51c: {  	v5 =	vld [tilespmem:s14+$0x340]  }
0x51d: {  	[tilespmem:s22+$0x8030] =	vst.add.f32.msk $0xffff, v3  }
0x51e: {  	v3 =	vld [tilespmem:s15+$0x340]  }
0x51f: {  	[tilespmem:s30+$0x8030] =	vst.add.f32.msk $0xffff, v2  }
0x520: {  	v2 =	vld [tilespmem:s16+$0x340]  }
0x521: {  	[tilespmem:s18+$0x8040] =	vst.add.f32.msk $0xffff, v5  }
0x522: {  	v5 =	vld [tilespmem:s14+$0x350]  }
0x523: {  	[tilespmem:s22+$0x8040] =	vst.add.f32.msk $0xffff, v3  }
0x524: {  	v3 =	vld [tilespmem:s15+$0x350]  }
0x525: {  	[tilespmem:s30+$0x8040] =	vst.add.f32.msk $0xffff, v2  }
0x526: {  	v2 =	vld [tilespmem:s16+$0x350]  }
0x527: {  	[tilespmem:s18+$0x8050] =	vst.add.f32.msk $0xffff, v5  }
0x528: {  	v5 =	vld [tilespmem:s14+$0x360]  }
0x529: {  	[tilespmem:s22+$0x8050] =	vst.add.f32.msk $0xffff, v3  }
0x52a: {  	v3 =	vld [tilespmem:s15+$0x360]  }
0x52b: {  	[tilespmem:s30+$0x8050] =	vst.add.f32.msk $0xffff, v2  }
0x52c: {  	v2 =	vld [tilespmem:s16+$0x360]  }
0x52d: {  	[tilespmem:s18+$0x8060] =	vst.add.f32.msk $0xffff, v5;
	(v2sf) =	vpush v4, $0xF  }
0x52e: {  	v63 =	vld [tilespmem:s14+$0x370]  }
0x52f: {  	[tilespmem:s22+$0x8060] =	vst.add.f32.msk $0xffff, v3  }
0x530: {  	v3 =	vld [tilespmem:s15+$0x370]  }
0x531: {  	[tilespmem:s30+$0x8060] =	vst.add.f32.msk $0xffff, v2  }
0x532: {  	v2 =	vld [tilespmem:s16+$0x370]  }
0x533: {  	[tilespmem:s18+$0x8070] =	vst.add.f32.msk $0xffff, v63  }
0x534: {  	v4 =	vld [tilespmem:s14+$0x380]  }
0x535: {  	[tilespmem:s22+$0x8070] =	vst.add.f32.msk $0xffff, v3  }
0x536: {  	v3 =	vld [tilespmem:s15+$0x380]  }
0x537: {  	[tilespmem:s30+$0x8070] =	vst.add.f32.msk $0xffff, v2  }
0x538: {  	v2 =	vld [tilespmem:s16+$0x380]  }
0x539: {  	[tilespmem:s17+$0x8000] =	vst.add.f32.msk $0xffff, v4  }
0x53a: {  	v4 =	vld [tilespmem:s14+$0x390]  }
0x53b: {  	[tilespmem:s21+$0x8000] =	vst.add.f32.msk $0xffff, v3  }
0x53c: {  	s31 =	spop (v2sf);
	v3 =	vld [tilespmem:s15+$0x390]  }
0x53d: {  	[tilespmem:s31+$0x8000] =	vst.add.f32.msk $0xffff, v2  }
0x53e: {  	v2 =	vld [tilespmem:s16+$0x390]  }
0x53f: {  	[tilespmem:s17+$0x8010] =	vst.add.f32.msk $0xffff, v4  }
0x540: {  	v4 =	vld [tilespmem:s14+$0x3A0]  }
0x541: {  	[tilespmem:s21+$0x8010] =	vst.add.f32.msk $0xffff, v3  }
0x542: {  	v3 =	vld [tilespmem:s15+$0x3A0]  }
0x543: {  	[tilespmem:s31+$0x8010] =	vst.add.f32.msk $0xffff, v2  }
0x544: {  	v2 =	vld [tilespmem:s16+$0x3A0]  }
0x545: {  	[tilespmem:s17+$0x8020] =	vst.add.f32.msk $0xffff, v4  }
0x546: {  	v4 =	vld [tilespmem:s14+$0x3B0]  }
0x547: {  	[tilespmem:s21+$0x8020] =	vst.add.f32.msk $0xffff, v3  }
0x548: {  	v3 =	vld [tilespmem:s15+$0x3B0]  }
0x549: {  	[tilespmem:s31+$0x8020] =	vst.add.f32.msk $0xffff, v2  }
0x54a: {  	v2 =	vld [tilespmem:s16+$0x3B0]  }
0x54b: {  	[tilespmem:s17+$0x8030] =	vst.add.f32.msk $0xffff, v4  }
0x54c: {  	v4 =	vld [tilespmem:s14+$0x3C0]  }
0x54d: {  	[tilespmem:s21+$0x8030] =	vst.add.f32.msk $0xffff, v3  }
0x54e: {  	v3 =	vld [tilespmem:s15+$0x3C0]  }
0x54f: {  	[tilespmem:s31+$0x8030] =	vst.add.f32.msk $0xffff, v2  }
0x550: {  	v2 =	vld [tilespmem:s16+$0x3C0]  }
0x551: {  	[tilespmem:s17+$0x8040] =	vst.add.f32.msk $0xffff, v4  }
0x552: {  	v4 =	vld [tilespmem:s14+$0x3D0]  }
0x553: {  	[tilespmem:s21+$0x8040] =	vst.add.f32.msk $0xffff, v3  }
0x554: {  	v3 =	vld [tilespmem:s15+$0x3D0]  }
0x555: {  	[tilespmem:s31+$0x8040] =	vst.add.f32.msk $0xffff, v2  }
0x556: {  	v2 =	vld [tilespmem:s16+$0x3D0]  }
0x557: {  	[tilespmem:s17+$0x8050] =	vst.add.f32.msk $0xffff, v4  }
0x558: {  	v4 =	vld [tilespmem:s14+$0x3E0]  }
0x559: {  	[tilespmem:s21+$0x8050] =	vst.add.f32.msk $0xffff, v3  }
0x55a: {  	v3 =	vld [tilespmem:s15+$0x3E0]  }
0x55b: {  	[tilespmem:s31+$0x8050] =	vst.add.f32.msk $0xffff, v2  }
0x55c: {  	v2 =	vld [tilespmem:s16+$0x3E0]  }
0x55d: {  	[tilespmem:s17+$0x8060] =	vst.add.f32.msk $0xffff, v4  }
0x55e: {  	v4 =	vld [tilespmem:s14+$0x3F0]  }
0x55f: {  	[tilespmem:s21+$0x8060] =	vst.add.f32.msk $0xffff, v3  }
0x560: {  	v3 =	vld [tilespmem:s15+$0x3F0]  }
0x561: {  	[tilespmem:s31+$0x8060] =	vst.add.f32.msk $0xffff, v2  }
0x562: {  	v2 =	vld [tilespmem:s16+$0x3F0];
	_ =	sdelay $0x2  }
0x563: {  	s13 =	sadd.s32 $0x1, s13;
	[tilespmem:s17+$0x8070] =	vst.add.f32.msk $0xffff, v4  }
0x564: {  	p0 =	sne.s32 s13, s6;
	[tilespmem:s21+$0x8070] =	vst.add.f32.msk $0xffff, v3  }
.Ltmp2:
0x565: {  	[tilespmem:s31+$0x8070] =	vst.add.f32.msk $0xffff, v2;
	(pc) =	sbr.rel @p0 .LBB2_1-.Ltmp2, $4  }
0x566: {  	[hbm4b:s5+s7] =	stream.strided.scatter [tilespmem:s12], [sflag:$0x2], $0x10000, s8, s7, $0x38;
	[tilespmem:$0x18500] =	vst v63  }
0x567: {  	_ =	swait.ge [sflag:s10], $0x10000  }
0x568: {  	[sflag:s10] =	ssyncset.done $0x0  }
0x569: {  	[sflag:s10] =	ssyncadd.s32 $0xFFFF0000  }
0x56a: {  	_ =	sfence.sel $0x180000  }
0x56b: {  	[bflag:$0x0] =	sbarrier.arrive $0xFFFF  }
0x56c: {  	p0 =	sne.s32 s0, $0x0;
	_ =	strace $0x90000047  }
0x56d: {  	s0 =	sadd.s32 @!p0 $0x100000, s1;
	[bflag:$0x2] =	sbarrier.arrive $0xFFFF  }
0x56e: {  	[sflag:s0] =	ssyncadd.tile.s32 @!p0 $0x1;
	_ =	shalt  }
.Lfunc_end2:
_tile_overlayer_lowered:
.L_overlay_start_2:
0x56f: {  	(tag) =	ssettag $0x2  }
0x570: {  	s0 =	rddreg [dreg:$0x0];
	s2 =	stileid.u32  }
0x571: {  	s1 =	rddreg [dreg:$0x1];
	p0 =	sne.s32 s2, $0x0  }
0x572: {  	s3 =	rddreg [dreg:$0x2];
	[bflag:$0x3] =	sbarrier.arrive $0xFFFF;
	s2 =	simm.s32 @!p0 $0x1C02  }
0x573: {  	[timem:s3], [sflag:s2] =	dma.local @!p0 [hbm:s0], s1  }
0x574: {  	s0 =	simm.s32 @!p0 $0x2  }
0x575: {  	_ =	swait.ge @!p0 [sflag:s0], s1  }
0x576: {  	s1 =	ssub.s32 @!p0 $0x0, s1;
	[sflag:s0] =	ssyncset.done @!p0 $0x0  }
0x577: {  	[sflag:s0] =	ssyncadd.s32 @!p0 s1  }
0x578: {  	[bflag:$0x3] =	sbarrier.arrive $0xFFFF  }
0x579: {  	_ =	shalt  }

</sc_bundles>
